<compile_context>
chip_gen: v7x
topology: tpu7x:2x2x1
jax: 0.10.2.dev20260603
libtpu: 0.0.44.dev20260713+nightly
codegen_flags: <defaults>
</compile_context>

<pallas_src>
import jax
import jax.numpy as jnp
from jax import lax
from jax.experimental import pallas as pl
from jax.experimental.pallas import tpu as pltpu
from jax.experimental.pallas import tpu_sc as plsc

F = 26
D = 16
B = 16384
FIELD = 40000
V = F * FIELD
NC, NS = 2, 16
NW = NC * NS
BPW = B // NW
CH = 64
NCH = BPW // CH
RPC = CH * F
JPC = RPC // 128
NIDXROW = BPW * F // 128

NTILE = V // 128
UPW = 128
NBUF = 4


def _tr_body(x4_hbm, out_hbm, in0, in1, in2, in3, ot0, ot1, ot2, ot3,
             si0, si1, si2, si3, so0, so1, so2, so3):
    wid = lax.axis_index("s") * NC + lax.axis_index("c")
    ins = (in0, in1, in2, in3)
    ots = (ot0, ot1, ot2, ot3)
    sis = (si0, si1, si2, si3)
    sos = (so0, so1, so2, so3)
    io = lax.iota(jnp.int32, 16)
    io_hi = io // 8
    io_lo = io % 8

    def t0_of(k):
        return jnp.minimum((wid * UPW + k) * 2, NTILE - 2)

    def fire_in(k, b):
        t0 = t0_of(k)
        for dh in range(2):
            pltpu.async_copy(
                x4_hbm.at[dh, pl.ds(t0, 2)], ins[b].at[dh], sis[b])

    def wait_in(b):
        pltpu.make_async_copy(
            x4_hbm.at[0, pl.ds(0, 2)], ins[b].at[0], sis[b]).wait()
        pltpu.make_async_copy(
            x4_hbm.at[0, pl.ds(0, 2)], ins[b].at[1], sis[b]).wait()

    def wait_out(b):
        pltpu.make_async_copy(
            out_hbm.at[pl.ds(0, 256)], ots[b], sos[b]).wait()

    def compute_and_out(k, b):
        def col(i, carry):
            for u in range(4):
                c = i * 4 + u
                cols = (io + c) & 127
                for j in range(2):
                    v = plsc.load_gather(
                        ins[b], [io_hi, jnp.full((16,), j, jnp.int32),
                                 io_lo, cols])
                    plsc.store_scatter(ots[b], [cols + j * 128, io], v)
            return carry

        lax.fori_loop(0, 32, col, 0)
        pltpu.async_copy(ots[b], out_hbm.at[pl.ds(t0_of(k) * 128, 256)],
                         sos[b])

    for b in range(NBUF):
        fire_in(b, b)
    for b in range(NBUF):
        wait_in(b)
        compute_and_out(b, b)
        fire_in(NBUF + b, b)

    def ring(kt, carry):
        k = kt * NBUF
        for j in range(NBUF):
            wait_in(j)
            wait_out(j)
            compute_and_out(k + j, j)

            @pl.when(k + j + NBUF < UPW)
            def _():
                fire_in(k + j + NBUF, j)
        return carry

    lax.fori_loop(1, UPW // NBUF, ring, 0)
    for b in range(NBUF):
        wait_out(b)


@jax.jit
def _tr_call(x4):
    mesh = plsc.VectorSubcoreMesh(
        core_axis_name="c", subcore_axis_name="s",
        num_cores=NC, num_subcores=NS)
    run = pl.kernel(
        _tr_body,
        out_type=jax.ShapeDtypeStruct((V, D), jnp.float32),
        mesh=mesh,
        compiler_params=pltpu.CompilerParams(
            needs_layout_passes=False, use_tc_tiling_on_sc=False),
        scratch_types=(
            [pltpu.VMEM((2, 2, 8, 128), jnp.float32)] * NBUF
            + [pltpu.VMEM((256, D), jnp.float32)] * NBUF
            + [pltpu.SemaphoreType.DMA] * (2 * NBUF)
        ),
    )
    return run(x4)


def _fm_body(idx_hbm, wlin_hbm, wfm_hbm, out_hbm,
             idx_v, lin_v, rows_v, rvec_v, out_v, sem0, sem1):
    cid = lax.axis_index("c")
    sid = lax.axis_index("s")
    wid = sid * NC + cid
    base = wid * BPW
    sems = (sem0, sem1)

    io = lax.iota(jnp.int32, 16)
    io16 = io * 16
    io26 = io * 26

    def stage_idx(c, buf):
        pltpu.sync_copy(idx_hbm.at[wid].at[pl.ds(c * JPC, JPC)],
                        idx_v.at[buf])

    def fire(c, buf):
        for j in range(JPC):
            idx_row = idx_v.at[buf, j]
            pltpu.async_copy(
                wfm_hbm.at[idx_row],
                rows_v.at[buf].at[pl.ds(j * 128, 128)],
                sems[buf])
            pltpu.async_copy(
                wlin_hbm.at[idx_row],
                lin_v.at[buf].at[pl.ds(j * 128, 128)],
                sems[buf])

    def drain(buf):
        pltpu.make_async_copy(
            wfm_hbm.at[pl.ds(0, RPC)], rows_v.at[buf], sems[buf]).wait()
        pltpu.make_async_copy(
            wlin_hbm.at[pl.ds(0, RPC)], lin_v.at[buf], sems[buf]).wait()

    def compute(c, buf):
        rows2 = rows_v.at[buf]
        for g in range(CH // 16):
            def sample_body(i, carry, _g=g):
                r0 = (_g * 16 + i) * F
                vs = [None, None, None, None]
                qs = [None, None, None, None]
                for f in range(F):
                    v = rows2[r0 + f, :]
                    a = f % 4
                    vs[a] = v if vs[a] is None else vs[a] + v
                    qs[a] = v * v if qs[a] is None else qs[a] + v * v
                s = (vs[0] + vs[1]) + (vs[2] + vs[3])
                q = (qs[0] + qs[1]) + (qs[2] + qs[3])
                rvec_v[pl.ds(i * 16, 16)] = s * s - q
                return carry

            lax.fori_loop(0, 16, sample_body, 0)

            fm0 = plsc.load_gather(rvec_v, [io16 + (io & 15)])
            fm1 = plsc.load_gather(rvec_v, [io16 + ((io + 1) & 15)])
            for dd in range(2, D, 2):
                fm0 = fm0 + plsc.load_gather(rvec_v, [io16 + ((io + dd) & 15)])
                fm1 = fm1 + plsc.load_gather(
                    rvec_v, [io16 + ((io + dd + 1) & 15)])
            fm = fm0 + fm1

            lv = lin_v.at[buf]
            li = io26 + g * 16 * F
            ln0 = plsc.load_gather(lv, [li])
            ln1 = plsc.load_gather(lv, [li + 1])
            for f in range(2, F, 2):
                ln0 = ln0 + plsc.load_gather(lv, [li + f])
                ln1 = ln1 + plsc.load_gather(lv, [li + f + 1])
            z = fm + (ln0 + ln1)

            y = 1.0 / (1.0 + jnp.exp(-z))
            out_v[pl.ds(c * CH + g * 16, 16)] = y

    stage_idx(0, 0)
    fire(0, 0)

    def outer(cp, carry):
        a = cp * 2
        stage_idx(a + 1, 1)
        fire(a + 1, 1)
        drain(0)
        compute(a, 0)

        @pl.when(a + 2 < NCH)
        def _():
            stage_idx(a + 2, 0)
            fire(a + 2, 0)

        drain(1)
        compute(a + 1, 1)
        return carry

    lax.fori_loop(0, NCH // 2, outer, 0)

    pltpu.sync_copy(out_v, out_hbm.at[pl.ds(base, BPW)])


@jax.jit
def _fm_call(idx, wlin, wfm):
    mesh = plsc.VectorSubcoreMesh(
        core_axis_name="c", subcore_axis_name="s",
        num_cores=NC, num_subcores=NS)
    run = pl.kernel(
        _fm_body,
        out_type=jax.ShapeDtypeStruct((B,), jnp.float32),
        mesh=mesh,
        compiler_params=pltpu.CompilerParams(
            needs_layout_passes=False, use_tc_tiling_on_sc=False),
        scratch_types=[
            pltpu.VMEM((2, JPC, 128), jnp.int32),
            pltpu.VMEM((2, RPC), jnp.float32),
            pltpu.VMEM((2, RPC, D), jnp.float32),
            pltpu.VMEM((256,), jnp.float32),
            pltpu.VMEM((BPW,), jnp.float32),
            pltpu.SemaphoreType.DMA,
            pltpu.SemaphoreType.DMA,
        ],
    )
    return run(idx, wlin, wfm)


def kernel(x, W_lin, W_fm):
    offs = jnp.arange(F, dtype=jnp.int32) * FIELD
    xi = x.astype(jnp.int32) + offs[None, :]
    idx = xi.reshape(NW, NIDXROW, 128)
    x4 = jnp.transpose(W_fm.T.reshape(2, 8, NTILE, 128), (0, 2, 1, 3))
    wrow = _tr_call(x4)
    y = _fm_call(idx, W_lin.reshape(-1), wrow)
    return y.reshape(B, 1)

# --- scband reference (transcript-rebuilt; emitter-appended) ---
"""Pipeline reference for scband-fm-model-81587198755282 (READ-ONLY COPY).

The authoritative reference and input builder live on the scoring server;
editing this copy changes nothing except your own understanding.
"""

import jax, jax.numpy as jnp
import numpy as np

FIELD_FEATURES = [40000] * 26
VECTOR_DIM = 16
BATCH = 16384
TOTAL = sum(FIELD_FEATURES)


def setup_inputs(seed: int = 0) -> dict:
    key = jax.random.key(seed)
    k1, k2, k3 = jax.random.split(key, 3)
    x = jax.random.randint(k1, (BATCH, len(FIELD_FEATURES)), 0, 40000)
    W_lin = jax.random.normal(k2, (TOTAL, 1), dtype=jnp.float32) * 0.01
    W_fm = jax.random.normal(k3, (TOTAL, VECTOR_DIM), dtype=jnp.float32) * 0.01
    return {"x": x, "W_lin": W_lin, "W_fm": W_fm}


def reference(x, W_lin, W_fm):
    # per-field offsets so each field indexes its own slice of the shared table
    ff = jnp.array(FIELD_FEATURES, dtype=x.dtype)
    offsets = jnp.concatenate([jnp.zeros((1,), dtype=x.dtype), jnp.cumsum(ff)[:-1]])
    x_off = x + offsets[None, :]

    # Linear_Layer: embed to 1-dim and sum over fields -> [N, 1]
    y_linear = jnp.sum(jnp.take(W_lin, x_off, axis=0), axis=1)

    # FactorizationMachine second-order term
    v = jnp.take(W_fm, x_off, axis=0)  # [N, F, D]
    square_of_sum = jnp.sum(v, axis=1) ** 2  # [N, D]
    sum_of_square = jnp.sum(v ** 2, axis=1)  # [N, D]
    y_fm = jnp.sum(square_of_sum - sum_of_square, axis=1).reshape(-1, 1)  # [N, 1]

    return jax.nn.sigmoid(y_linear + y_fm)

if __name__ == "__main__":
    import jax
    _d = setup_inputs()
    print(jax.jit(kernel)(*tuple(_d.values())))

</pallas_src>

<mosaic_0001>
#map = affine_map<(d0, d1) -> (0, 0, 0, 0)>
#map1 = affine_map<(d0, d1) -> (0, 0)>
module attributes {stable_mosaic.version = 14 : i64} {
  func.func @_tr_body(%arg0: i32, %arg1: i32, %arg2: memref<2x8125x8x128xf32, #tpu.memory_space<hbm>>, %arg3: memref<1040000x16xf32, #tpu.memory_space<hbm>>, %arg4: memref<2x2x8x128xf32, #tpu.memory_space<vmem>>, %arg5: memref<2x2x8x128xf32, #tpu.memory_space<vmem>>, %arg6: memref<2x2x8x128xf32, #tpu.memory_space<vmem>>, %arg7: memref<2x2x8x128xf32, #tpu.memory_space<vmem>>, %arg8: memref<256x16xf32, #tpu.memory_space<vmem>>, %arg9: memref<256x16xf32, #tpu.memory_space<vmem>>, %arg10: memref<256x16xf32, #tpu.memory_space<vmem>>, %arg11: memref<256x16xf32, #tpu.memory_space<vmem>>, %arg12: memref<!tpu.dma_semaphore, #tpu.memory_space<semaphore_mem>>, %arg13: memref<!tpu.dma_semaphore, #tpu.memory_space<semaphore_mem>>, %arg14: memref<!tpu.dma_semaphore, #tpu.memory_space<semaphore_mem>>, %arg15: memref<!tpu.dma_semaphore, #tpu.memory_space<semaphore_mem>>, %arg16: memref<!tpu.dma_semaphore, #tpu.memory_space<semaphore_mem>>, %arg17: memref<!tpu.dma_semaphore, #tpu.memory_space<semaphore_mem>>, %arg18: memref<!tpu.dma_semaphore, #tpu.memory_space<semaphore_mem>>, %arg19: memref<!tpu.dma_semaphore, #tpu.memory_space<semaphore_mem>>) attributes {dimension_semantics = [#tpu.dimension_semantics<core_parallel>, #tpu.dimension_semantics<subcore_parallel>], iteration_bounds = array<i64: 2, 16>, scalar_prefetch = 0 : i64, scratch_operands = 16 : i64, tpu.core_type = #tpu.core_type<sc_vector_subcore>, window_params = [{transform_indices = #map}, {transform_indices = #map1}]} {
    %mul3A = arith.constant 2 : i32
    %mul3A_0 = arith.muli %arg1, %mul3A : i32
    %add3A = arith.addi %mul3A_0, %arg0 : i32
    %iota3A = tpu.iota {dimensions = array<i32: 0>} : vector<16xi32>
    %jit3A = arith.constant 8 : i32
    %div3A = vector.broadcast %jit3A : i32 to vector<16xi32>
    %div3A_1 = arith.divsi %iota3A, %div3A : vector<16xi32>
    %sign3A = arith.constant 0 : i32
    %sign3A_2 = vector.broadcast %sign3A : i32 to vector<16xi32>
    %sign3A_3 = arith.cmpi sgt, %iota3A, %sign3A_2 : vector<16xi32>
    %sign3A_4 = arith.extui %sign3A_3 : vector<16xi1> to vector<16xi32>
    %sign3A_5 = arith.constant 0 : i32
    %sign3A_6 = vector.broadcast %sign3A_5 : i32 to vector<16xi32>
    %sign3A_7 = arith.cmpi slt, %iota3A, %sign3A_6 : vector<16xi32>
    %sign3A_8 = arith.extui %sign3A_7 : vector<16xi1> to vector<16xi32>
    %sign3A_9 = arith.subi %sign3A_4, %sign3A_8 : vector<16xi32>
    %sign3A_10 = arith.constant 0 : i32
    %sign3A_11 = arith.cmpi sgt, %jit3A, %sign3A_10 : i32
    %sign3A_12 = arith.extui %sign3A_11 : i1 to i32
    %sign3A_13 = arith.constant 0 : i32
    %sign3A_14 = arith.cmpi slt, %jit3A, %sign3A_13 : i32
    %sign3A_15 = arith.extui %sign3A_14 : i1 to i32
    %sign3A_16 = arith.subi %sign3A_12, %sign3A_15 : i32
    %ne3A = vector.broadcast %sign3A_16 : i32 to vector<16xi32>
    %ne3A_17 = arith.cmpi ne, %sign3A_9, %ne3A : vector<16xi32>
    %rem3A = vector.broadcast %jit3A : i32 to vector<16xi32>
    %rem3A_18 = arith.remsi %iota3A, %rem3A : vector<16xi32>
    %ne3A_19 = arith.constant 0 : i32
    %ne3A_20 = vector.broadcast %ne3A_19 : i32 to vector<16xi32>
    %ne3A_21 = arith.cmpi ne, %rem3A_18, %ne3A_20 : vector<16xi32>
    %and3A = arith.andi %ne3A_17, %ne3A_21 : vector<16xi1>
    %sub3A = arith.constant 1 : i32
    %sub3A_22 = vector.broadcast %sub3A : i32 to vector<16xi32>
    %sub3A_23 = arith.subi %div3A_1, %sub3A_22 : vector<16xi32>
    %select_n3A = arith.select %and3A, %sub3A_23, %div3A_1 : vector<16xi1>, vector<16xi32>
    %jit3A_24 = arith.constant 8 : i32
    %eq3A = arith.constant 0 : i32
    %eq3A_25 = arith.cmpi eq, %jit3A_24, %eq3A : i32
    %jit3A_26 = arith.constant 1 : i32
    %select_n3A_27 = arith.select %eq3A_25, %jit3A_26, %jit3A_24 : i32
    %rem3A_28 = vector.broadcast %select_n3A_27 : i32 to vector<16xi32>
    %rem3A_29 = arith.remsi %iota3A, %rem3A_28 : vector<16xi32>
    %ne3A_30 = arith.constant 0 : i32
    %ne3A_31 = vector.broadcast %ne3A_30 : i32 to vector<16xi32>
    %ne3A_32 = arith.cmpi ne, %rem3A_29, %ne3A_31 : vector<16xi32>
    %lt3A = arith.constant 0 : i32
    %lt3A_33 = vector.broadcast %lt3A : i32 to vector<16xi32>
    %lt3A_34 = arith.cmpi slt, %rem3A_29, %lt3A_33 : vector<16xi32>
    %lt3A_35 = arith.constant 0 : i32
    %lt3A_36 = arith.cmpi slt, %select_n3A_27, %lt3A_35 : i32
    %ne3A_37 = vector.broadcast %lt3A_36 : i1 to vector<16xi1>
    %ne3A_38 = vector.broadcast %ne3A_37 : vector<16xi1> to vector<16xi1>
    %ne3A_39 = arith.xori %lt3A_34, %ne3A_38 : vector<16xi1>
    %and3A_40 = arith.andi %ne3A_39, %ne3A_32 : vector<16xi1>
    %add3A_41 = vector.broadcast %select_n3A_27 : i32 to vector<16xi32>
    %add3A_42 = arith.addi %rem3A_29, %add3A_41 : vector<16xi32>
    %select_n3A_43 = arith.select %and3A_40, %add3A_42, %rem3A_29 : vector<16xi1>, vector<16xi32>
    %mul3A_44 = arith.constant 128 : i32
    %mul3A_45 = arith.muli %add3A, %mul3A_44 : i32
    %add3A_46 = arith.constant 0 : i32
    %add3A_47 = arith.addi %mul3A_45, %add3A_46 : i32
    %mul3A_48 = arith.constant 2 : i32
    %mul3A_49 = arith.muli %add3A_47, %mul3A_48 : i32
    %min3A = arith.constant 8123 : i32
    %min3A_50 = arith.minsi %mul3A_49, %min3A : i32
    %dma_start3A = arith.constant 0 : i32
    %dma_start3A_51 = arith.constant 0 : i32
    %dma_start3A_52 = arith.constant 0 : i32
    %dma_start3A_53 = arith.constant 0 : i32
    %dma_start3A_54 = arith.constant 0 : i32
    %dma_start3A_55 = tpu.memref_slice %arg4[%dma_start3A_51, %dma_start3A_52, %dma_start3A_53, %dma_start3A_54] : memref<2x2x8x128xf32, #tpu.memory_space<vmem>> -> memref<1x2x8x128xf32, #tpu.memory_space<vmem>>
    %dma_start3A_56 = tpu.memref_squeeze %dma_start3A_55 : memref<1x2x8x128xf32, #tpu.memory_space<vmem>> -> memref<2x8x128xf32, #tpu.memory_space<vmem>>
    %dma_start3A_57 = arith.constant 0 : i32
    %dma_start3A_58 = arith.constant 0 : i32
    %dma_start3A_59 = tpu.memref_slice %arg2[%dma_start3A, %min3A_50, %dma_start3A_57, %dma_start3A_58] : memref<2x8125x8x128xf32, #tpu.memory_space<hbm>> -> memref<1x2x8x128xf32, #tpu.memory_space<hbm>>
    %dma_start3A_60 = tpu.memref_squeeze %dma_start3A_59 : memref<1x2x8x128xf32, #tpu.memory_space<hbm>> -> memref<2x8x128xf32, #tpu.memory_space<hbm>>
    %dma_start3A_61 = arith.constant 0 : i32
    %dma_start3A_62 = arith.constant 0 : i32
    %dma_start3A_63 = arith.constant 0 : i32
    %dma_start3A_64 = tpu.memref_slice %arg4[%dma_start3A_51, %dma_start3A_61, %dma_start3A_62, %dma_start3A_63] : memref<2x2x8x128xf32, #tpu.memory_space<vmem>> -> memref<1x2x8x128xf32, #tpu.memory_space<vmem>>
    %dma_start3A_65 = tpu.memref_squeeze %dma_start3A_64 : memref<1x2x8x128xf32, #tpu.memory_space<vmem>> -> memref<2x8x128xf32, #tpu.memory_space<vmem>>
    %dma_start3A_66 = arith.constant 0 : i32
    %dma_start3A_67 = arith.constant 0 : i32
    %dma_start3A_68 = tpu.memref_slice %arg2[%dma_start3A, %min3A_50, %dma_start3A_66, %dma_start3A_67] : memref<2x8125x8x128xf32, #tpu.memory_space<hbm>> -> memref<1x2x8x128xf32, #tpu.memory_space<hbm>>
    %dma_start3A_69 = tpu.memref_squeeze %dma_start3A_68 : memref<1x2x8x128xf32, #tpu.memory_space<hbm>> -> memref<2x8x128xf32, #tpu.memory_space<hbm>>
    tpu.enqueue_dma source(%dma_start3A_69 : memref<2x8x128xf32, #tpu.memory_space<hbm>>) target(%dma_start3A_65 : memref<2x8x128xf32, #tpu.memory_space<vmem>>) target_semaphore(%arg12 : memref<!tpu.dma_semaphore, #tpu.memory_space<semaphore_mem>>)
    %dma_start3A_70 = arith.constant 1 : i32
    %dma_start3A_71 = arith.constant 1 : i32
    %dma_start3A_72 = arith.constant 0 : i32
    %dma_start3A_73 = arith.constant 0 : i32
    %dma_start3A_74 = arith.constant 0 : i32
    %dma_start3A_75 = tpu.memref_slice %arg4[%dma_start3A_71, %dma_start3A_72, %dma_start3A_73, %dma_start3A_74] : memref<2x2x8x128xf32, #tpu.memory_space<vmem>> -> memref<1x2x8x128xf32, #tpu.memory_space<vmem>>
    %dma_start3A_76 = tpu.memref_squeeze %dma_start3A_75 : memref<1x2x8x128xf32, #tpu.memory_space<vmem>> -> memref<2x8x128xf32, #tpu.memory_space<vmem>>
    %dma_start3A_77 = arith.constant 0 : i32
    %dma_start3A_78 = arith.constant 0 : i32
    %dma_start3A_79 = tpu.memref_slice %arg2[%dma_start3A_70, %min3A_50, %dma_start3A_77, %dma_start3A_78] : memref<2x8125x8x128xf32, #tpu.memory_space<hbm>> -> memref<1x2x8x128xf32, #tpu.memory_space<hbm>>
    %dma_start3A_80 = tpu.memref_squeeze %dma_start3A_79 : memref<1x2x8x128xf32, #tpu.memory_space<hbm>> -> memref<2x8x128xf32, #tpu.memory_space<hbm>>
    %dma_start3A_81 = arith.constant 0 : i32
    %dma_start3A_82 = arith.constant 0 : i32
    %dma_start3A_83 = arith.constant 0 : i32
    %dma_start3A_84 = tpu.memref_slice %arg4[%dma_start3A_71, %dma_start3A_81, %dma_start3A_82, %dma_start3A_83] : memref<2x2x8x128xf32, #tpu.memory_space<vmem>> -> memref<1x2x8x128xf32, #tpu.memory_space<vmem>>
    %dma_start3A_85 = tpu.memref_squeeze %dma_start3A_84 : memref<1x2x8x128xf32, #tpu.memory_space<vmem>> -> memref<2x8x128xf32, #tpu.memory_space<vmem>>
    %dma_start3A_86 = arith.constant 0 : i32
    %dma_start3A_87 = arith.constant 0 : i32
    %dma_start3A_88 = tpu.memref_slice %arg2[%dma_start3A_70, %min3A_50, %dma_start3A_86, %dma_start3A_87] : memref<2x8125x8x128xf32, #tpu.memory_space<hbm>> -> memref<1x2x8x128xf32, #tpu.memory_space<hbm>>
    %dma_start3A_89 = tpu.memref_squeeze %dma_start3A_88 : memref<1x2x8x128xf32, #tpu.memory_space<hbm>> -> memref<2x8x128xf32, #tpu.memory_space<hbm>>
    tpu.enqueue_dma source(%dma_start3A_89 : memref<2x8x128xf32, #tpu.memory_space<hbm>>) target(%dma_start3A_85 : memref<2x8x128xf32, #tpu.memory_space<vmem>>) target_semaphore(%arg12 : memref<!tpu.dma_semaphore, #tpu.memory_space<semaphore_mem>>)
    %mul3A_90 = arith.constant 128 : i32
    %mul3A_91 = arith.muli %add3A, %mul3A_90 : i32
    %add3A_92 = arith.constant 1 : i32
    %add3A_93 = arith.addi %mul3A_91, %add3A_92 : i32
    %mul3A_94 = arith.constant 2 : i32
    %mul3A_95 = arith.muli %add3A_93, %mul3A_94 : i32
    %min3A_96 = arith.constant 8123 : i32
    %min3A_97 = arith.minsi %mul3A_95, %min3A_96 : i32
    %dma_start3A_98 = arith.constant 0 : i32
    %dma_start3A_99 = arith.constant 0 : i32
    %dma_start3A_100 = arith.constant 0 : i32
    %dma_start3A_101 = arith.constant 0 : i32
    %dma_start3A_102 = arith.constant 0 : i32
    %dma_start3A_103 = tpu.memref_slice %arg5[%dma_start3A_99, %dma_start3A_100, %dma_start3A_101, %dma_start3A_102] : memref<2x2x8x128xf32, #tpu.memory_space<vmem>> -> memref<1x2x8x128xf32, #tpu.memory_space<vmem>>
    %dma_start3A_104 = tpu.memref_squeeze %dma_start3A_103 : memref<1x2x8x128xf32, #tpu.memory_space<vmem>> -> memref<2x8x128xf32, #tpu.memory_space<vmem>>
    %dma_start3A_105 = arith.constant 0 : i32
    %dma_start3A_106 = arith.constant 0 : i32
    %dma_start3A_107 = tpu.memref_slice %arg2[%dma_start3A_98, %min3A_97, %dma_start3A_105, %dma_start3A_106] : memref<2x8125x8x128xf32, #tpu.memory_space<hbm>> -> memref<1x2x8x128xf32, #tpu.memory_space<hbm>>
    %dma_start3A_108 = tpu.memref_squeeze %dma_start3A_107 : memref<1x2x8x128xf32, #tpu.memory_space<hbm>> -> memref<2x8x128xf32, #tpu.memory_space<hbm>>
    %dma_start3A_109 = arith.constant 0 : i32
    %dma_start3A_110 = arith.constant 0 : i32
    %dma_start3A_111 = arith.constant 0 : i32
    %dma_start3A_112 = tpu.memref_slice %arg5[%dma_start3A_99, %dma_start3A_109, %dma_start3A_110, %dma_start3A_111] : memref<2x2x8x128xf32, #tpu.memory_space<vmem>> -> memref<1x2x8x128xf32, #tpu.memory_space<vmem>>
    %dma_start3A_113 = tpu.memref_squeeze %dma_start3A_112 : memref<1x2x8x128xf32, #tpu.memory_space<vmem>> -> memref<2x8x128xf32, #tpu.memory_space<vmem>>
    %dma_start3A_114 = arith.constant 0 : i32
    %dma_start3A_115 = arith.constant 0 : i32
    %dma_start3A_116 = tpu.memref_slice %arg2[%dma_start3A_98, %min3A_97, %dma_start3A_114, %dma_start3A_115] : memref<2x8125x8x128xf32, #tpu.memory_space<hbm>> -> memref<1x2x8x128xf32, #tpu.memory_space<hbm>>
    %dma_start3A_117 = tpu.memref_squeeze %dma_start3A_116 : memref<1x2x8x128xf32, #tpu.memory_space<hbm>> -> memref<2x8x128xf32, #tpu.memory_space<hbm>>
    tpu.enqueue_dma source(%dma_start3A_117 : memref<2x8x128xf32, #tpu.memory_space<hbm>>) target(%dma_start3A_113 : memref<2x8x128xf32, #tpu.memory_space<vmem>>) target_semaphore(%arg13 : memref<!tpu.dma_semaphore, #tpu.memory_space<semaphore_mem>>)
    %dma_start3A_118 = arith.constant 1 : i32
    %dma_start3A_119 = arith.constant 1 : i32
    %dma_start3A_120 = arith.constant 0 : i32
    %dma_start3A_121 = arith.constant 0 : i32
    %dma_start3A_122 = arith.constant 0 : i32
    %dma_start3A_123 = tpu.memref_slice %arg5[%dma_start3A_119, %dma_start3A_120, %dma_start3A_121, %dma_start3A_122] : memref<2x2x8x128xf32, #tpu.memory_space<vmem>> -> memref<1x2x8x128xf32, #tpu.memory_space<vmem>>
    %dma_start3A_124 = tpu.memref_squeeze %dma_start3A_123 : memref<1x2x8x128xf32, #tpu.memory_space<vmem>> -> memref<2x8x128xf32, #tpu.memory_space<vmem>>
    %dma_start3A_125 = arith.constant 0 : i32
    %dma_start3A_126 = arith.constant 0 : i32
    %dma_start3A_127 = tpu.memref_slice %arg2[%dma_start3A_118, %min3A_97, %dma_start3A_125, %dma_start3A_126] : memref<2x8125x8x128xf32, #tpu.memory_space<hbm>> -> memref<1x2x8x128xf32, #tpu.memory_space<hbm>>
    %dma_start3A_128 = tpu.memref_squeeze %dma_start3A_127 : memref<1x2x8x128xf32, #tpu.memory_space<hbm>> -> memref<2x8x128xf32, #tpu.memory_space<hbm>>
    %dma_start3A_129 = arith.constant 0 : i32
    %dma_start3A_130 = arith.constant 0 : i32
    %dma_start3A_131 = arith.constant 0 : i32
    %dma_start3A_132 = tpu.memref_slice %arg5[%dma_start3A_119, %dma_start3A_129, %dma_start3A_130, %dma_start3A_131] : memref<2x2x8x128xf32, #tpu.memory_space<vmem>> -> memref<1x2x8x128xf32, #tpu.memory_space<vmem>>
    %dma_start3A_133 = tpu.memref_squeeze %dma_start3A_132 : memref<1x2x8x128xf32, #tpu.memory_space<vmem>> -> memref<2x8x128xf32, #tpu.memory_space<vmem>>
    %dma_start3A_134 = arith.constant 0 : i32
    %dma_start3A_135 = arith.constant 0 : i32
    %dma_start3A_136 = tpu.memref_slice %arg2[%dma_start3A_118, %min3A_97, %dma_start3A_134, %dma_start3A_135] : memref<2x8125x8x128xf32, #tpu.memory_space<hbm>> -> memref<1x2x8x128xf32, #tpu.memory_space<hbm>>
    %dma_start3A_137 = tpu.memref_squeeze %dma_start3A_136 : memref<1x2x8x128xf32, #tpu.memory_space<hbm>> -> memref<2x8x128xf32, #tpu.memory_space<hbm>>
    tpu.enqueue_dma source(%dma_start3A_137 : memref<2x8x128xf32, #tpu.memory_space<hbm>>) target(%dma_start3A_133 : memref<2x8x128xf32, #tpu.memory_space<vmem>>) target_semaphore(%arg13 : memref<!tpu.dma_semaphore, #tpu.memory_space<semaphore_mem>>)
    %mul3A_138 = arith.constant 128 : i32
    %mul3A_139 = arith.muli %add3A, %mul3A_138 : i32
    %add3A_140 = arith.constant 2 : i32
    %add3A_141 = arith.addi %mul3A_139, %add3A_140 : i32
    %mul3A_142 = arith.constant 2 : i32
    %mul3A_143 = arith.muli %add3A_141, %mul3A_142 : i32
    %min3A_144 = arith.constant 8123 : i32
    %min3A_145 = arith.minsi %mul3A_143, %min3A_144 : i32
    %dma_start3A_146 = arith.constant 0 : i32
    %dma_start3A_147 = arith.constant 0 : i32
    %dma_start3A_148 = arith.constant 0 : i32
    %dma_start3A_149 = arith.constant 0 : i32
    %dma_start3A_150 = arith.constant 0 : i32
    %dma_start3A_151 = tpu.memref_slice %arg6[%dma_start3A_147, %dma_start3A_148, %dma_start3A_149, %dma_start3A_150] : memref<2x2x8x128xf32, #tpu.memory_space<vmem>> -> memref<1x2x8x128xf32, #tpu.memory_space<vmem>>
    %dma_start3A_152 = tpu.memref_squeeze %dma_start3A_151 : memref<1x2x8x128xf32, #tpu.memory_space<vmem>> -> memref<2x8x128xf32, #tpu.memory_space<vmem>>
    %dma_start3A_153 = arith.constant 0 : i32
    %dma_start3A_154 = arith.constant 0 : i32
    %dma_start3A_155 = tpu.memref_slice %arg2[%dma_start3A_146, %min3A_145, %dma_start3A_153, %dma_start3A_154] : memref<2x8125x8x128xf32, #tpu.memory_space<hbm>> -> memref<1x2x8x128xf32, #tpu.memory_space<hbm>>
    %dma_start3A_156 = tpu.memref_squeeze %dma_start3A_155 : memref<1x2x8x128xf32, #tpu.memory_space<hbm>> -> memref<2x8x128xf32, #tpu.memory_space<hbm>>
    %dma_start3A_157 = arith.constant 0 : i32
    %dma_start3A_158 = arith.constant 0 : i32
    %dma_start3A_159 = arith.constant 0 : i32
    %dma_start3A_160 = tpu.memref_slice %arg6[%dma_start3A_147, %dma_start3A_157, %dma_start3A_158, %dma_start3A_159] : memref<2x2x8x128xf32, #tpu.memory_space<vmem>> -> memref<1x2x8x128xf32, #tpu.memory_space<vmem>>
    %dma_start3A_161 = tpu.memref_squeeze %dma_start3A_160 : memref<1x2x8x128xf32, #tpu.memory_space<vmem>> -> memref<2x8x128xf32, #tpu.memory_space<vmem>>
    %dma_start3A_162 = arith.constant 0 : i32
    %dma_start3A_163 = arith.constant 0 : i32
    %dma_start3A_164 = tpu.memref_slice %arg2[%dma_start3A_146, %min3A_145, %dma_start3A_162, %dma_start3A_163] : memref<2x8125x8x128xf32, #tpu.memory_space<hbm>> -> memref<1x2x8x128xf32, #tpu.memory_space<hbm>>
    %dma_start3A_165 = tpu.memref_squeeze %dma_start3A_164 : memref<1x2x8x128xf32, #tpu.memory_space<hbm>> -> memref<2x8x128xf32, #tpu.memory_space<hbm>>
    tpu.enqueue_dma source(%dma_start3A_165 : memref<2x8x128xf32, #tpu.memory_space<hbm>>) target(%dma_start3A_161 : memref<2x8x128xf32, #tpu.memory_space<vmem>>) target_semaphore(%arg14 : memref<!tpu.dma_semaphore, #tpu.memory_space<semaphore_mem>>)
    %dma_start3A_166 = arith.constant 1 : i32
    %dma_start3A_167 = arith.constant 1 : i32
    %dma_start3A_168 = arith.constant 0 : i32
    %dma_start3A_169 = arith.constant 0 : i32
    %dma_start3A_170 = arith.constant 0 : i32
    %dma_start3A_171 = tpu.memref_slice %arg6[%dma_start3A_167, %dma_start3A_168, %dma_start3A_169, %dma_start3A_170] : memref<2x2x8x128xf32, #tpu.memory_space<vmem>> -> memref<1x2x8x128xf32, #tpu.memory_space<vmem>>
    %dma_start3A_172 = tpu.memref_squeeze %dma_start3A_171 : memref<1x2x8x128xf32, #tpu.memory_space<vmem>> -> memref<2x8x128xf32, #tpu.memory_space<vmem>>
    %dma_start3A_173 = arith.constant 0 : i32
    %dma_start3A_174 = arith.constant 0 : i32
    %dma_start3A_175 = tpu.memref_slice %arg2[%dma_start3A_166, %min3A_145, %dma_start3A_173, %dma_start3A_174] : memref<2x8125x8x128xf32, #tpu.memory_space<hbm>> -> memref<1x2x8x128xf32, #tpu.memory_space<hbm>>
    %dma_start3A_176 = tpu.memref_squeeze %dma_start3A_175 : memref<1x2x8x128xf32, #tpu.memory_space<hbm>> -> memref<2x8x128xf32, #tpu.memory_space<hbm>>
    %dma_start3A_177 = arith.constant 0 : i32
    %dma_start3A_178 = arith.constant 0 : i32
    %dma_start3A_179 = arith.constant 0 : i32
    %dma_start3A_180 = tpu.memref_slice %arg6[%dma_start3A_167, %dma_start3A_177, %dma_start3A_178, %dma_start3A_179] : memref<2x2x8x128xf32, #tpu.memory_space<vmem>> -> memref<1x2x8x128xf32, #tpu.memory_space<vmem>>
    %dma_start3A_181 = tpu.memref_squeeze %dma_start3A_180 : memref<1x2x8x128xf32, #tpu.memory_space<vmem>> -> memref<2x8x128xf32, #tpu.memory_space<vmem>>
    %dma_start3A_182 = arith.constant 0 : i32
    %dma_start3A_183 = arith.constant 0 : i32
    %dma_start3A_184 = tpu.memref_slice %arg2[%dma_start3A_166, %min3A_145, %dma_start3A_182, %dma_start3A_183] : memref<2x8125x8x128xf32, #tpu.memory_space<hbm>> -> memref<1x2x8x128xf32, #tpu.memory_space<hbm>>
    %dma_start3A_185 = tpu.memref_squeeze %dma_start3A_184 : memref<1x2x8x128xf32, #tpu.memory_space<hbm>> -> memref<2x8x128xf32, #tpu.memory_space<hbm>>
    tpu.enqueue_dma source(%dma_start3A_185 : memref<2x8x128xf32, #tpu.memory_space<hbm>>) target(%dma_start3A_181 : memref<2x8x128xf32, #tpu.memory_space<vmem>>) target_semaphore(%arg14 : memref<!tpu.dma_semaphore, #tpu.memory_space<semaphore_mem>>)
    %mul3A_186 = arith.constant 128 : i32
    %mul3A_187 = arith.muli %add3A, %mul3A_186 : i32
    %add3A_188 = arith.constant 3 : i32
    %add3A_189 = arith.addi %mul3A_187, %add3A_188 : i32
    %mul3A_190 = arith.constant 2 : i32
    %mul3A_191 = arith.muli %add3A_189, %mul3A_190 : i32
    %min3A_192 = arith.constant 8123 : i32
    %min3A_193 = arith.minsi %mul3A_191, %min3A_192 : i32
    %dma_start3A_194 = arith.constant 0 : i32
    %dma_start3A_195 = arith.constant 0 : i32
    %dma_start3A_196 = arith.constant 0 : i32
    %dma_start3A_197 = arith.constant 0 : i32
    %dma_start3A_198 = arith.constant 0 : i32
    %dma_start3A_199 = tpu.memref_slice %arg7[%dma_start3A_195, %dma_start3A_196, %dma_start3A_197, %dma_start3A_198] : memref<2x2x8x128xf32, #tpu.memory_space<vmem>> -> memref<1x2x8x128xf32, #tpu.memory_space<vmem>>
    %dma_start3A_200 = tpu.memref_squeeze %dma_start3A_199 : memref<1x2x8x128xf32, #tpu.memory_space<vmem>> -> memref<2x8x128xf32, #tpu.memory_space<vmem>>
    %dma_start3A_201 = arith.constant 0 : i32
    %dma_start3A_202 = arith.constant 0 : i32
    %dma_start3A_203 = tpu.memref_slice %arg2[%dma_start3A_194, %min3A_193, %dma_start3A_201, %dma_start3A_202] : memref<2x8125x8x128xf32, #tpu.memory_space<hbm>> -> memref<1x2x8x128xf32, #tpu.memory_space<hbm>>
    %dma_start3A_204 = tpu.memref_squeeze %dma_start3A_203 : memref<1x2x8x128xf32, #tpu.memory_space<hbm>> -> memref<2x8x128xf32, #tpu.memory_space<hbm>>
    %dma_start3A_205 = arith.constant 0 : i32
    %dma_start3A_206 = arith.constant 0 : i32
    %dma_start3A_207 = arith.constant 0 : i32
    %dma_start3A_208 = tpu.memref_slice %arg7[%dma_start3A_195, %dma_start3A_205, %dma_start3A_206, %dma_start3A_207] : memref<2x2x8x128xf32, #tpu.memory_space<vmem>> -> memref<1x2x8x128xf32, #tpu.memory_space<vmem>>
    %dma_start3A_209 = tpu.memref_squeeze %dma_start3A_208 : memref<1x2x8x128xf32, #tpu.memory_space<vmem>> -> memref<2x8x128xf32, #tpu.memory_space<vmem>>
    %dma_start3A_210 = arith.constant 0 : i32
    %dma_start3A_211 = arith.constant 0 : i32
    %dma_start3A_212 = tpu.memref_slice %arg2[%dma_start3A_194, %min3A_193, %dma_start3A_210, %dma_start3A_211] : memref<2x8125x8x128xf32, #tpu.memory_space<hbm>> -> memref<1x2x8x128xf32, #tpu.memory_space<hbm>>
    %dma_start3A_213 = tpu.memref_squeeze %dma_start3A_212 : memref<1x2x8x128xf32, #tpu.memory_space<hbm>> -> memref<2x8x128xf32, #tpu.memory_space<hbm>>
    tpu.enqueue_dma source(%dma_start3A_213 : memref<2x8x128xf32, #tpu.memory_space<hbm>>) target(%dma_start3A_209 : memref<2x8x128xf32, #tpu.memory_space<vmem>>) target_semaphore(%arg15 : memref<!tpu.dma_semaphore, #tpu.memory_space<semaphore_mem>>)
    %dma_start3A_214 = arith.constant 1 : i32
    %dma_start3A_215 = arith.constant 1 : i32
    %dma_start3A_216 = arith.constant 0 : i32
    %dma_start3A_217 = arith.constant 0 : i32
    %dma_start3A_218 = arith.constant 0 : i32
    %dma_start3A_219 = tpu.memref_slice %arg7[%dma_start3A_215, %dma_start3A_216, %dma_start3A_217, %dma_start3A_218] : memref<2x2x8x128xf32, #tpu.memory_space<vmem>> -> memref<1x2x8x128xf32, #tpu.memory_space<vmem>>
    %dma_start3A_220 = tpu.memref_squeeze %dma_start3A_219 : memref<1x2x8x128xf32, #tpu.memory_space<vmem>> -> memref<2x8x128xf32, #tpu.memory_space<vmem>>
    %dma_start3A_221 = arith.constant 0 : i32
    %dma_start3A_222 = arith.constant 0 : i32
    %dma_start3A_223 = tpu.memref_slice %arg2[%dma_start3A_214, %min3A_193, %dma_start3A_221, %dma_start3A_222] : memref<2x8125x8x128xf32, #tpu.memory_space<hbm>> -> memref<1x2x8x128xf32, #tpu.memory_space<hbm>>
    %dma_start3A_224 = tpu.memref_squeeze %dma_start3A_223 : memref<1x2x8x128xf32, #tpu.memory_space<hbm>> -> memref<2x8x128xf32, #tpu.memory_space<hbm>>
    %dma_start3A_225 = arith.constant 0 : i32
    %dma_start3A_226 = arith.constant 0 : i32
    %dma_start3A_227 = arith.constant 0 : i32
    %dma_start3A_228 = tpu.memref_slice %arg7[%dma_start3A_215, %dma_start3A_225, %dma_start3A_226, %dma_start3A_227] : memref<2x2x8x128xf32, #tpu.memory_space<vmem>> -> memref<1x2x8x128xf32, #tpu.memory_space<vmem>>
    %dma_start3A_229 = tpu.memref_squeeze %dma_start3A_228 : memref<1x2x8x128xf32, #tpu.memory_space<vmem>> -> memref<2x8x128xf32, #tpu.memory_space<vmem>>
    %dma_start3A_230 = arith.constant 0 : i32
    %dma_start3A_231 = arith.constant 0 : i32
    %dma_start3A_232 = tpu.memref_slice %arg2[%dma_start3A_214, %min3A_193, %dma_start3A_230, %dma_start3A_231] : memref<2x8125x8x128xf32, #tpu.memory_space<hbm>> -> memref<1x2x8x128xf32, #tpu.memory_space<hbm>>
    %dma_start3A_233 = tpu.memref_squeeze %dma_start3A_232 : memref<1x2x8x128xf32, #tpu.memory_space<hbm>> -> memref<2x8x128xf32, #tpu.memory_space<hbm>>
    tpu.enqueue_dma source(%dma_start3A_233 : memref<2x8x128xf32, #tpu.memory_space<hbm>>) target(%dma_start3A_229 : memref<2x8x128xf32, #tpu.memory_space<vmem>>) target_semaphore(%arg15 : memref<!tpu.dma_semaphore, #tpu.memory_space<semaphore_mem>>)
    %dma_wait3A = arith.constant 0 : i32
    %dma_wait3A_234 = arith.constant 0 : i32
    %dma_wait3A_235 = arith.constant 0 : i32
    %dma_wait3A_236 = arith.constant 0 : i32
    %dma_wait3A_237 = arith.constant 0 : i32
    %dma_wait3A_238 = tpu.memref_slice %arg4[%dma_wait3A_234, %dma_wait3A_235, %dma_wait3A_236, %dma_wait3A_237] : memref<2x2x8x128xf32, #tpu.memory_space<vmem>> -> memref<1x2x8x128xf32, #tpu.memory_space<vmem>>
    %dma_wait3A_239 = tpu.memref_squeeze %dma_wait3A_238 : memref<1x2x8x128xf32, #tpu.memory_space<vmem>> -> memref<2x8x128xf32, #tpu.memory_space<vmem>>
    %dma_wait3A_240 = arith.constant 0 : i32
    %dma_wait3A_241 = arith.constant 0 : i32
    %dma_wait3A_242 = arith.constant 0 : i32
    %dma_wait3A_243 = tpu.memref_slice %arg2[%dma_wait3A, %dma_wait3A_240, %dma_wait3A_241, %dma_wait3A_242] : memref<2x8125x8x128xf32, #tpu.memory_space<hbm>> -> memref<1x2x8x128xf32, #tpu.memory_space<hbm>>
    %dma_wait3A_244 = tpu.memref_squeeze %dma_wait3A_243 : memref<1x2x8x128xf32, #tpu.memory_space<hbm>> -> memref<2x8x128xf32, #tpu.memory_space<hbm>>
    %dma_wait3A_245 = arith.constant 0 : i32
    %dma_wait3A_246 = arith.constant 0 : i32
    %dma_wait3A_247 = arith.constant 0 : i32
    %dma_wait3A_248 = tpu.memref_slice %arg4[%dma_wait3A_234, %dma_wait3A_245, %dma_wait3A_246, %dma_wait3A_247] : memref<2x2x8x128xf32, #tpu.memory_space<vmem>> -> memref<1x2x8x128xf32, #tpu.memory_space<vmem>>
    %dma_wait3A_249 = tpu.memref_squeeze %dma_wait3A_248 : memref<1x2x8x128xf32, #tpu.memory_space<vmem>> -> memref<2x8x128xf32, #tpu.memory_space<vmem>>
    %dma_wait3A_250 = arith.constant 0 : i32
    %dma_wait3A_251 = arith.constant 0 : i32
    %dma_wait3A_252 = arith.constant 0 : i32
    %dma_wait3A_253 = tpu.memref_slice %arg2[%dma_wait3A, %dma_wait3A_250, %dma_wait3A_251, %dma_wait3A_252] : memref<2x8125x8x128xf32, #tpu.memory_space<hbm>> -> memref<1x2x8x128xf32, #tpu.memory_space<hbm>>
    %dma_wait3A_254 = tpu.memref_squeeze %dma_wait3A_253 : memref<1x2x8x128xf32, #tpu.memory_space<hbm>> -> memref<2x8x128xf32, #tpu.memory_space<hbm>>
    tpu.wait_dma2 semaphore(%arg12 : memref<!tpu.dma_semaphore, #tpu.memory_space<semaphore_mem>>) src(%dma_wait3A_254 : memref<2x8x128xf32, #tpu.memory_space<hbm>>) dst(%dma_wait3A_249 : memref<2x8x128xf32, #tpu.memory_space<vmem>>)
    %dma_wait3A_255 = arith.constant 0 : i32
    %dma_wait3A_256 = arith.constant 1 : i32
    %dma_wait3A_257 = arith.constant 0 : i32
    %dma_wait3A_258 = arith.constant 0 : i32
    %dma_wait3A_259 = arith.constant 0 : i32
    %dma_wait3A_260 = tpu.memref_slice %arg4[%dma_wait3A_256, %dma_wait3A_257, %dma_wait3A_258, %dma_wait3A_259] : memref<2x2x8x128xf32, #tpu.memory_space<vmem>> -> memref<1x2x8x128xf32, #tpu.memory_space<vmem>>
    %dma_wait3A_261 = tpu.memref_squeeze %dma_wait3A_260 : memref<1x2x8x128xf32, #tpu.memory_space<vmem>> -> memref<2x8x128xf32, #tpu.memory_space<vmem>>
    %dma_wait3A_262 = arith.constant 0 : i32
    %dma_wait3A_263 = arith.constant 0 : i32
    %dma_wait3A_264 = arith.constant 0 : i32
    %dma_wait3A_265 = tpu.memref_slice %arg2[%dma_wait3A_255, %dma_wait3A_262, %dma_wait3A_263, %dma_wait3A_264] : memref<2x8125x8x128xf32, #tpu.memory_space<hbm>> -> memref<1x2x8x128xf32, #tpu.memory_space<hbm>>
    %dma_wait3A_266 = tpu.memref_squeeze %dma_wait3A_265 : memref<1x2x8x128xf32, #tpu.memory_space<hbm>> -> memref<2x8x128xf32, #tpu.memory_space<hbm>>
    %dma_wait3A_267 = arith.constant 0 : i32
    %dma_wait3A_268 = arith.constant 0 : i32
    %dma_wait3A_269 = arith.constant 0 : i32
    %dma_wait3A_270 = tpu.memref_slice %arg4[%dma_wait3A_256, %dma_wait3A_267, %dma_wait3A_268, %dma_wait3A_269] : memref<2x2x8x128xf32, #tpu.memory_space<vmem>> -> memref<1x2x8x128xf32, #tpu.memory_space<vmem>>
    %dma_wait3A_271 = tpu.memref_squeeze %dma_wait3A_270 : memref<1x2x8x128xf32, #tpu.memory_space<vmem>> -> memref<2x8x128xf32, #tpu.memory_space<vmem>>
    %dma_wait3A_272 = arith.constant 0 : i32
    %dma_wait3A_273 = arith.constant 0 : i32
    %dma_wait3A_274 = arith.constant 0 : i32
    %dma_wait3A_275 = tpu.memref_slice %arg2[%dma_wait3A_255, %dma_wait3A_272, %dma_wait3A_273, %dma_wait3A_274] : memref<2x8125x8x128xf32, #tpu.memory_space<hbm>> -> memref<1x2x8x128xf32, #tpu.memory_space<hbm>>
    %dma_wait3A_276 = tpu.memref_squeeze %dma_wait3A_275 : memref<1x2x8x128xf32, #tpu.memory_space<hbm>> -> memref<2x8x128xf32, #tpu.memory_space<hbm>>
    tpu.wait_dma2 semaphore(%arg12 : memref<!tpu.dma_semaphore, #tpu.memory_space<semaphore_mem>>) src(%dma_wait3A_276 : memref<2x8x128xf32, #tpu.memory_space<hbm>>) dst(%dma_wait3A_271 : memref<2x8x128xf32, #tpu.memory_space<vmem>>)
    %scan3A = arith.constant 0 : i32
    %scan3A_277 = arith.constant 0 : i32
    %scan3A_278 = arith.constant 32 : i32
    %scan3A_279 = arith.addi %scan3A_277, %scan3A_278 : i32
    %scan3A_280 = arith.constant 1 : i32
    scf.for %scan3A_710 = %scan3A_277 to %scan3A_279 step %scan3A_280  : i32 {
      %mul3A_711 = arith.constant 4 : i32
      %mul3A_712 = arith.muli %scan3A_710, %mul3A_711 : i32
      %add3A_713 = arith.constant 0 : i32
      %add3A_714 = arith.addi %mul3A_712, %add3A_713 : i32
      %add3A_715 = vector.broadcast %add3A_714 : i32 to vector<16xi32>
      %add3A_716 = arith.addi %iota3A, %add3A_715 : vector<16xi32>
      %and3A_717 = arith.constant 127 : i32
      %and3A_718 = vector.broadcast %and3A_717 : i32 to vector<16xi32>
      %and3A_719 = arith.andi %add3A_716, %and3A_718 : vector<16xi32>
      %broadcast_in_dim3A = arith.constant 0 : i32
      %broadcast_in_dim3A_720 = vector.broadcast %broadcast_in_dim3A : i32 to vector<16xi32>
      %gather3A = tpu.vector_load_idx %arg4[%select_n3A, %broadcast_in_dim3A_720, %select_n3A_43, %and3A_719] : memref<2x2x8x128xf32, #tpu.memory_space<vmem>>[vector<16xi32>, vector<16xi32>, vector<16xi32>, vector<16xi32>], vector<16xf32>,
      %add3A_721 = arith.constant 0 : i32
      %add3A_722 = vector.broadcast %add3A_721 : i32 to vector<16xi32>
      %add3A_723 = arith.addi %and3A_719, %add3A_722 : vector<16xi32>
      tpu.vector_store_idx %arg8[%add3A_723, %iota3A], %gather3A : memref<256x16xf32, #tpu.memory_space<vmem>>[vector<16xi32>, vector<16xi32>], vector<16xf32>,
      %broadcast_in_dim3A_724 = arith.constant 1 : i32
      %broadcast_in_dim3A_725 = vector.broadcast %broadcast_in_dim3A_724 : i32 to vector<16xi32>
      %gather3A_726 = tpu.vector_load_idx %arg4[%select_n3A, %broadcast_in_dim3A_725, %select_n3A_43, %and3A_719] : memref<2x2x8x128xf32, #tpu.memory_space<vmem>>[vector<16xi32>, vector<16xi32>, vector<16xi32>, vector<16xi32>], vector<16xf32>,
      %add3A_727 = arith.constant 128 : i32
      %add3A_728 = vector.broadcast %add3A_727 : i32 to vector<16xi32>
      %add3A_729 = arith.addi %and3A_719, %add3A_728 : vector<16xi32>
      tpu.vector_store_idx %arg8[%add3A_729, %iota3A], %gather3A_726 : memref<256x16xf32, #tpu.memory_space<vmem>>[vector<16xi32>, vector<16xi32>], vector<16xf32>,
      %mul3A_730 = arith.constant 4 : i32
      %mul3A_731 = arith.muli %scan3A_710, %mul3A_730 : i32
      %add3A_732 = arith.constant 1 : i32
      %add3A_733 = arith.addi %mul3A_731, %add3A_732 : i32
      %add3A_734 = vector.broadcast %add3A_733 : i32 to vector<16xi32>
      %add3A_735 = arith.addi %iota3A, %add3A_734 : vector<16xi32>
      %and3A_736 = arith.constant 127 : i32
      %and3A_737 = vector.broadcast %and3A_736 : i32 to vector<16xi32>
      %and3A_738 = arith.andi %add3A_735, %and3A_737 : vector<16xi32>
      %broadcast_in_dim3A_739 = arith.constant 0 : i32
      %broadcast_in_dim3A_740 = vector.broadcast %broadcast_in_dim3A_739 : i32 to vector<16xi32>
      %gather3A_741 = tpu.vector_load_idx %arg4[%select_n3A, %broadcast_in_dim3A_740, %select_n3A_43, %and3A_738] : memref<2x2x8x128xf32, #tpu.memory_space<vmem>>[vector<16xi32>, vector<16xi32>, vector<16xi32>, vector<16xi32>], vector<16xf32>,
      %add3A_742 = arith.constant 0 : i32
      %add3A_743 = vector.broadcast %add3A_742 : i32 to vector<16xi32>
      %add3A_744 = arith.addi %and3A_738, %add3A_743 : vector<16xi32>
      tpu.vector_store_idx %arg8[%add3A_744, %iota3A], %gather3A_741 : memref<256x16xf32, #tpu.memory_space<vmem>>[vector<16xi32>, vector<16xi32>], vector<16xf32>,
      %broadcast_in_dim3A_745 = arith.constant 1 : i32
      %broadcast_in_dim3A_746 = vector.broadcast %broadcast_in_dim3A_745 : i32 to vector<16xi32>
      %gather3A_747 = tpu.vector_load_idx %arg4[%select_n3A, %broadcast_in_dim3A_746, %select_n3A_43, %and3A_738] : memref<2x2x8x128xf32, #tpu.memory_space<vmem>>[vector<16xi32>, vector<16xi32>, vector<16xi32>, vector<16xi32>], vector<16xf32>,
      %add3A_748 = arith.constant 128 : i32
      %add3A_749 = vector.broadcast %add3A_748 : i32 to vector<16xi32>
      %add3A_750 = arith.addi %and3A_738, %add3A_749 : vector<16xi32>
      tpu.vector_store_idx %arg8[%add3A_750, %iota3A], %gather3A_747 : memref<256x16xf32, #tpu.memory_space<vmem>>[vector<16xi32>, vector<16xi32>], vector<16xf32>,
      %mul3A_751 = arith.constant 4 : i32
      %mul3A_752 = arith.muli %scan3A_710, %mul3A_751 : i32
      %add3A_753 = arith.constant 2 : i32
      %add3A_754 = arith.addi %mul3A_752, %add3A_753 : i32
      %add3A_755 = vector.broadcast %add3A_754 : i32 to vector<16xi32>
      %add3A_756 = arith.addi %iota3A, %add3A_755 : vector<16xi32>
      %and3A_757 = arith.constant 127 : i32
      %and3A_758 = vector.broadcast %and3A_757 : i32 to vector<16xi32>
      %and3A_759 = arith.andi %add3A_756, %and3A_758 : vector<16xi32>
      %broadcast_in_dim3A_760 = arith.constant 0 : i32
      %broadcast_in_dim3A_761 = vector.broadcast %broadcast_in_dim3A_760 : i32 to vector<16xi32>
      %gather3A_762 = tpu.vector_load_idx %arg4[%select_n3A, %broadcast_in_dim3A_761, %select_n3A_43, %and3A_759] : memref<2x2x8x128xf32, #tpu.memory_space<vmem>>[vector<16xi32>, vector<16xi32>, vector<16xi32>, vector<16xi32>], vector<16xf32>,
      %add3A_763 = arith.constant 0 : i32
      %add3A_764 = vector.broadcast %add3A_763 : i32 to vector<16xi32>
      %add3A_765 = arith.addi %and3A_759, %add3A_764 : vector<16xi32>
      tpu.vector_store_idx %arg8[%add3A_765, %iota3A], %gather3A_762 : memref<256x16xf32, #tpu.memory_space<vmem>>[vector<16xi32>, vector<16xi32>], vector<16xf32>,
      %broadcast_in_dim3A_766 = arith.constant 1 : i32
      %broadcast_in_dim3A_767 = vector.broadcast %broadcast_in_dim3A_766 : i32 to vector<16xi32>
      %gather3A_768 = tpu.vector_load_idx %arg4[%select_n3A, %broadcast_in_dim3A_767, %select_n3A_43, %and3A_759] : memref<2x2x8x128xf32, #tpu.memory_space<vmem>>[vector<16xi32>, vector<16xi32>, vector<16xi32>, vector<16xi32>], vector<16xf32>,
      %add3A_769 = arith.constant 128 : i32
      %add3A_770 = vector.broadcast %add3A_769 : i32 to vector<16xi32>
      %add3A_771 = arith.addi %and3A_759, %add3A_770 : vector<16xi32>
      tpu.vector_store_idx %arg8[%add3A_771, %iota3A], %gather3A_768 : memref<256x16xf32, #tpu.memory_space<vmem>>[vector<16xi32>, vector<16xi32>], vector<16xf32>,
      %mul3A_772 = arith.constant 4 : i32
      %mul3A_773 = arith.muli %scan3A_710, %mul3A_772 : i32
      %add3A_774 = arith.constant 3 : i32
      %add3A_775 = arith.addi %mul3A_773, %add3A_774 : i32
      %add3A_776 = vector.broadcast %add3A_775 : i32 to vector<16xi32>
      %add3A_777 = arith.addi %iota3A, %add3A_776 : vector<16xi32>
      %and3A_778 = arith.constant 127 : i32
      %and3A_779 = vector.broadcast %and3A_778 : i32 to vector<16xi32>
      %and3A_780 = arith.andi %add3A_777, %and3A_779 : vector<16xi32>
      %broadcast_in_dim3A_781 = arith.constant 0 : i32
      %broadcast_in_dim3A_782 = vector.broadcast %broadcast_in_dim3A_781 : i32 to vector<16xi32>
      %gather3A_783 = tpu.vector_load_idx %arg4[%select_n3A, %broadcast_in_dim3A_782, %select_n3A_43, %and3A_780] : memref<2x2x8x128xf32, #tpu.memory_space<vmem>>[vector<16xi32>, vector<16xi32>, vector<16xi32>, vector<16xi32>], vector<16xf32>,
      %add3A_784 = arith.constant 0 : i32
      %add3A_785 = vector.broadcast %add3A_784 : i32 to vector<16xi32>
      %add3A_786 = arith.addi %and3A_780, %add3A_785 : vector<16xi32>
      tpu.vector_store_idx %arg8[%add3A_786, %iota3A], %gather3A_783 : memref<256x16xf32, #tpu.memory_space<vmem>>[vector<16xi32>, vector<16xi32>], vector<16xf32>,
      %broadcast_in_dim3A_787 = arith.constant 1 : i32
      %broadcast_in_dim3A_788 = vector.broadcast %broadcast_in_dim3A_787 : i32 to vector<16xi32>
      %gather3A_789 = tpu.vector_load_idx %arg4[%select_n3A, %broadcast_in_dim3A_788, %select_n3A_43, %and3A_780] : memref<2x2x8x128xf32, #tpu.memory_space<vmem>>[vector<16xi32>, vector<16xi32>, vector<16xi32>, vector<16xi32>], vector<16xf32>,
      %add3A_790 = arith.constant 128 : i32
      %add3A_791 = vector.broadcast %add3A_790 : i32 to vector<16xi32>
      %add3A_792 = arith.addi %and3A_780, %add3A_791 : vector<16xi32>
      tpu.vector_store_idx %arg8[%add3A_792, %iota3A], %gather3A_789 : memref<256x16xf32, #tpu.memory_space<vmem>>[vector<16xi32>, vector<16xi32>], vector<16xf32>,
    }
    %scan3A_281 = arith.constant 32 : i32
    %mul3A_282 = arith.constant 128 : i32
    %mul3A_283 = arith.muli %add3A, %mul3A_282 : i32
    %add3A_284 = arith.constant 0 : i32
    %add3A_285 = arith.addi %mul3A_283, %add3A_284 : i32
    %mul3A_286 = arith.constant 2 : i32
    %mul3A_287 = arith.muli %add3A_285, %mul3A_286 : i32
    %min3A_288 = arith.constant 8123 : i32
    %min3A_289 = arith.minsi %mul3A_287, %min3A_288 : i32
    %mul3A_290 = arith.constant 128 : i32
    %mul3A_291 = arith.muli %min3A_289, %mul3A_290 : i32
    %dma_start3A_292 = arith.constant 0 : i32
    %dma_start3A_293 = tpu.memref_slice %arg3[%mul3A_291, %dma_start3A_292] : memref<1040000x16xf32, #tpu.memory_space<hbm>> -> memref<256x16xf32, #tpu.memory_space<hbm>>
    %dma_start3A_294 = arith.constant 0 : i32
    %dma_start3A_295 = tpu.memref_slice %arg3[%mul3A_291, %dma_start3A_294] : memref<1040000x16xf32, #tpu.memory_space<hbm>> -> memref<256x16xf32, #tpu.memory_space<hbm>>
    tpu.enqueue_dma source(%arg8 : memref<256x16xf32, #tpu.memory_space<vmem>>) target(%dma_start3A_295 : memref<256x16xf32, #tpu.memory_space<hbm>>) target_semaphore(%arg16 : memref<!tpu.dma_semaphore, #tpu.memory_space<semaphore_mem>>)
    %mul3A_296 = arith.constant 128 : i32
    %mul3A_297 = arith.muli %add3A, %mul3A_296 : i32
    %add3A_298 = arith.constant 4 : i32
    %add3A_299 = arith.addi %mul3A_297, %add3A_298 : i32
    %mul3A_300 = arith.constant 2 : i32
    %mul3A_301 = arith.muli %add3A_299, %mul3A_300 : i32
    %min3A_302 = arith.constant 8123 : i32
    %min3A_303 = arith.minsi %mul3A_301, %min3A_302 : i32
    %dma_start3A_304 = arith.constant 0 : i32
    %dma_start3A_305 = arith.constant 0 : i32
    %dma_start3A_306 = arith.constant 0 : i32
    %dma_start3A_307 = arith.constant 0 : i32
    %dma_start3A_308 = arith.constant 0 : i32
    %dma_start3A_309 = tpu.memref_slice %arg4[%dma_start3A_305, %dma_start3A_306, %dma_start3A_307, %dma_start3A_308] : memref<2x2x8x128xf32, #tpu.memory_space<vmem>> -> memref<1x2x8x128xf32, #tpu.memory_space<vmem>>
    %dma_start3A_310 = tpu.memref_squeeze %dma_start3A_309 : memref<1x2x8x128xf32, #tpu.memory_space<vmem>> -> memref<2x8x128xf32, #tpu.memory_space<vmem>>
    %dma_start3A_311 = arith.constant 0 : i32
    %dma_start3A_312 = arith.constant 0 : i32
    %dma_start3A_313 = tpu.memref_slice %arg2[%dma_start3A_304, %min3A_303, %dma_start3A_311, %dma_start3A_312] : memref<2x8125x8x128xf32, #tpu.memory_space<hbm>> -> memref<1x2x8x128xf32, #tpu.memory_space<hbm>>
    %dma_start3A_314 = tpu.memref_squeeze %dma_start3A_313 : memref<1x2x8x128xf32, #tpu.memory_space<hbm>> -> memref<2x8x128xf32, #tpu.memory_space<hbm>>
    %dma_start3A_315 = arith.constant 0 : i32
    %dma_start3A_316 = arith.constant 0 : i32
    %dma_start3A_317 = arith.constant 0 : i32
    %dma_start3A_318 = tpu.memref_slice %arg4[%dma_start3A_305, %dma_start3A_315, %dma_start3A_316, %dma_start3A_317] : memref<2x2x8x128xf32, #tpu.memory_space<vmem>> -> memref<1x2x8x128xf32, #tpu.memory_space<vmem>>
    %dma_start3A_319 = tpu.memref_squeeze %dma_start3A_318 : memref<1x2x8x128xf32, #tpu.memory_space<vmem>> -> memref<2x8x128xf32, #tpu.memory_space<vmem>>
    %dma_start3A_320 = arith.constant 0 : i32
    %dma_start3A_321 = arith.constant 0 : i32
    %dma_start3A_322 = tpu.memref_slice %arg2[%dma_start3A_304, %min3A_303, %dma_start3A_320, %dma_start3A_321] : memref<2x8125x8x128xf32, #tpu.memory_space<hbm>> -> memref<1x2x8x128xf32, #tpu.memory_space<hbm>>
    %dma_start3A_323 = tpu.memref_squeeze %dma_start3A_322 : memref<1x2x8x128xf32, #tpu.memory_space<hbm>> -> memref<2x8x128xf32, #tpu.memory_space<hbm>>
    tpu.enqueue_dma source(%dma_start3A_323 : memref<2x8x128xf32, #tpu.memory_space<hbm>>) target(%dma_start3A_319 : memref<2x8x128xf32, #tpu.memory_space<vmem>>) target_semaphore(%arg12 : memref<!tpu.dma_semaphore, #tpu.memory_space<semaphore_mem>>)
    %dma_start3A_324 = arith.constant 1 : i32
    %dma_start3A_325 = arith.constant 1 : i32
    %dma_start3A_326 = arith.constant 0 : i32
    %dma_start3A_327 = arith.constant 0 : i32
    %dma_start3A_328 = arith.constant 0 : i32
    %dma_start3A_329 = tpu.memref_slice %arg4[%dma_start3A_325, %dma_start3A_326, %dma_start3A_327, %dma_start3A_328] : memref<2x2x8x128xf32, #tpu.memory_space<vmem>> -> memref<1x2x8x128xf32, #tpu.memory_space<vmem>>
    %dma_start3A_330 = tpu.memref_squeeze %dma_start3A_329 : memref<1x2x8x128xf32, #tpu.memory_space<vmem>> -> memref<2x8x128xf32, #tpu.memory_space<vmem>>
    %dma_start3A_331 = arith.constant 0 : i32
    %dma_start3A_332 = arith.constant 0 : i32
    %dma_start3A_333 = tpu.memref_slice %arg2[%dma_start3A_324, %min3A_303, %dma_start3A_331, %dma_start3A_332] : memref<2x8125x8x128xf32, #tpu.memory_space<hbm>> -> memref<1x2x8x128xf32, #tpu.memory_space<hbm>>
    %dma_start3A_334 = tpu.memref_squeeze %dma_start3A_333 : memref<1x2x8x128xf32, #tpu.memory_space<hbm>> -> memref<2x8x128xf32, #tpu.memory_space<hbm>>
    %dma_start3A_335 = arith.constant 0 : i32
    %dma_start3A_336 = arith.constant 0 : i32
    %dma_start3A_337 = arith.constant 0 : i32
    %dma_start3A_338 = tpu.memref_slice %arg4[%dma_start3A_325, %dma_start3A_335, %dma_start3A_336, %dma_start3A_337] : memref<2x2x8x128xf32, #tpu.memory_space<vmem>> -> memref<1x2x8x128xf32, #tpu.memory_space<vmem>>
    %dma_start3A_339 = tpu.memref_squeeze %dma_start3A_338 : memref<1x2x8x128xf32, #tpu.memory_space<vmem>> -> memref<2x8x128xf32, #tpu.memory_space<vmem>>
    %dma_start3A_340 = arith.constant 0 : i32
    %dma_start3A_341 = arith.constant 0 : i32
    %dma_start3A_342 = tpu.memref_slice %arg2[%dma_start3A_324, %min3A_303, %dma_start3A_340, %dma_start3A_341] : memref<2x8125x8x128xf32, #tpu.memory_space<hbm>> -> memref<1x2x8x128xf32, #tpu.memory_space<hbm>>
    %dma_start3A_343 = tpu.memref_squeeze %dma_start3A_342 : memref<1x2x8x128xf32, #tpu.memory_space<hbm>> -> memref<2x8x128xf32, #tpu.memory_space<hbm>>
    tpu.enqueue_dma source(%dma_start3A_343 : memref<2x8x128xf32, #tpu.memory_space<hbm>>) target(%dma_start3A_339 : memref<2x8x128xf32, #tpu.memory_space<vmem>>) target_semaphore(%arg12 : memref<!tpu.dma_semaphore, #tpu.memory_space<semaphore_mem>>)
    %dma_wait3A_344 = arith.constant 0 : i32
    %dma_wait3A_345 = arith.constant 0 : i32
    %dma_wait3A_346 = arith.constant 0 : i32
    %dma_wait3A_347 = arith.constant 0 : i32
    %dma_wait3A_348 = arith.constant 0 : i32
    %dma_wait3A_349 = tpu.memref_slice %arg5[%dma_wait3A_345, %dma_wait3A_346, %dma_wait3A_347, %dma_wait3A_348] : memref<2x2x8x128xf32, #tpu.memory_space<vmem>> -> memref<1x2x8x128xf32, #tpu.memory_space<vmem>>
    %dma_wait3A_350 = tpu.memref_squeeze %dma_wait3A_349 : memref<1x2x8x128xf32, #tpu.memory_space<vmem>> -> memref<2x8x128xf32, #tpu.memory_space<vmem>>
    %dma_wait3A_351 = arith.constant 0 : i32
    %dma_wait3A_352 = arith.constant 0 : i32
    %dma_wait3A_353 = arith.constant 0 : i32
    %dma_wait3A_354 = tpu.memref_slice %arg2[%dma_wait3A_344, %dma_wait3A_351, %dma_wait3A_352, %dma_wait3A_353] : memref<2x8125x8x128xf32, #tpu.memory_space<hbm>> -> memref<1x2x8x128xf32, #tpu.memory_space<hbm>>
    %dma_wait3A_355 = tpu.memref_squeeze %dma_wait3A_354 : memref<1x2x8x128xf32, #tpu.memory_space<hbm>> -> memref<2x8x128xf32, #tpu.memory_space<hbm>>
    %dma_wait3A_356 = arith.constant 0 : i32
    %dma_wait3A_357 = arith.constant 0 : i32
    %dma_wait3A_358 = arith.constant 0 : i32
    %dma_wait3A_359 = tpu.memref_slice %arg5[%dma_wait3A_345, %dma_wait3A_356, %dma_wait3A_357, %dma_wait3A_358] : memref<2x2x8x128xf32, #tpu.memory_space<vmem>> -> memref<1x2x8x128xf32, #tpu.memory_space<vmem>>
    %dma_wait3A_360 = tpu.memref_squeeze %dma_wait3A_359 : memref<1x2x8x128xf32, #tpu.memory_space<vmem>> -> memref<2x8x128xf32, #tpu.memory_space<vmem>>
    %dma_wait3A_361 = arith.constant 0 : i32
    %dma_wait3A_362 = arith.constant 0 : i32
    %dma_wait3A_363 = arith.constant 0 : i32
    %dma_wait3A_364 = tpu.memref_slice %arg2[%dma_wait3A_344, %dma_wait3A_361, %dma_wait3A_362, %dma_wait3A_363] : memref<2x8125x8x128xf32, #tpu.memory_space<hbm>> -> memref<1x2x8x128xf32, #tpu.memory_space<hbm>>
    %dma_wait3A_365 = tpu.memref_squeeze %dma_wait3A_364 : memref<1x2x8x128xf32, #tpu.memory_space<hbm>> -> memref<2x8x128xf32, #tpu.memory_space<hbm>>
    tpu.wait_dma2 semaphore(%arg13 : memref<!tpu.dma_semaphore, #tpu.memory_space<semaphore_mem>>) src(%dma_wait3A_365 : memref<2x8x128xf32, #tpu.memory_space<hbm>>) dst(%dma_wait3A_360 : memref<2x8x128xf32, #tpu.memory_space<vmem>>)
    %dma_wait3A_366 = arith.constant 0 : i32
    %dma_wait3A_367 = arith.constant 1 : i32
    %dma_wait3A_368 = arith.constant 0 : i32
    %dma_wait3A_369 = arith.constant 0 : i32
    %dma_wait3A_370 = arith.constant 0 : i32
    %dma_wait3A_371 = tpu.memref_slice %arg5[%dma_wait3A_367, %dma_wait3A_368, %dma_wait3A_369, %dma_wait3A_370] : memref<2x2x8x128xf32, #tpu.memory_space<vmem>> -> memref<1x2x8x128xf32, #tpu.memory_space<vmem>>
    %dma_wait3A_372 = tpu.memref_squeeze %dma_wait3A_371 : memref<1x2x8x128xf32, #tpu.memory_space<vmem>> -> memref<2x8x128xf32, #tpu.memory_space<vmem>>
    %dma_wait3A_373 = arith.constant 0 : i32
    %dma_wait3A_374 = arith.constant 0 : i32
    %dma_wait3A_375 = arith.constant 0 : i32
    %dma_wait3A_376 = tpu.memref_slice %arg2[%dma_wait3A_366, %dma_wait3A_373, %dma_wait3A_374, %dma_wait3A_375] : memref<2x8125x8x128xf32, #tpu.memory_space<hbm>> -> memref<1x2x8x128xf32, #tpu.memory_space<hbm>>
    %dma_wait3A_377 = tpu.memref_squeeze %dma_wait3A_376 : memref<1x2x8x128xf32, #tpu.memory_space<hbm>> -> memref<2x8x128xf32, #tpu.memory_space<hbm>>
    %dma_wait3A_378 = arith.constant 0 : i32
    %dma_wait3A_379 = arith.constant 0 : i32
    %dma_wait3A_380 = arith.constant 0 : i32
    %dma_wait3A_381 = tpu.memref_slice %arg5[%dma_wait3A_367, %dma_wait3A_378, %dma_wait3A_379, %dma_wait3A_380] : memref<2x2x8x128xf32, #tpu.memory_space<vmem>> -> memref<1x2x8x128xf32, #tpu.memory_space<vmem>>
    %dma_wait3A_382 = tpu.memref_squeeze %dma_wait3A_381 : memref<1x2x8x128xf32, #tpu.memory_space<vmem>> -> memref<2x8x128xf32, #tpu.memory_space<vmem>>
    %dma_wait3A_383 = arith.constant 0 : i32
    %dma_wait3A_384 = arith.constant 0 : i32
    %dma_wait3A_385 = arith.constant 0 : i32
    %dma_wait3A_386 = tpu.memref_slice %arg2[%dma_wait3A_366, %dma_wait3A_383, %dma_wait3A_384, %dma_wait3A_385] : memref<2x8125x8x128xf32, #tpu.memory_space<hbm>> -> memref<1x2x8x128xf32, #tpu.memory_space<hbm>>
    %dma_wait3A_387 = tpu.memref_squeeze %dma_wait3A_386 : memref<1x2x8x128xf32, #tpu.memory_space<hbm>> -> memref<2x8x128xf32, #tpu.memory_space<hbm>>
    tpu.wait_dma2 semaphore(%arg13 : memref<!tpu.dma_semaphore, #tpu.memory_space<semaphore_mem>>) src(%dma_wait3A_387 : memref<2x8x128xf32, #tpu.memory_space<hbm>>) dst(%dma_wait3A_382 : memref<2x8x128xf32, #tpu.memory_space<vmem>>)
    %scan3A_388 = arith.constant 0 : i32
    %scan3A_389 = arith.constant 0 : i32
    %scan3A_390 = arith.constant 32 : i32
    %scan3A_391 = arith.addi %scan3A_389, %scan3A_390 : i32
    %scan3A_392 = arith.constant 1 : i32
    scf.for %scan3A_710 = %scan3A_389 to %scan3A_391 step %scan3A_392  : i32 {
      %mul3A_711 = arith.constant 4 : i32
      %mul3A_712 = arith.muli %scan3A_710, %mul3A_711 : i32
      %add3A_713 = arith.constant 0 : i32
      %add3A_714 = arith.addi %mul3A_712, %add3A_713 : i32
      %add3A_715 = vector.broadcast %add3A_714 : i32 to vector<16xi32>
      %add3A_716 = arith.addi %iota3A, %add3A_715 : vector<16xi32>
      %and3A_717 = arith.constant 127 : i32
      %and3A_718 = vector.broadcast %and3A_717 : i32 to vector<16xi32>
      %and3A_719 = arith.andi %add3A_716, %and3A_718 : vector<16xi32>
      %broadcast_in_dim3A = arith.constant 0 : i32
      %broadcast_in_dim3A_720 = vector.broadcast %broadcast_in_dim3A : i32 to vector<16xi32>
      %gather3A = tpu.vector_load_idx %arg5[%select_n3A, %broadcast_in_dim3A_720, %select_n3A_43, %and3A_719] : memref<2x2x8x128xf32, #tpu.memory_space<vmem>>[vector<16xi32>, vector<16xi32>, vector<16xi32>, vector<16xi32>], vector<16xf32>,
      %add3A_721 = arith.constant 0 : i32
      %add3A_722 = vector.broadcast %add3A_721 : i32 to vector<16xi32>
      %add3A_723 = arith.addi %and3A_719, %add3A_722 : vector<16xi32>
      tpu.vector_store_idx %arg9[%add3A_723, %iota3A], %gather3A : memref<256x16xf32, #tpu.memory_space<vmem>>[vector<16xi32>, vector<16xi32>], vector<16xf32>,
      %broadcast_in_dim3A_724 = arith.constant 1 : i32
      %broadcast_in_dim3A_725 = vector.broadcast %broadcast_in_dim3A_724 : i32 to vector<16xi32>
      %gather3A_726 = tpu.vector_load_idx %arg5[%select_n3A, %broadcast_in_dim3A_725, %select_n3A_43, %and3A_719] : memref<2x2x8x128xf32, #tpu.memory_space<vmem>>[vector<16xi32>, vector<16xi32>, vector<16xi32>, vector<16xi32>], vector<16xf32>,
      %add3A_727 = arith.constant 128 : i32
      %add3A_728 = vector.broadcast %add3A_727 : i32 to vector<16xi32>
      %add3A_729 = arith.addi %and3A_719, %add3A_728 : vector<16xi32>
      tpu.vector_store_idx %arg9[%add3A_729, %iota3A], %gather3A_726 : memref<256x16xf32, #tpu.memory_space<vmem>>[vector<16xi32>, vector<16xi32>], vector<16xf32>,
      %mul3A_730 = arith.constant 4 : i32
      %mul3A_731 = arith.muli %scan3A_710, %mul3A_730 : i32
      %add3A_732 = arith.constant 1 : i32
      %add3A_733 = arith.addi %mul3A_731, %add3A_732 : i32
      %add3A_734 = vector.broadcast %add3A_733 : i32 to vector<16xi32>
      %add3A_735 = arith.addi %iota3A, %add3A_734 : vector<16xi32>
      %and3A_736 = arith.constant 127 : i32
      %and3A_737 = vector.broadcast %and3A_736 : i32 to vector<16xi32>
      %and3A_738 = arith.andi %add3A_735, %and3A_737 : vector<16xi32>
      %broadcast_in_dim3A_739 = arith.constant 0 : i32
      %broadcast_in_dim3A_740 = vector.broadcast %broadcast_in_dim3A_739 : i32 to vector<16xi32>
      %gather3A_741 = tpu.vector_load_idx %arg5[%select_n3A, %broadcast_in_dim3A_740, %select_n3A_43, %and3A_738] : memref<2x2x8x128xf32, #tpu.memory_space<vmem>>[vector<16xi32>, vector<16xi32>, vector<16xi32>, vector<16xi32>], vector<16xf32>,
      %add3A_742 = arith.constant 0 : i32
      %add3A_743 = vector.broadcast %add3A_742 : i32 to vector<16xi32>
      %add3A_744 = arith.addi %and3A_738, %add3A_743 : vector<16xi32>
      tpu.vector_store_idx %arg9[%add3A_744, %iota3A], %gather3A_741 : memref<256x16xf32, #tpu.memory_space<vmem>>[vector<16xi32>, vector<16xi32>], vector<16xf32>,
      %broadcast_in_dim3A_745 = arith.constant 1 : i32
      %broadcast_in_dim3A_746 = vector.broadcast %broadcast_in_dim3A_745 : i32 to vector<16xi32>
      %gather3A_747 = tpu.vector_load_idx %arg5[%select_n3A, %broadcast_in_dim3A_746, %select_n3A_43, %and3A_738] : memref<2x2x8x128xf32, #tpu.memory_space<vmem>>[vector<16xi32>, vector<16xi32>, vector<16xi32>, vector<16xi32>], vector<16xf32>,
      %add3A_748 = arith.constant 128 : i32
      %add3A_749 = vector.broadcast %add3A_748 : i32 to vector<16xi32>
      %add3A_750 = arith.addi %and3A_738, %add3A_749 : vector<16xi32>
      tpu.vector_store_idx %arg9[%add3A_750, %iota3A], %gather3A_747 : memref<256x16xf32, #tpu.memory_space<vmem>>[vector<16xi32>, vector<16xi32>], vector<16xf32>,
      %mul3A_751 = arith.constant 4 : i32
      %mul3A_752 = arith.muli %scan3A_710, %mul3A_751 : i32
      %add3A_753 = arith.constant 2 : i32
      %add3A_754 = arith.addi %mul3A_752, %add3A_753 : i32
      %add3A_755 = vector.broadcast %add3A_754 : i32 to vector<16xi32>
      %add3A_756 = arith.addi %iota3A, %add3A_755 : vector<16xi32>
      %and3A_757 = arith.constant 127 : i32
      %and3A_758 = vector.broadcast %and3A_757 : i32 to vector<16xi32>
      %and3A_759 = arith.andi %add3A_756, %and3A_758 : vector<16xi32>
      %broadcast_in_dim3A_760 = arith.constant 0 : i32
      %broadcast_in_dim3A_761 = vector.broadcast %broadcast_in_dim3A_760 : i32 to vector<16xi32>
      %gather3A_762 = tpu.vector_load_idx %arg5[%select_n3A, %broadcast_in_dim3A_761, %select_n3A_43, %and3A_759] : memref<2x2x8x128xf32, #tpu.memory_space<vmem>>[vector<16xi32>, vector<16xi32>, vector<16xi32>, vector<16xi32>], vector<16xf32>,
      %add3A_763 = arith.constant 0 : i32
      %add3A_764 = vector.broadcast %add3A_763 : i32 to vector<16xi32>
      %add3A_765 = arith.addi %and3A_759, %add3A_764 : vector<16xi32>
      tpu.vector_store_idx %arg9[%add3A_765, %iota3A], %gather3A_762 : memref<256x16xf32, #tpu.memory_space<vmem>>[vector<16xi32>, vector<16xi32>], vector<16xf32>,
      %broadcast_in_dim3A_766 = arith.constant 1 : i32
      %broadcast_in_dim3A_767 = vector.broadcast %broadcast_in_dim3A_766 : i32 to vector<16xi32>
      %gather3A_768 = tpu.vector_load_idx %arg5[%select_n3A, %broadcast_in_dim3A_767, %select_n3A_43, %and3A_759] : memref<2x2x8x128xf32, #tpu.memory_space<vmem>>[vector<16xi32>, vector<16xi32>, vector<16xi32>, vector<16xi32>], vector<16xf32>,
      %add3A_769 = arith.constant 128 : i32
      %add3A_770 = vector.broadcast %add3A_769 : i32 to vector<16xi32>
      %add3A_771 = arith.addi %and3A_759, %add3A_770 : vector<16xi32>
      tpu.vector_store_idx %arg9[%add3A_771, %iota3A], %gather3A_768 : memref<256x16xf32, #tpu.memory_space<vmem>>[vector<16xi32>, vector<16xi32>], vector<16xf32>,
      %mul3A_772 = arith.constant 4 : i32
      %mul3A_773 = arith.muli %scan3A_710, %mul3A_772 : i32
      %add3A_774 = arith.constant 3 : i32
      %add3A_775 = arith.addi %mul3A_773, %add3A_774 : i32
      %add3A_776 = vector.broadcast %add3A_775 : i32 to vector<16xi32>
      %add3A_777 = arith.addi %iota3A, %add3A_776 : vector<16xi32>
      %and3A_778 = arith.constant 127 : i32
      %and3A_779 = vector.broadcast %and3A_778 : i32 to vector<16xi32>
      %and3A_780 = arith.andi %add3A_777, %and3A_779 : vector<16xi32>
      %broadcast_in_dim3A_781 = arith.constant 0 : i32
      %broadcast_in_dim3A_782 = vector.broadcast %broadcast_in_dim3A_781 : i32 to vector<16xi32>
      %gather3A_783 = tpu.vector_load_idx %arg5[%select_n3A, %broadcast_in_dim3A_782, %select_n3A_43, %and3A_780] : memref<2x2x8x128xf32, #tpu.memory_space<vmem>>[vector<16xi32>, vector<16xi32>, vector<16xi32>, vector<16xi32>], vector<16xf32>,
      %add3A_784 = arith.constant 0 : i32
      %add3A_785 = vector.broadcast %add3A_784 : i32 to vector<16xi32>
      %add3A_786 = arith.addi %and3A_780, %add3A_785 : vector<16xi32>
      tpu.vector_store_idx %arg9[%add3A_786, %iota3A], %gather3A_783 : memref<256x16xf32, #tpu.memory_space<vmem>>[vector<16xi32>, vector<16xi32>], vector<16xf32>,
      %broadcast_in_dim3A_787 = arith.constant 1 : i32
      %broadcast_in_dim3A_788 = vector.broadcast %broadcast_in_dim3A_787 : i32 to vector<16xi32>
      %gather3A_789 = tpu.vector_load_idx %arg5[%select_n3A, %broadcast_in_dim3A_788, %select_n3A_43, %and3A_780] : memref<2x2x8x128xf32, #tpu.memory_space<vmem>>[vector<16xi32>, vector<16xi32>, vector<16xi32>, vector<16xi32>], vector<16xf32>,
      %add3A_790 = arith.constant 128 : i32
      %add3A_791 = vector.broadcast %add3A_790 : i32 to vector<16xi32>
      %add3A_792 = arith.addi %and3A_780, %add3A_791 : vector<16xi32>
      tpu.vector_store_idx %arg9[%add3A_792, %iota3A], %gather3A_789 : memref<256x16xf32, #tpu.memory_space<vmem>>[vector<16xi32>, vector<16xi32>], vector<16xf32>,
    }
    %scan3A_393 = arith.constant 32 : i32
    %mul3A_394 = arith.constant 128 : i32
    %mul3A_395 = arith.muli %add3A, %mul3A_394 : i32
    %add3A_396 = arith.constant 1 : i32
    %add3A_397 = arith.addi %mul3A_395, %add3A_396 : i32
    %mul3A_398 = arith.constant 2 : i32
    %mul3A_399 = arith.muli %add3A_397, %mul3A_398 : i32
    %min3A_400 = arith.constant 8123 : i32
    %min3A_401 = arith.minsi %mul3A_399, %min3A_400 : i32
    %mul3A_402 = arith.constant 128 : i32
    %mul3A_403 = arith.muli %min3A_401, %mul3A_402 : i32
    %dma_start3A_404 = arith.constant 0 : i32
    %dma_start3A_405 = tpu.memref_slice %arg3[%mul3A_403, %dma_start3A_404] : memref<1040000x16xf32, #tpu.memory_space<hbm>> -> memref<256x16xf32, #tpu.memory_space<hbm>>
    %dma_start3A_406 = arith.constant 0 : i32
    %dma_start3A_407 = tpu.memref_slice %arg3[%mul3A_403, %dma_start3A_406] : memref<1040000x16xf32, #tpu.memory_space<hbm>> -> memref<256x16xf32, #tpu.memory_space<hbm>>
    tpu.enqueue_dma source(%arg9 : memref<256x16xf32, #tpu.memory_space<vmem>>) target(%dma_start3A_407 : memref<256x16xf32, #tpu.memory_space<hbm>>) target_semaphore(%arg17 : memref<!tpu.dma_semaphore, #tpu.memory_space<semaphore_mem>>)
    %mul3A_408 = arith.constant 128 : i32
    %mul3A_409 = arith.muli %add3A, %mul3A_408 : i32
    %add3A_410 = arith.constant 5 : i32
    %add3A_411 = arith.addi %mul3A_409, %add3A_410 : i32
    %mul3A_412 = arith.constant 2 : i32
    %mul3A_413 = arith.muli %add3A_411, %mul3A_412 : i32
    %min3A_414 = arith.constant 8123 : i32
    %min3A_415 = arith.minsi %mul3A_413, %min3A_414 : i32
    %dma_start3A_416 = arith.constant 0 : i32
    %dma_start3A_417 = arith.constant 0 : i32
    %dma_start3A_418 = arith.constant 0 : i32
    %dma_start3A_419 = arith.constant 0 : i32
    %dma_start3A_420 = arith.constant 0 : i32
    %dma_start3A_421 = tpu.memref_slice %arg5[%dma_start3A_417, %dma_start3A_418, %dma_start3A_419, %dma_start3A_420] : memref<2x2x8x128xf32, #tpu.memory_space<vmem>> -> memref<1x2x8x128xf32, #tpu.memory_space<vmem>>
    %dma_start3A_422 = tpu.memref_squeeze %dma_start3A_421 : memref<1x2x8x128xf32, #tpu.memory_space<vmem>> -> memref<2x8x128xf32, #tpu.memory_space<vmem>>
    %dma_start3A_423 = arith.constant 0 : i32
    %dma_start3A_424 = arith.constant 0 : i32
    %dma_start3A_425 = tpu.memref_slice %arg2[%dma_start3A_416, %min3A_415, %dma_start3A_423, %dma_start3A_424] : memref<2x8125x8x128xf32, #tpu.memory_space<hbm>> -> memref<1x2x8x128xf32, #tpu.memory_space<hbm>>
    %dma_start3A_426 = tpu.memref_squeeze %dma_start3A_425 : memref<1x2x8x128xf32, #tpu.memory_space<hbm>> -> memref<2x8x128xf32, #tpu.memory_space<hbm>>
    %dma_start3A_427 = arith.constant 0 : i32
    %dma_start3A_428 = arith.constant 0 : i32
    %dma_start3A_429 = arith.constant 0 : i32
    %dma_start3A_430 = tpu.memref_slice %arg5[%dma_start3A_417, %dma_start3A_427, %dma_start3A_428, %dma_start3A_429] : memref<2x2x8x128xf32, #tpu.memory_space<vmem>> -> memref<1x2x8x128xf32, #tpu.memory_space<vmem>>
    %dma_start3A_431 = tpu.memref_squeeze %dma_start3A_430 : memref<1x2x8x128xf32, #tpu.memory_space<vmem>> -> memref<2x8x128xf32, #tpu.memory_space<vmem>>
    %dma_start3A_432 = arith.constant 0 : i32
    %dma_start3A_433 = arith.constant 0 : i32
    %dma_start3A_434 = tpu.memref_slice %arg2[%dma_start3A_416, %min3A_415, %dma_start3A_432, %dma_start3A_433] : memref<2x8125x8x128xf32, #tpu.memory_space<hbm>> -> memref<1x2x8x128xf32, #tpu.memory_space<hbm>>
    %dma_start3A_435 = tpu.memref_squeeze %dma_start3A_434 : memref<1x2x8x128xf32, #tpu.memory_space<hbm>> -> memref<2x8x128xf32, #tpu.memory_space<hbm>>
    tpu.enqueue_dma source(%dma_start3A_435 : memref<2x8x128xf32, #tpu.memory_space<hbm>>) target(%dma_start3A_431 : memref<2x8x128xf32, #tpu.memory_space<vmem>>) target_semaphore(%arg13 : memref<!tpu.dma_semaphore, #tpu.memory_space<semaphore_mem>>)
    %dma_start3A_436 = arith.constant 1 : i32
    %dma_start3A_437 = arith.constant 1 : i32
    %dma_start3A_438 = arith.constant 0 : i32
    %dma_start3A_439 = arith.constant 0 : i32
    %dma_start3A_440 = arith.constant 0 : i32
    %dma_start3A_441 = tpu.memref_slice %arg5[%dma_start3A_437, %dma_start3A_438, %dma_start3A_439, %dma_start3A_440] : memref<2x2x8x128xf32, #tpu.memory_space<vmem>> -> memref<1x2x8x128xf32, #tpu.memory_space<vmem>>
    %dma_start3A_442 = tpu.memref_squeeze %dma_start3A_441 : memref<1x2x8x128xf32, #tpu.memory_space<vmem>> -> memref<2x8x128xf32, #tpu.memory_space<vmem>>
    %dma_start3A_443 = arith.constant 0 : i32
    %dma_start3A_444 = arith.constant 0 : i32
    %dma_start3A_445 = tpu.memref_slice %arg2[%dma_start3A_436, %min3A_415, %dma_start3A_443, %dma_start3A_444] : memref<2x8125x8x128xf32, #tpu.memory_space<hbm>> -> memref<1x2x8x128xf32, #tpu.memory_space<hbm>>
    %dma_start3A_446 = tpu.memref_squeeze %dma_start3A_445 : memref<1x2x8x128xf32, #tpu.memory_space<hbm>> -> memref<2x8x128xf32, #tpu.memory_space<hbm>>
    %dma_start3A_447 = arith.constant 0 : i32
    %dma_start3A_448 = arith.constant 0 : i32
    %dma_start3A_449 = arith.constant 0 : i32
    %dma_start3A_450 = tpu.memref_slice %arg5[%dma_start3A_437, %dma_start3A_447, %dma_start3A_448, %dma_start3A_449] : memref<2x2x8x128xf32, #tpu.memory_space<vmem>> -> memref<1x2x8x128xf32, #tpu.memory_space<vmem>>
    %dma_start3A_451 = tpu.memref_squeeze %dma_start3A_450 : memref<1x2x8x128xf32, #tpu.memory_space<vmem>> -> memref<2x8x128xf32, #tpu.memory_space<vmem>>
    %dma_start3A_452 = arith.constant 0 : i32
    %dma_start3A_453 = arith.constant 0 : i32
    %dma_start3A_454 = tpu.memref_slice %arg2[%dma_start3A_436, %min3A_415, %dma_start3A_452, %dma_start3A_453] : memref<2x8125x8x128xf32, #tpu.memory_space<hbm>> -> memref<1x2x8x128xf32, #tpu.memory_space<hbm>>
    %dma_start3A_455 = tpu.memref_squeeze %dma_start3A_454 : memref<1x2x8x128xf32, #tpu.memory_space<hbm>> -> memref<2x8x128xf32, #tpu.memory_space<hbm>>
    tpu.enqueue_dma source(%dma_start3A_455 : memref<2x8x128xf32, #tpu.memory_space<hbm>>) target(%dma_start3A_451 : memref<2x8x128xf32, #tpu.memory_space<vmem>>) target_semaphore(%arg13 : memref<!tpu.dma_semaphore, #tpu.memory_space<semaphore_mem>>)
    %dma_wait3A_456 = arith.constant 0 : i32
    %dma_wait3A_457 = arith.constant 0 : i32
    %dma_wait3A_458 = arith.constant 0 : i32
    %dma_wait3A_459 = arith.constant 0 : i32
    %dma_wait3A_460 = arith.constant 0 : i32
    %dma_wait3A_461 = tpu.memref_slice %arg6[%dma_wait3A_457, %dma_wait3A_458, %dma_wait3A_459, %dma_wait3A_460] : memref<2x2x8x128xf32, #tpu.memory_space<vmem>> -> memref<1x2x8x128xf32, #tpu.memory_space<vmem>>
    %dma_wait3A_462 = tpu.memref_squeeze %dma_wait3A_461 : memref<1x2x8x128xf32, #tpu.memory_space<vmem>> -> memref<2x8x128xf32, #tpu.memory_space<vmem>>
    %dma_wait3A_463 = arith.constant 0 : i32
    %dma_wait3A_464 = arith.constant 0 : i32
    %dma_wait3A_465 = arith.constant 0 : i32
    %dma_wait3A_466 = tpu.memref_slice %arg2[%dma_wait3A_456, %dma_wait3A_463, %dma_wait3A_464, %dma_wait3A_465] : memref<2x8125x8x128xf32, #tpu.memory_space<hbm>> -> memref<1x2x8x128xf32, #tpu.memory_space<hbm>>
    %dma_wait3A_467 = tpu.memref_squeeze %dma_wait3A_466 : memref<1x2x8x128xf32, #tpu.memory_space<hbm>> -> memref<2x8x128xf32, #tpu.memory_space<hbm>>
    %dma_wait3A_468 = arith.constant 0 : i32
    %dma_wait3A_469 = arith.constant 0 : i32
    %dma_wait3A_470 = arith.constant 0 : i32
    %dma_wait3A_471 = tpu.memref_slice %arg6[%dma_wait3A_457, %dma_wait3A_468, %dma_wait3A_469, %dma_wait3A_470] : memref<2x2x8x128xf32, #tpu.memory_space<vmem>> -> memref<1x2x8x128xf32, #tpu.memory_space<vmem>>
    %dma_wait3A_472 = tpu.memref_squeeze %dma_wait3A_471 : memref<1x2x8x128xf32, #tpu.memory_space<vmem>> -> memref<2x8x128xf32, #tpu.memory_space<vmem>>
    %dma_wait3A_473 = arith.constant 0 : i32
    %dma_wait3A_474 = arith.constant 0 : i32
    %dma_wait3A_475 = arith.constant 0 : i32
    %dma_wait3A_476 = tpu.memref_slice %arg2[%dma_wait3A_456, %dma_wait3A_473, %dma_wait3A_474, %dma_wait3A_475] : memref<2x8125x8x128xf32, #tpu.memory_space<hbm>> -> memref<1x2x8x128xf32, #tpu.memory_space<hbm>>
    %dma_wait3A_477 = tpu.memref_squeeze %dma_wait3A_476 : memref<1x2x8x128xf32, #tpu.memory_space<hbm>> -> memref<2x8x128xf32, #tpu.memory_space<hbm>>
    tpu.wait_dma2 semaphore(%arg14 : memref<!tpu.dma_semaphore, #tpu.memory_space<semaphore_mem>>) src(%dma_wait3A_477 : memref<2x8x128xf32, #tpu.memory_space<hbm>>) dst(%dma_wait3A_472 : memref<2x8x128xf32, #tpu.memory_space<vmem>>)
    %dma_wait3A_478 = arith.constant 0 : i32
    %dma_wait3A_479 = arith.constant 1 : i32
    %dma_wait3A_480 = arith.constant 0 : i32
    %dma_wait3A_481 = arith.constant 0 : i32
    %dma_wait3A_482 = arith.constant 0 : i32
    %dma_wait3A_483 = tpu.memref_slice %arg6[%dma_wait3A_479, %dma_wait3A_480, %dma_wait3A_481, %dma_wait3A_482] : memref<2x2x8x128xf32, #tpu.memory_space<vmem>> -> memref<1x2x8x128xf32, #tpu.memory_space<vmem>>
    %dma_wait3A_484 = tpu.memref_squeeze %dma_wait3A_483 : memref<1x2x8x128xf32, #tpu.memory_space<vmem>> -> memref<2x8x128xf32, #tpu.memory_space<vmem>>
    %dma_wait3A_485 = arith.constant 0 : i32
    %dma_wait3A_486 = arith.constant 0 : i32
    %dma_wait3A_487 = arith.constant 0 : i32
    %dma_wait3A_488 = tpu.memref_slice %arg2[%dma_wait3A_478, %dma_wait3A_485, %dma_wait3A_486, %dma_wait3A_487] : memref<2x8125x8x128xf32, #tpu.memory_space<hbm>> -> memref<1x2x8x128xf32, #tpu.memory_space<hbm>>
    %dma_wait3A_489 = tpu.memref_squeeze %dma_wait3A_488 : memref<1x2x8x128xf32, #tpu.memory_space<hbm>> -> memref<2x8x128xf32, #tpu.memory_space<hbm>>
    %dma_wait3A_490 = arith.constant 0 : i32
    %dma_wait3A_491 = arith.constant 0 : i32
    %dma_wait3A_492 = arith.constant 0 : i32
    %dma_wait3A_493 = tpu.memref_slice %arg6[%dma_wait3A_479, %dma_wait3A_490, %dma_wait3A_491, %dma_wait3A_492] : memref<2x2x8x128xf32, #tpu.memory_space<vmem>> -> memref<1x2x8x128xf32, #tpu.memory_space<vmem>>
    %dma_wait3A_494 = tpu.memref_squeeze %dma_wait3A_493 : memref<1x2x8x128xf32, #tpu.memory_space<vmem>> -> memref<2x8x128xf32, #tpu.memory_space<vmem>>
    %dma_wait3A_495 = arith.constant 0 : i32
    %dma_wait3A_496 = arith.constant 0 : i32
    %dma_wait3A_497 = arith.constant 0 : i32
    %dma_wait3A_498 = tpu.memref_slice %arg2[%dma_wait3A_478, %dma_wait3A_495, %dma_wait3A_496, %dma_wait3A_497] : memref<2x8125x8x128xf32, #tpu.memory_space<hbm>> -> memref<1x2x8x128xf32, #tpu.memory_space<hbm>>
    %dma_wait3A_499 = tpu.memref_squeeze %dma_wait3A_498 : memref<1x2x8x128xf32, #tpu.memory_space<hbm>> -> memref<2x8x128xf32, #tpu.memory_space<hbm>>
    tpu.wait_dma2 semaphore(%arg14 : memref<!tpu.dma_semaphore, #tpu.memory_space<semaphore_mem>>) src(%dma_wait3A_499 : memref<2x8x128xf32, #tpu.memory_space<hbm>>) dst(%dma_wait3A_494 : memref<2x8x128xf32, #tpu.memory_space<vmem>>)
    %scan3A_500 = arith.constant 0 : i32
    %scan3A_501 = arith.constant 0 : i32
    %scan3A_502 = arith.constant 32 : i32
    %scan3A_503 = arith.addi %scan3A_501, %scan3A_502 : i32
    %scan3A_504 = arith.constant 1 : i32
    scf.for %scan3A_710 = %scan3A_501 to %scan3A_503 step %scan3A_504  : i32 {
      %mul3A_711 = arith.constant 4 : i32
      %mul3A_712 = arith.muli %scan3A_710, %mul3A_711 : i32
      %add3A_713 = arith.constant 0 : i32
      %add3A_714 = arith.addi %mul3A_712, %add3A_713 : i32
      %add3A_715 = vector.broadcast %add3A_714 : i32 to vector<16xi32>
      %add3A_716 = arith.addi %iota3A, %add3A_715 : vector<16xi32>
      %and3A_717 = arith.constant 127 : i32
      %and3A_718 = vector.broadcast %and3A_717 : i32 to vector<16xi32>
      %and3A_719 = arith.andi %add3A_716, %and3A_718 : vector<16xi32>
      %broadcast_in_dim3A = arith.constant 0 : i32
      %broadcast_in_dim3A_720 = vector.broadcast %broadcast_in_dim3A : i32 to vector<16xi32>
      %gather3A = tpu.vector_load_idx %arg6[%select_n3A, %broadcast_in_dim3A_720, %select_n3A_43, %and3A_719] : memref<2x2x8x128xf32, #tpu.memory_space<vmem>>[vector<16xi32>, vector<16xi32>, vector<16xi32>, vector<16xi32>], vector<16xf32>,
      %add3A_721 = arith.constant 0 : i32
      %add3A_722 = vector.broadcast %add3A_721 : i32 to vector<16xi32>
      %add3A_723 = arith.addi %and3A_719, %add3A_722 : vector<16xi32>
      tpu.vector_store_idx %arg10[%add3A_723, %iota3A], %gather3A : memref<256x16xf32, #tpu.memory_space<vmem>>[vector<16xi32>, vector<16xi32>], vector<16xf32>,
      %broadcast_in_dim3A_724 = arith.constant 1 : i32
      %broadcast_in_dim3A_725 = vector.broadcast %broadcast_in_dim3A_724 : i32 to vector<16xi32>
      %gather3A_726 = tpu.vector_load_idx %arg6[%select_n3A, %broadcast_in_dim3A_725, %select_n3A_43, %and3A_719] : memref<2x2x8x128xf32, #tpu.memory_space<vmem>>[vector<16xi32>, vector<16xi32>, vector<16xi32>, vector<16xi32>], vector<16xf32>,
      %add3A_727 = arith.constant 128 : i32
      %add3A_728 = vector.broadcast %add3A_727 : i32 to vector<16xi32>
      %add3A_729 = arith.addi %and3A_719, %add3A_728 : vector<16xi32>
      tpu.vector_store_idx %arg10[%add3A_729, %iota3A], %gather3A_726 : memref<256x16xf32, #tpu.memory_space<vmem>>[vector<16xi32>, vector<16xi32>], vector<16xf32>,
      %mul3A_730 = arith.constant 4 : i32
      %mul3A_731 = arith.muli %scan3A_710, %mul3A_730 : i32
      %add3A_732 = arith.constant 1 : i32
      %add3A_733 = arith.addi %mul3A_731, %add3A_732 : i32
      %add3A_734 = vector.broadcast %add3A_733 : i32 to vector<16xi32>
      %add3A_735 = arith.addi %iota3A, %add3A_734 : vector<16xi32>
      %and3A_736 = arith.constant 127 : i32
      %and3A_737 = vector.broadcast %and3A_736 : i32 to vector<16xi32>
      %and3A_738 = arith.andi %add3A_735, %and3A_737 : vector<16xi32>
      %broadcast_in_dim3A_739 = arith.constant 0 : i32
      %broadcast_in_dim3A_740 = vector.broadcast %broadcast_in_dim3A_739 : i32 to vector<16xi32>
      %gather3A_741 = tpu.vector_load_idx %arg6[%select_n3A, %broadcast_in_dim3A_740, %select_n3A_43, %and3A_738] : memref<2x2x8x128xf32, #tpu.memory_space<vmem>>[vector<16xi32>, vector<16xi32>, vector<16xi32>, vector<16xi32>], vector<16xf32>,
      %add3A_742 = arith.constant 0 : i32
      %add3A_743 = vector.broadcast %add3A_742 : i32 to vector<16xi32>
      %add3A_744 = arith.addi %and3A_738, %add3A_743 : vector<16xi32>
      tpu.vector_store_idx %arg10[%add3A_744, %iota3A], %gather3A_741 : memref<256x16xf32, #tpu.memory_space<vmem>>[vector<16xi32>, vector<16xi32>], vector<16xf32>,
      %broadcast_in_dim3A_745 = arith.constant 1 : i32
      %broadcast_in_dim3A_746 = vector.broadcast %broadcast_in_dim3A_745 : i32 to vector<16xi32>
      %gather3A_747 = tpu.vector_load_idx %arg6[%select_n3A, %broadcast_in_dim3A_746, %select_n3A_43, %and3A_738] : memref<2x2x8x128xf32, #tpu.memory_space<vmem>>[vector<16xi32>, vector<16xi32>, vector<16xi32>, vector<16xi32>], vector<16xf32>,
      %add3A_748 = arith.constant 128 : i32
      %add3A_749 = vector.broadcast %add3A_748 : i32 to vector<16xi32>
      %add3A_750 = arith.addi %and3A_738, %add3A_749 : vector<16xi32>
      tpu.vector_store_idx %arg10[%add3A_750, %iota3A], %gather3A_747 : memref<256x16xf32, #tpu.memory_space<vmem>>[vector<16xi32>, vector<16xi32>], vector<16xf32>,
      %mul3A_751 = arith.constant 4 : i32
      %mul3A_752 = arith.muli %scan3A_710, %mul3A_751 : i32
      %add3A_753 = arith.constant 2 : i32
      %add3A_754 = arith.addi %mul3A_752, %add3A_753 : i32
      %add3A_755 = vector.broadcast %add3A_754 : i32 to vector<16xi32>
      %add3A_756 = arith.addi %iota3A, %add3A_755 : vector<16xi32>
      %and3A_757 = arith.constant 127 : i32
      %and3A_758 = vector.broadcast %and3A_757 : i32 to vector<16xi32>
      %and3A_759 = arith.andi %add3A_756, %and3A_758 : vector<16xi32>
      %broadcast_in_dim3A_760 = arith.constant 0 : i32
      %broadcast_in_dim3A_761 = vector.broadcast %broadcast_in_dim3A_760 : i32 to vector<16xi32>
      %gather3A_762 = tpu.vector_load_idx %arg6[%select_n3A, %broadcast_in_dim3A_761, %select_n3A_43, %and3A_759] : memref<2x2x8x128xf32, #tpu.memory_space<vmem>>[vector<16xi32>, vector<16xi32>, vector<16xi32>, vector<16xi32>], vector<16xf32>,
      %add3A_763 = arith.constant 0 : i32
      %add3A_764 = vector.broadcast %add3A_763 : i32 to vector<16xi32>
      %add3A_765 = arith.addi %and3A_759, %add3A_764 : vector<16xi32>
      tpu.vector_store_idx %arg10[%add3A_765, %iota3A], %gather3A_762 : memref<256x16xf32, #tpu.memory_space<vmem>>[vector<16xi32>, vector<16xi32>], vector<16xf32>,
      %broadcast_in_dim3A_766 = arith.constant 1 : i32
      %broadcast_in_dim3A_767 = vector.broadcast %broadcast_in_dim3A_766 : i32 to vector<16xi32>
      %gather3A_768 = tpu.vector_load_idx %arg6[%select_n3A, %broadcast_in_dim3A_767, %select_n3A_43, %and3A_759] : memref<2x2x8x128xf32, #tpu.memory_space<vmem>>[vector<16xi32>, vector<16xi32>, vector<16xi32>, vector<16xi32>], vector<16xf32>,
      %add3A_769 = arith.constant 128 : i32
      %add3A_770 = vector.broadcast %add3A_769 : i32 to vector<16xi32>
      %add3A_771 = arith.addi %and3A_759, %add3A_770 : vector<16xi32>
      tpu.vector_store_idx %arg10[%add3A_771, %iota3A], %gather3A_768 : memref<256x16xf32, #tpu.memory_space<vmem>>[vector<16xi32>, vector<16xi32>], vector<16xf32>,
      %mul3A_772 = arith.constant 4 : i32
      %mul3A_773 = arith.muli %scan3A_710, %mul3A_772 : i32
      %add3A_774 = arith.constant 3 : i32
      %add3A_775 = arith.addi %mul3A_773, %add3A_774 : i32
      %add3A_776 = vector.broadcast %add3A_775 : i32 to vector<16xi32>
      %add3A_777 = arith.addi %iota3A, %add3A_776 : vector<16xi32>
      %and3A_778 = arith.constant 127 : i32
      %and3A_779 = vector.broadcast %and3A_778 : i32 to vector<16xi32>
      %and3A_780 = arith.andi %add3A_777, %and3A_779 : vector<16xi32>
      %broadcast_in_dim3A_781 = arith.constant 0 : i32
      %broadcast_in_dim3A_782 = vector.broadcast %broadcast_in_dim3A_781 : i32 to vector<16xi32>
      %gather3A_783 = tpu.vector_load_idx %arg6[%select_n3A, %broadcast_in_dim3A_782, %select_n3A_43, %and3A_780] : memref<2x2x8x128xf32, #tpu.memory_space<vmem>>[vector<16xi32>, vector<16xi32>, vector<16xi32>, vector<16xi32>], vector<16xf32>,
      %add3A_784 = arith.constant 0 : i32
      %add3A_785 = vector.broadcast %add3A_784 : i32 to vector<16xi32>
      %add3A_786 = arith.addi %and3A_780, %add3A_785 : vector<16xi32>
      tpu.vector_store_idx %arg10[%add3A_786, %iota3A], %gather3A_783 : memref<256x16xf32, #tpu.memory_space<vmem>>[vector<16xi32>, vector<16xi32>], vector<16xf32>,
      %broadcast_in_dim3A_787 = arith.constant 1 : i32
      %broadcast_in_dim3A_788 = vector.broadcast %broadcast_in_dim3A_787 : i32 to vector<16xi32>
      %gather3A_789 = tpu.vector_load_idx %arg6[%select_n3A, %broadcast_in_dim3A_788, %select_n3A_43, %and3A_780] : memref<2x2x8x128xf32, #tpu.memory_space<vmem>>[vector<16xi32>, vector<16xi32>, vector<16xi32>, vector<16xi32>], vector<16xf32>,
      %add3A_790 = arith.constant 128 : i32
      %add3A_791 = vector.broadcast %add3A_790 : i32 to vector<16xi32>
      %add3A_792 = arith.addi %and3A_780, %add3A_791 : vector<16xi32>
      tpu.vector_store_idx %arg10[%add3A_792, %iota3A], %gather3A_789 : memref<256x16xf32, #tpu.memory_space<vmem>>[vector<16xi32>, vector<16xi32>], vector<16xf32>,
    }
    %scan3A_505 = arith.constant 32 : i32
    %mul3A_506 = arith.constant 128 : i32
    %mul3A_507 = arith.muli %add3A, %mul3A_506 : i32
    %add3A_508 = arith.constant 2 : i32
    %add3A_509 = arith.addi %mul3A_507, %add3A_508 : i32
    %mul3A_510 = arith.constant 2 : i32
    %mul3A_511 = arith.muli %add3A_509, %mul3A_510 : i32
    %min3A_512 = arith.constant 8123 : i32
    %min3A_513 = arith.minsi %mul3A_511, %min3A_512 : i32
    %mul3A_514 = arith.constant 128 : i32
    %mul3A_515 = arith.muli %min3A_513, %mul3A_514 : i32
    %dma_start3A_516 = arith.constant 0 : i32
    %dma_start3A_517 = tpu.memref_slice %arg3[%mul3A_515, %dma_start3A_516] : memref<1040000x16xf32, #tpu.memory_space<hbm>> -> memref<256x16xf32, #tpu.memory_space<hbm>>
    %dma_start3A_518 = arith.constant 0 : i32
    %dma_start3A_519 = tpu.memref_slice %arg3[%mul3A_515, %dma_start3A_518] : memref<1040000x16xf32, #tpu.memory_space<hbm>> -> memref<256x16xf32, #tpu.memory_space<hbm>>
    tpu.enqueue_dma source(%arg10 : memref<256x16xf32, #tpu.memory_space<vmem>>) target(%dma_start3A_519 : memref<256x16xf32, #tpu.memory_space<hbm>>) target_semaphore(%arg18 : memref<!tpu.dma_semaphore, #tpu.memory_space<semaphore_mem>>)
    %mul3A_520 = arith.constant 128 : i32
    %mul3A_521 = arith.muli %add3A, %mul3A_520 : i32
    %add3A_522 = arith.constant 6 : i32
    %add3A_523 = arith.addi %mul3A_521, %add3A_522 : i32
    %mul3A_524 = arith.constant 2 : i32
    %mul3A_525 = arith.muli %add3A_523, %mul3A_524 : i32
    %min3A_526 = arith.constant 8123 : i32
    %min3A_527 = arith.minsi %mul3A_525, %min3A_526 : i32
    %dma_start3A_528 = arith.constant 0 : i32
    %dma_start3A_529 = arith.constant 0 : i32
    %dma_start3A_530 = arith.constant 0 : i32
    %dma_start3A_531 = arith.constant 0 : i32
    %dma_start3A_532 = arith.constant 0 : i32
    %dma_start3A_533 = tpu.memref_slice %arg6[%dma_start3A_529, %dma_start3A_530, %dma_start3A_531, %dma_start3A_532] : memref<2x2x8x128xf32, #tpu.memory_space<vmem>> -> memref<1x2x8x128xf32, #tpu.memory_space<vmem>>
    %dma_start3A_534 = tpu.memref_squeeze %dma_start3A_533 : memref<1x2x8x128xf32, #tpu.memory_space<vmem>> -> memref<2x8x128xf32, #tpu.memory_space<vmem>>
    %dma_start3A_535 = arith.constant 0 : i32
    %dma_start3A_536 = arith.constant 0 : i32
    %dma_start3A_537 = tpu.memref_slice %arg2[%dma_start3A_528, %min3A_527, %dma_start3A_535, %dma_start3A_536] : memref<2x8125x8x128xf32, #tpu.memory_space<hbm>> -> memref<1x2x8x128xf32, #tpu.memory_space<hbm>>
    %dma_start3A_538 = tpu.memref_squeeze %dma_start3A_537 : memref<1x2x8x128xf32, #tpu.memory_space<hbm>> -> memref<2x8x128xf32, #tpu.memory_space<hbm>>
    %dma_start3A_539 = arith.constant 0 : i32
    %dma_start3A_540 = arith.constant 0 : i32
    %dma_start3A_541 = arith.constant 0 : i32
    %dma_start3A_542 = tpu.memref_slice %arg6[%dma_start3A_529, %dma_start3A_539, %dma_start3A_540, %dma_start3A_541] : memref<2x2x8x128xf32, #tpu.memory_space<vmem>> -> memref<1x2x8x128xf32, #tpu.memory_space<vmem>>
    %dma_start3A_543 = tpu.memref_squeeze %dma_start3A_542 : memref<1x2x8x128xf32, #tpu.memory_space<vmem>> -> memref<2x8x128xf32, #tpu.memory_space<vmem>>
    %dma_start3A_544 = arith.constant 0 : i32
    %dma_start3A_545 = arith.constant 0 : i32
    %dma_start3A_546 = tpu.memref_slice %arg2[%dma_start3A_528, %min3A_527, %dma_start3A_544, %dma_start3A_545] : memref<2x8125x8x128xf32, #tpu.memory_space<hbm>> -> memref<1x2x8x128xf32, #tpu.memory_space<hbm>>
    %dma_start3A_547 = tpu.memref_squeeze %dma_start3A_546 : memref<1x2x8x128xf32, #tpu.memory_space<hbm>> -> memref<2x8x128xf32, #tpu.memory_space<hbm>>
    tpu.enqueue_dma source(%dma_start3A_547 : memref<2x8x128xf32, #tpu.memory_space<hbm>>) target(%dma_start3A_543 : memref<2x8x128xf32, #tpu.memory_space<vmem>>) target_semaphore(%arg14 : memref<!tpu.dma_semaphore, #tpu.memory_space<semaphore_mem>>)
    %dma_start3A_548 = arith.constant 1 : i32
    %dma_start3A_549 = arith.constant 1 : i32
    %dma_start3A_550 = arith.constant 0 : i32
    %dma_start3A_551 = arith.constant 0 : i32
    %dma_start3A_552 = arith.constant 0 : i32
    %dma_start3A_553 = tpu.memref_slice %arg6[%dma_start3A_549, %dma_start3A_550, %dma_start3A_551, %dma_start3A_552] : memref<2x2x8x128xf32, #tpu.memory_space<vmem>> -> memref<1x2x8x128xf32, #tpu.memory_space<vmem>>
    %dma_start3A_554 = tpu.memref_squeeze %dma_start3A_553 : memref<1x2x8x128xf32, #tpu.memory_space<vmem>> -> memref<2x8x128xf32, #tpu.memory_space<vmem>>
    %dma_start3A_555 = arith.constant 0 : i32
    %dma_start3A_556 = arith.constant 0 : i32
    %dma_start3A_557 = tpu.memref_slice %arg2[%dma_start3A_548, %min3A_527, %dma_start3A_555, %dma_start3A_556] : memref<2x8125x8x128xf32, #tpu.memory_space<hbm>> -> memref<1x2x8x128xf32, #tpu.memory_space<hbm>>
    %dma_start3A_558 = tpu.memref_squeeze %dma_start3A_557 : memref<1x2x8x128xf32, #tpu.memory_space<hbm>> -> memref<2x8x128xf32, #tpu.memory_space<hbm>>
    %dma_start3A_559 = arith.constant 0 : i32
    %dma_start3A_560 = arith.constant 0 : i32
    %dma_start3A_561 = arith.constant 0 : i32
    %dma_start3A_562 = tpu.memref_slice %arg6[%dma_start3A_549, %dma_start3A_559, %dma_start3A_560, %dma_start3A_561] : memref<2x2x8x128xf32, #tpu.memory_space<vmem>> -> memref<1x2x8x128xf32, #tpu.memory_space<vmem>>
    %dma_start3A_563 = tpu.memref_squeeze %dma_start3A_562 : memref<1x2x8x128xf32, #tpu.memory_space<vmem>> -> memref<2x8x128xf32, #tpu.memory_space<vmem>>
    %dma_start3A_564 = arith.constant 0 : i32
    %dma_start3A_565 = arith.constant 0 : i32
    %dma_start3A_566 = tpu.memref_slice %arg2[%dma_start3A_548, %min3A_527, %dma_start3A_564, %dma_start3A_565] : memref<2x8125x8x128xf32, #tpu.memory_space<hbm>> -> memref<1x2x8x128xf32, #tpu.memory_space<hbm>>
    %dma_start3A_567 = tpu.memref_squeeze %dma_start3A_566 : memref<1x2x8x128xf32, #tpu.memory_space<hbm>> -> memref<2x8x128xf32, #tpu.memory_space<hbm>>
    tpu.enqueue_dma source(%dma_start3A_567 : memref<2x8x128xf32, #tpu.memory_space<hbm>>) target(%dma_start3A_563 : memref<2x8x128xf32, #tpu.memory_space<vmem>>) target_semaphore(%arg14 : memref<!tpu.dma_semaphore, #tpu.memory_space<semaphore_mem>>)
    %dma_wait3A_568 = arith.constant 0 : i32
    %dma_wait3A_569 = arith.constant 0 : i32
    %dma_wait3A_570 = arith.constant 0 : i32
    %dma_wait3A_571 = arith.constant 0 : i32
    %dma_wait3A_572 = arith.constant 0 : i32
    %dma_wait3A_573 = tpu.memref_slice %arg7[%dma_wait3A_569, %dma_wait3A_570, %dma_wait3A_571, %dma_wait3A_572] : memref<2x2x8x128xf32, #tpu.memory_space<vmem>> -> memref<1x2x8x128xf32, #tpu.memory_space<vmem>>
    %dma_wait3A_574 = tpu.memref_squeeze %dma_wait3A_573 : memref<1x2x8x128xf32, #tpu.memory_space<vmem>> -> memref<2x8x128xf32, #tpu.memory_space<vmem>>
    %dma_wait3A_575 = arith.constant 0 : i32
    %dma_wait3A_576 = arith.constant 0 : i32
    %dma_wait3A_577 = arith.constant 0 : i32
    %dma_wait3A_578 = tpu.memref_slice %arg2[%dma_wait3A_568, %dma_wait3A_575, %dma_wait3A_576, %dma_wait3A_577] : memref<2x8125x8x128xf32, #tpu.memory_space<hbm>> -> memref<1x2x8x128xf32, #tpu.memory_space<hbm>>
    %dma_wait3A_579 = tpu.memref_squeeze %dma_wait3A_578 : memref<1x2x8x128xf32, #tpu.memory_space<hbm>> -> memref<2x8x128xf32, #tpu.memory_space<hbm>>
    %dma_wait3A_580 = arith.constant 0 : i32
    %dma_wait3A_581 = arith.constant 0 : i32
    %dma_wait3A_582 = arith.constant 0 : i32
    %dma_wait3A_583 = tpu.memref_slice %arg7[%dma_wait3A_569, %dma_wait3A_580, %dma_wait3A_581, %dma_wait3A_582] : memref<2x2x8x128xf32, #tpu.memory_space<vmem>> -> memref<1x2x8x128xf32, #tpu.memory_space<vmem>>
    %dma_wait3A_584 = tpu.memref_squeeze %dma_wait3A_583 : memref<1x2x8x128xf32, #tpu.memory_space<vmem>> -> memref<2x8x128xf32, #tpu.memory_space<vmem>>
    %dma_wait3A_585 = arith.constant 0 : i32
    %dma_wait3A_586 = arith.constant 0 : i32
    %dma_wait3A_587 = arith.constant 0 : i32
    %dma_wait3A_588 = tpu.memref_slice %arg2[%dma_wait3A_568, %dma_wait3A_585, %dma_wait3A_586, %dma_wait3A_587] : memref<2x8125x8x128xf32, #tpu.memory_space<hbm>> -> memref<1x2x8x128xf32, #tpu.memory_space<hbm>>
    %dma_wait3A_589 = tpu.memref_squeeze %dma_wait3A_588 : memref<1x2x8x128xf32, #tpu.memory_space<hbm>> -> memref<2x8x128xf32, #tpu.memory_space<hbm>>
    tpu.wait_dma2 semaphore(%arg15 : memref<!tpu.dma_semaphore, #tpu.memory_space<semaphore_mem>>) src(%dma_wait3A_589 : memref<2x8x128xf32, #tpu.memory_space<hbm>>) dst(%dma_wait3A_584 : memref<2x8x128xf32, #tpu.memory_space<vmem>>)
    %dma_wait3A_590 = arith.constant 0 : i32
    %dma_wait3A_591 = arith.constant 1 : i32
    %dma_wait3A_592 = arith.constant 0 : i32
    %dma_wait3A_593 = arith.constant 0 : i32
    %dma_wait3A_594 = arith.constant 0 : i32
    %dma_wait3A_595 = tpu.memref_slice %arg7[%dma_wait3A_591, %dma_wait3A_592, %dma_wait3A_593, %dma_wait3A_594] : memref<2x2x8x128xf32, #tpu.memory_space<vmem>> -> memref<1x2x8x128xf32, #tpu.memory_space<vmem>>
    %dma_wait3A_596 = tpu.memref_squeeze %dma_wait3A_595 : memref<1x2x8x128xf32, #tpu.memory_space<vmem>> -> memref<2x8x128xf32, #tpu.memory_space<vmem>>
    %dma_wait3A_597 = arith.constant 0 : i32
    %dma_wait3A_598 = arith.constant 0 : i32
    %dma_wait3A_599 = arith.constant 0 : i32
    %dma_wait3A_600 = tpu.memref_slice %arg2[%dma_wait3A_590, %dma_wait3A_597, %dma_wait3A_598, %dma_wait3A_599] : memref<2x8125x8x128xf32, #tpu.memory_space<hbm>> -> memref<1x2x8x128xf32, #tpu.memory_space<hbm>>
    %dma_wait3A_601 = tpu.memref_squeeze %dma_wait3A_600 : memref<1x2x8x128xf32, #tpu.memory_space<hbm>> -> memref<2x8x128xf32, #tpu.memory_space<hbm>>
    %dma_wait3A_602 = arith.constant 0 : i32
    %dma_wait3A_603 = arith.constant 0 : i32
    %dma_wait3A_604 = arith.constant 0 : i32
    %dma_wait3A_605 = tpu.memref_slice %arg7[%dma_wait3A_591, %dma_wait3A_602, %dma_wait3A_603, %dma_wait3A_604] : memref<2x2x8x128xf32, #tpu.memory_space<vmem>> -> memref<1x2x8x128xf32, #tpu.memory_space<vmem>>
    %dma_wait3A_606 = tpu.memref_squeeze %dma_wait3A_605 : memref<1x2x8x128xf32, #tpu.memory_space<vmem>> -> memref<2x8x128xf32, #tpu.memory_space<vmem>>
    %dma_wait3A_607 = arith.constant 0 : i32
    %dma_wait3A_608 = arith.constant 0 : i32
    %dma_wait3A_609 = arith.constant 0 : i32
    %dma_wait3A_610 = tpu.memref_slice %arg2[%dma_wait3A_590, %dma_wait3A_607, %dma_wait3A_608, %dma_wait3A_609] : memref<2x8125x8x128xf32, #tpu.memory_space<hbm>> -> memref<1x2x8x128xf32, #tpu.memory_space<hbm>>
    %dma_wait3A_611 = tpu.memref_squeeze %dma_wait3A_610 : memref<1x2x8x128xf32, #tpu.memory_space<hbm>> -> memref<2x8x128xf32, #tpu.memory_space<hbm>>
    tpu.wait_dma2 semaphore(%arg15 : memref<!tpu.dma_semaphore, #tpu.memory_space<semaphore_mem>>) src(%dma_wait3A_611 : memref<2x8x128xf32, #tpu.memory_space<hbm>>) dst(%dma_wait3A_606 : memref<2x8x128xf32, #tpu.memory_space<vmem>>)
    %scan3A_612 = arith.constant 0 : i32
    %scan3A_613 = arith.constant 0 : i32
    %scan3A_614 = arith.constant 32 : i32
    %scan3A_615 = arith.addi %scan3A_613, %scan3A_614 : i32
    %scan3A_616 = arith.constant 1 : i32
    scf.for %scan3A_710 = %scan3A_613 to %scan3A_615 step %scan3A_616  : i32 {
      %mul3A_711 = arith.constant 4 : i32
      %mul3A_712 = arith.muli %scan3A_710, %mul3A_711 : i32
      %add3A_713 = arith.constant 0 : i32
      %add3A_714 = arith.addi %mul3A_712, %add3A_713 : i32
      %add3A_715 = vector.broadcast %add3A_714 : i32 to vector<16xi32>
      %add3A_716 = arith.addi %iota3A, %add3A_715 : vector<16xi32>
      %and3A_717 = arith.constant 127 : i32
      %and3A_718 = vector.broadcast %and3A_717 : i32 to vector<16xi32>
      %and3A_719 = arith.andi %add3A_716, %and3A_718 : vector<16xi32>
      %broadcast_in_dim3A = arith.constant 0 : i32
      %broadcast_in_dim3A_720 = vector.broadcast %broadcast_in_dim3A : i32 to vector<16xi32>
      %gather3A = tpu.vector_load_idx %arg7[%select_n3A, %broadcast_in_dim3A_720, %select_n3A_43, %and3A_719] : memref<2x2x8x128xf32, #tpu.memory_space<vmem>>[vector<16xi32>, vector<16xi32>, vector<16xi32>, vector<16xi32>], vector<16xf32>,
      %add3A_721 = arith.constant 0 : i32
      %add3A_722 = vector.broadcast %add3A_721 : i32 to vector<16xi32>
      %add3A_723 = arith.addi %and3A_719, %add3A_722 : vector<16xi32>
      tpu.vector_store_idx %arg11[%add3A_723, %iota3A], %gather3A : memref<256x16xf32, #tpu.memory_space<vmem>>[vector<16xi32>, vector<16xi32>], vector<16xf32>,
      %broadcast_in_dim3A_724 = arith.constant 1 : i32
      %broadcast_in_dim3A_725 = vector.broadcast %broadcast_in_dim3A_724 : i32 to vector<16xi32>
      %gather3A_726 = tpu.vector_load_idx %arg7[%select_n3A, %broadcast_in_dim3A_725, %select_n3A_43, %and3A_719] : memref<2x2x8x128xf32, #tpu.memory_space<vmem>>[vector<16xi32>, vector<16xi32>, vector<16xi32>, vector<16xi32>], vector<16xf32>,
      %add3A_727 = arith.constant 128 : i32
      %add3A_728 = vector.broadcast %add3A_727 : i32 to vector<16xi32>
      %add3A_729 = arith.addi %and3A_719, %add3A_728 : vector<16xi32>
      tpu.vector_store_idx %arg11[%add3A_729, %iota3A], %gather3A_726 : memref<256x16xf32, #tpu.memory_space<vmem>>[vector<16xi32>, vector<16xi32>], vector<16xf32>,
      %mul3A_730 = arith.constant 4 : i32
      %mul3A_731 = arith.muli %scan3A_710, %mul3A_730 : i32
      %add3A_732 = arith.constant 1 : i32
      %add3A_733 = arith.addi %mul3A_731, %add3A_732 : i32
      %add3A_734 = vector.broadcast %add3A_733 : i32 to vector<16xi32>
      %add3A_735 = arith.addi %iota3A, %add3A_734 : vector<16xi32>
      %and3A_736 = arith.constant 127 : i32
      %and3A_737 = vector.broadcast %and3A_736 : i32 to vector<16xi32>
      %and3A_738 = arith.andi %add3A_735, %and3A_737 : vector<16xi32>
      %broadcast_in_dim3A_739 = arith.constant 0 : i32
      %broadcast_in_dim3A_740 = vector.broadcast %broadcast_in_dim3A_739 : i32 to vector<16xi32>
      %gather3A_741 = tpu.vector_load_idx %arg7[%select_n3A, %broadcast_in_dim3A_740, %select_n3A_43, %and3A_738] : memref<2x2x8x128xf32, #tpu.memory_space<vmem>>[vector<16xi32>, vector<16xi32>, vector<16xi32>, vector<16xi32>], vector<16xf32>,
      %add3A_742 = arith.constant 0 : i32
      %add3A_743 = vector.broadcast %add3A_742 : i32 to vector<16xi32>
      %add3A_744 = arith.addi %and3A_738, %add3A_743 : vector<16xi32>
      tpu.vector_store_idx %arg11[%add3A_744, %iota3A], %gather3A_741 : memref<256x16xf32, #tpu.memory_space<vmem>>[vector<16xi32>, vector<16xi32>], vector<16xf32>,
      %broadcast_in_dim3A_745 = arith.constant 1 : i32
      %broadcast_in_dim3A_746 = vector.broadcast %broadcast_in_dim3A_745 : i32 to vector<16xi32>
      %gather3A_747 = tpu.vector_load_idx %arg7[%select_n3A, %broadcast_in_dim3A_746, %select_n3A_43, %and3A_738] : memref<2x2x8x128xf32, #tpu.memory_space<vmem>>[vector<16xi32>, vector<16xi32>, vector<16xi32>, vector<16xi32>], vector<16xf32>,
      %add3A_748 = arith.constant 128 : i32
      %add3A_749 = vector.broadcast %add3A_748 : i32 to vector<16xi32>
      %add3A_750 = arith.addi %and3A_738, %add3A_749 : vector<16xi32>
      tpu.vector_store_idx %arg11[%add3A_750, %iota3A], %gather3A_747 : memref<256x16xf32, #tpu.memory_space<vmem>>[vector<16xi32>, vector<16xi32>], vector<16xf32>,
      %mul3A_751 = arith.constant 4 : i32
      %mul3A_752 = arith.muli %scan3A_710, %mul3A_751 : i32
      %add3A_753 = arith.constant 2 : i32
      %add3A_754 = arith.addi %mul3A_752, %add3A_753 : i32
      %add3A_755 = vector.broadcast %add3A_754 : i32 to vector<16xi32>
      %add3A_756 = arith.addi %iota3A, %add3A_755 : vector<16xi32>
      %and3A_757 = arith.constant 127 : i32
      %and3A_758 = vector.broadcast %and3A_757 : i32 to vector<16xi32>
      %and3A_759 = arith.andi %add3A_756, %and3A_758 : vector<16xi32>
      %broadcast_in_dim3A_760 = arith.constant 0 : i32
      %broadcast_in_dim3A_761 = vector.broadcast %broadcast_in_dim3A_760 : i32 to vector<16xi32>
      %gather3A_762 = tpu.vector_load_idx %arg7[%select_n3A, %broadcast_in_dim3A_761, %select_n3A_43, %and3A_759] : memref<2x2x8x128xf32, #tpu.memory_space<vmem>>[vector<16xi32>, vector<16xi32>, vector<16xi32>, vector<16xi32>], vector<16xf32>,
      %add3A_763 = arith.constant 0 : i32
      %add3A_764 = vector.broadcast %add3A_763 : i32 to vector<16xi32>
      %add3A_765 = arith.addi %and3A_759, %add3A_764 : vector<16xi32>
      tpu.vector_store_idx %arg11[%add3A_765, %iota3A], %gather3A_762 : memref<256x16xf32, #tpu.memory_space<vmem>>[vector<16xi32>, vector<16xi32>], vector<16xf32>,
      %broadcast_in_dim3A_766 = arith.constant 1 : i32
      %broadcast_in_dim3A_767 = vector.broadcast %broadcast_in_dim3A_766 : i32 to vector<16xi32>
      %gather3A_768 = tpu.vector_load_idx %arg7[%select_n3A, %broadcast_in_dim3A_767, %select_n3A_43, %and3A_759] : memref<2x2x8x128xf32, #tpu.memory_space<vmem>>[vector<16xi32>, vector<16xi32>, vector<16xi32>, vector<16xi32>], vector<16xf32>,
      %add3A_769 = arith.constant 128 : i32
      %add3A_770 = vector.broadcast %add3A_769 : i32 to vector<16xi32>
      %add3A_771 = arith.addi %and3A_759, %add3A_770 : vector<16xi32>
      tpu.vector_store_idx %arg11[%add3A_771, %iota3A], %gather3A_768 : memref<256x16xf32, #tpu.memory_space<vmem>>[vector<16xi32>, vector<16xi32>], vector<16xf32>,
      %mul3A_772 = arith.constant 4 : i32
      %mul3A_773 = arith.muli %scan3A_710, %mul3A_772 : i32
      %add3A_774 = arith.constant 3 : i32
      %add3A_775 = arith.addi %mul3A_773, %add3A_774 : i32
      %add3A_776 = vector.broadcast %add3A_775 : i32 to vector<16xi32>
      %add3A_777 = arith.addi %iota3A, %add3A_776 : vector<16xi32>
      %and3A_778 = arith.constant 127 : i32
      %and3A_779 = vector.broadcast %and3A_778 : i32 to vector<16xi32>
      %and3A_780 = arith.andi %add3A_777, %and3A_779 : vector<16xi32>
      %broadcast_in_dim3A_781 = arith.constant 0 : i32
      %broadcast_in_dim3A_782 = vector.broadcast %broadcast_in_dim3A_781 : i32 to vector<16xi32>
      %gather3A_783 = tpu.vector_load_idx %arg7[%select_n3A, %broadcast_in_dim3A_782, %select_n3A_43, %and3A_780] : memref<2x2x8x128xf32, #tpu.memory_space<vmem>>[vector<16xi32>, vector<16xi32>, vector<16xi32>, vector<16xi32>], vector<16xf32>,
      %add3A_784 = arith.constant 0 : i32
      %add3A_785 = vector.broadcast %add3A_784 : i32 to vector<16xi32>
      %add3A_786 = arith.addi %and3A_780, %add3A_785 : vector<16xi32>
      tpu.vector_store_idx %arg11[%add3A_786, %iota3A], %gather3A_783 : memref<256x16xf32, #tpu.memory_space<vmem>>[vector<16xi32>, vector<16xi32>], vector<16xf32>,
      %broadcast_in_dim3A_787 = arith.constant 1 : i32
      %broadcast_in_dim3A_788 = vector.broadcast %broadcast_in_dim3A_787 : i32 to vector<16xi32>
      %gather3A_789 = tpu.vector_load_idx %arg7[%select_n3A, %broadcast_in_dim3A_788, %select_n3A_43, %and3A_780] : memref<2x2x8x128xf32, #tpu.memory_space<vmem>>[vector<16xi32>, vector<16xi32>, vector<16xi32>, vector<16xi32>], vector<16xf32>,
      %add3A_790 = arith.constant 128 : i32
      %add3A_791 = vector.broadcast %add3A_790 : i32 to vector<16xi32>
      %add3A_792 = arith.addi %and3A_780, %add3A_791 : vector<16xi32>
      tpu.vector_store_idx %arg11[%add3A_792, %iota3A], %gather3A_789 : memref<256x16xf32, #tpu.memory_space<vmem>>[vector<16xi32>, vector<16xi32>], vector<16xf32>,
    }
    %scan3A_617 = arith.constant 32 : i32
    %mul3A_618 = arith.constant 128 : i32
    %mul3A_619 = arith.muli %add3A, %mul3A_618 : i32
    %add3A_620 = arith.constant 3 : i32
    %add3A_621 = arith.addi %mul3A_619, %add3A_620 : i32
    %mul3A_622 = arith.constant 2 : i32
    %mul3A_623 = arith.muli %add3A_621, %mul3A_622 : i32
    %min3A_624 = arith.constant 8123 : i32
    %min3A_625 = arith.minsi %mul3A_623, %min3A_624 : i32
    %mul3A_626 = arith.constant 128 : i32
    %mul3A_627 = arith.muli %min3A_625, %mul3A_626 : i32
    %dma_start3A_628 = arith.constant 0 : i32
    %dma_start3A_629 = tpu.memref_slice %arg3[%mul3A_627, %dma_start3A_628] : memref<1040000x16xf32, #tpu.memory_space<hbm>> -> memref<256x16xf32, #tpu.memory_space<hbm>>
    %dma_start3A_630 = arith.constant 0 : i32
    %dma_start3A_631 = tpu.memref_slice %arg3[%mul3A_627, %dma_start3A_630] : memref<1040000x16xf32, #tpu.memory_space<hbm>> -> memref<256x16xf32, #tpu.memory_space<hbm>>
    tpu.enqueue_dma source(%arg11 : memref<256x16xf32, #tpu.memory_space<vmem>>) target(%dma_start3A_631 : memref<256x16xf32, #tpu.memory_space<hbm>>) target_semaphore(%arg19 : memref<!tpu.dma_semaphore, #tpu.memory_space<semaphore_mem>>)
    %mul3A_632 = arith.constant 128 : i32
    %mul3A_633 = arith.muli %add3A, %mul3A_632 : i32
    %add3A_634 = arith.constant 7 : i32
    %add3A_635 = arith.addi %mul3A_633, %add3A_634 : i32
    %mul3A_636 = arith.constant 2 : i32
    %mul3A_637 = arith.muli %add3A_635, %mul3A_636 : i32
    %min3A_638 = arith.constant 8123 : i32
    %min3A_639 = arith.minsi %mul3A_637, %min3A_638 : i32
    %dma_start3A_640 = arith.constant 0 : i32
    %dma_start3A_641 = arith.constant 0 : i32
    %dma_start3A_642 = arith.constant 0 : i32
    %dma_start3A_643 = arith.constant 0 : i32
    %dma_start3A_644 = arith.constant 0 : i32
    %dma_start3A_645 = tpu.memref_slice %arg7[%dma_start3A_641, %dma_start3A_642, %dma_start3A_643, %dma_start3A_644] : memref<2x2x8x128xf32, #tpu.memory_space<vmem>> -> memref<1x2x8x128xf32, #tpu.memory_space<vmem>>
    %dma_start3A_646 = tpu.memref_squeeze %dma_start3A_645 : memref<1x2x8x128xf32, #tpu.memory_space<vmem>> -> memref<2x8x128xf32, #tpu.memory_space<vmem>>
    %dma_start3A_647 = arith.constant 0 : i32
    %dma_start3A_648 = arith.constant 0 : i32
    %dma_start3A_649 = tpu.memref_slice %arg2[%dma_start3A_640, %min3A_639, %dma_start3A_647, %dma_start3A_648] : memref<2x8125x8x128xf32, #tpu.memory_space<hbm>> -> memref<1x2x8x128xf32, #tpu.memory_space<hbm>>
    %dma_start3A_650 = tpu.memref_squeeze %dma_start3A_649 : memref<1x2x8x128xf32, #tpu.memory_space<hbm>> -> memref<2x8x128xf32, #tpu.memory_space<hbm>>
    %dma_start3A_651 = arith.constant 0 : i32
    %dma_start3A_652 = arith.constant 0 : i32
    %dma_start3A_653 = arith.constant 0 : i32
    %dma_start3A_654 = tpu.memref_slice %arg7[%dma_start3A_641, %dma_start3A_651, %dma_start3A_652, %dma_start3A_653] : memref<2x2x8x128xf32, #tpu.memory_space<vmem>> -> memref<1x2x8x128xf32, #tpu.memory_space<vmem>>
    %dma_start3A_655 = tpu.memref_squeeze %dma_start3A_654 : memref<1x2x8x128xf32, #tpu.memory_space<vmem>> -> memref<2x8x128xf32, #tpu.memory_space<vmem>>
    %dma_start3A_656 = arith.constant 0 : i32
    %dma_start3A_657 = arith.constant 0 : i32
    %dma_start3A_658 = tpu.memref_slice %arg2[%dma_start3A_640, %min3A_639, %dma_start3A_656, %dma_start3A_657] : memref<2x8125x8x128xf32, #tpu.memory_space<hbm>> -> memref<1x2x8x128xf32, #tpu.memory_space<hbm>>
    %dma_start3A_659 = tpu.memref_squeeze %dma_start3A_658 : memref<1x2x8x128xf32, #tpu.memory_space<hbm>> -> memref<2x8x128xf32, #tpu.memory_space<hbm>>
    tpu.enqueue_dma source(%dma_start3A_659 : memref<2x8x128xf32, #tpu.memory_space<hbm>>) target(%dma_start3A_655 : memref<2x8x128xf32, #tpu.memory_space<vmem>>) target_semaphore(%arg15 : memref<!tpu.dma_semaphore, #tpu.memory_space<semaphore_mem>>)
    %dma_start3A_660 = arith.constant 1 : i32
    %dma_start3A_661 = arith.constant 1 : i32
    %dma_start3A_662 = arith.constant 0 : i32
    %dma_start3A_663 = arith.constant 0 : i32
    %dma_start3A_664 = arith.constant 0 : i32
    %dma_start3A_665 = tpu.memref_slice %arg7[%dma_start3A_661, %dma_start3A_662, %dma_start3A_663, %dma_start3A_664] : memref<2x2x8x128xf32, #tpu.memory_space<vmem>> -> memref<1x2x8x128xf32, #tpu.memory_space<vmem>>
    %dma_start3A_666 = tpu.memref_squeeze %dma_start3A_665 : memref<1x2x8x128xf32, #tpu.memory_space<vmem>> -> memref<2x8x128xf32, #tpu.memory_space<vmem>>
    %dma_start3A_667 = arith.constant 0 : i32
    %dma_start3A_668 = arith.constant 0 : i32
    %dma_start3A_669 = tpu.memref_slice %arg2[%dma_start3A_660, %min3A_639, %dma_start3A_667, %dma_start3A_668] : memref<2x8125x8x128xf32, #tpu.memory_space<hbm>> -> memref<1x2x8x128xf32, #tpu.memory_space<hbm>>
    %dma_start3A_670 = tpu.memref_squeeze %dma_start3A_669 : memref<1x2x8x128xf32, #tpu.memory_space<hbm>> -> memref<2x8x128xf32, #tpu.memory_space<hbm>>
    %dma_start3A_671 = arith.constant 0 : i32
    %dma_start3A_672 = arith.constant 0 : i32
    %dma_start3A_673 = arith.constant 0 : i32
    %dma_start3A_674 = tpu.memref_slice %arg7[%dma_start3A_661, %dma_start3A_671, %dma_start3A_672, %dma_start3A_673] : memref<2x2x8x128xf32, #tpu.memory_space<vmem>> -> memref<1x2x8x128xf32, #tpu.memory_space<vmem>>
    %dma_start3A_675 = tpu.memref_squeeze %dma_start3A_674 : memref<1x2x8x128xf32, #tpu.memory_space<vmem>> -> memref<2x8x128xf32, #tpu.memory_space<vmem>>
    %dma_start3A_676 = arith.constant 0 : i32
    %dma_start3A_677 = arith.constant 0 : i32
    %dma_start3A_678 = tpu.memref_slice %arg2[%dma_start3A_660, %min3A_639, %dma_start3A_676, %dma_start3A_677] : memref<2x8125x8x128xf32, #tpu.memory_space<hbm>> -> memref<1x2x8x128xf32, #tpu.memory_space<hbm>>
    %dma_start3A_679 = tpu.memref_squeeze %dma_start3A_678 : memref<1x2x8x128xf32, #tpu.memory_space<hbm>> -> memref<2x8x128xf32, #tpu.memory_space<hbm>>
    tpu.enqueue_dma source(%dma_start3A_679 : memref<2x8x128xf32, #tpu.memory_space<hbm>>) target(%dma_start3A_675 : memref<2x8x128xf32, #tpu.memory_space<vmem>>) target_semaphore(%arg15 : memref<!tpu.dma_semaphore, #tpu.memory_space<semaphore_mem>>)
    %scan3A_680 = arith.constant 0 : i32
    %scan3A_681 = arith.constant 1 : i32
    %scan3A_682 = arith.constant 31 : i32
    %scan3A_683 = arith.addi %scan3A_681, %scan3A_682 : i32
    %scan3A_684 = arith.constant 1 : i32
    scf.for %scan3A_710 = %scan3A_681 to %scan3A_683 step %scan3A_684  : i32 {
      %mul3A_711 = arith.constant 4 : i32
      %mul3A_712 = arith.muli %scan3A_710, %mul3A_711 : i32
      %dma_wait3A_713 = arith.constant 0 : i32
      %dma_wait3A_714 = arith.constant 0 : i32
      %dma_wait3A_715 = arith.constant 0 : i32
      %dma_wait3A_716 = arith.constant 0 : i32
      %dma_wait3A_717 = arith.constant 0 : i32
      %dma_wait3A_718 = tpu.memref_slice %arg4[%dma_wait3A_714, %dma_wait3A_715, %dma_wait3A_716, %dma_wait3A_717] : memref<2x2x8x128xf32, #tpu.memory_space<vmem>> -> memref<1x2x8x128xf32, #tpu.memory_space<vmem>>
      %dma_wait3A_719 = tpu.memref_squeeze %dma_wait3A_718 : memref<1x2x8x128xf32, #tpu.memory_space<vmem>> -> memref<2x8x128xf32, #tpu.memory_space<vmem>>
      %dma_wait3A_720 = arith.constant 0 : i32
      %dma_wait3A_721 = arith.constant 0 : i32
      %dma_wait3A_722 = arith.constant 0 : i32
      %dma_wait3A_723 = tpu.memref_slice %arg2[%dma_wait3A_713, %dma_wait3A_720, %dma_wait3A_721, %dma_wait3A_722] : memref<2x8125x8x128xf32, #tpu.memory_space<hbm>> -> memref<1x2x8x128xf32, #tpu.memory_space<hbm>>
      %dma_wait3A_724 = tpu.memref_squeeze %dma_wait3A_723 : memref<1x2x8x128xf32, #tpu.memory_space<hbm>> -> memref<2x8x128xf32, #tpu.memory_space<hbm>>
      %dma_wait3A_725 = arith.constant 0 : i32
      %dma_wait3A_726 = arith.constant 0 : i32
      %dma_wait3A_727 = arith.constant 0 : i32
      %dma_wait3A_728 = tpu.memref_slice %arg4[%dma_wait3A_714, %dma_wait3A_725, %dma_wait3A_726, %dma_wait3A_727] : memref<2x2x8x128xf32, #tpu.memory_space<vmem>> -> memref<1x2x8x128xf32, #tpu.memory_space<vmem>>
      %dma_wait3A_729 = tpu.memref_squeeze %dma_wait3A_728 : memref<1x2x8x128xf32, #tpu.memory_space<vmem>> -> memref<2x8x128xf32, #tpu.memory_space<vmem>>
      %dma_wait3A_730 = arith.constant 0 : i32
      %dma_wait3A_731 = arith.constant 0 : i32
      %dma_wait3A_732 = arith.constant 0 : i32
      %dma_wait3A_733 = tpu.memref_slice %arg2[%dma_wait3A_713, %dma_wait3A_730, %dma_wait3A_731, %dma_wait3A_732] : memref<2x8125x8x128xf32, #tpu.memory_space<hbm>> -> memref<1x2x8x128xf32, #tpu.memory_space<hbm>>
      %dma_wait3A_734 = tpu.memref_squeeze %dma_wait3A_733 : memref<1x2x8x128xf32, #tpu.memory_space<hbm>> -> memref<2x8x128xf32, #tpu.memory_space<hbm>>
      tpu.wait_dma2 semaphore(%arg12 : memref<!tpu.dma_semaphore, #tpu.memory_space<semaphore_mem>>) src(%dma_wait3A_734 : memref<2x8x128xf32, #tpu.memory_space<hbm>>) dst(%dma_wait3A_729 : memref<2x8x128xf32, #tpu.memory_space<vmem>>)
      %dma_wait3A_735 = arith.constant 0 : i32
      %dma_wait3A_736 = arith.constant 1 : i32
      %dma_wait3A_737 = arith.constant 0 : i32
      %dma_wait3A_738 = arith.constant 0 : i32
      %dma_wait3A_739 = arith.constant 0 : i32
      %dma_wait3A_740 = tpu.memref_slice %arg4[%dma_wait3A_736, %dma_wait3A_737, %dma_wait3A_738, %dma_wait3A_739] : memref<2x2x8x128xf32, #tpu.memory_space<vmem>> -> memref<1x2x8x128xf32, #tpu.memory_space<vmem>>
      %dma_wait3A_741 = tpu.memref_squeeze %dma_wait3A_740 : memref<1x2x8x128xf32, #tpu.memory_space<vmem>> -> memref<2x8x128xf32, #tpu.memory_space<vmem>>
      %dma_wait3A_742 = arith.constant 0 : i32
      %dma_wait3A_743 = arith.constant 0 : i32
      %dma_wait3A_744 = arith.constant 0 : i32
      %dma_wait3A_745 = tpu.memref_slice %arg2[%dma_wait3A_735, %dma_wait3A_742, %dma_wait3A_743, %dma_wait3A_744] : memref<2x8125x8x128xf32, #tpu.memory_space<hbm>> -> memref<1x2x8x128xf32, #tpu.memory_space<hbm>>
      %dma_wait3A_746 = tpu.memref_squeeze %dma_wait3A_745 : memref<1x2x8x128xf32, #tpu.memory_space<hbm>> -> memref<2x8x128xf32, #tpu.memory_space<hbm>>
      %dma_wait3A_747 = arith.constant 0 : i32
      %dma_wait3A_748 = arith.constant 0 : i32
      %dma_wait3A_749 = arith.constant 0 : i32
      %dma_wait3A_750 = tpu.memref_slice %arg4[%dma_wait3A_736, %dma_wait3A_747, %dma_wait3A_748, %dma_wait3A_749] : memref<2x2x8x128xf32, #tpu.memory_space<vmem>> -> memref<1x2x8x128xf32, #tpu.memory_space<vmem>>
      %dma_wait3A_751 = tpu.memref_squeeze %dma_wait3A_750 : memref<1x2x8x128xf32, #tpu.memory_space<vmem>> -> memref<2x8x128xf32, #tpu.memory_space<vmem>>
      %dma_wait3A_752 = arith.constant 0 : i32
      %dma_wait3A_753 = arith.constant 0 : i32
      %dma_wait3A_754 = arith.constant 0 : i32
      %dma_wait3A_755 = tpu.memref_slice %arg2[%dma_wait3A_735, %dma_wait3A_752, %dma_wait3A_753, %dma_wait3A_754] : memref<2x8125x8x128xf32, #tpu.memory_space<hbm>> -> memref<1x2x8x128xf32, #tpu.memory_space<hbm>>
      %dma_wait3A_756 = tpu.memref_squeeze %dma_wait3A_755 : memref<1x2x8x128xf32, #tpu.memory_space<hbm>> -> memref<2x8x128xf32, #tpu.memory_space<hbm>>
      tpu.wait_dma2 semaphore(%arg12 : memref<!tpu.dma_semaphore, #tpu.memory_space<semaphore_mem>>) src(%dma_wait3A_756 : memref<2x8x128xf32, #tpu.memory_space<hbm>>) dst(%dma_wait3A_751 : memref<2x8x128xf32, #tpu.memory_space<vmem>>)
      %dma_wait3A_757 = arith.constant 0 : i32
      %dma_wait3A_758 = arith.constant 0 : i32
      %dma_wait3A_759 = tpu.memref_slice %arg3[%dma_wait3A_757, %dma_wait3A_758] : memref<1040000x16xf32, #tpu.memory_space<hbm>> -> memref<256x16xf32, #tpu.memory_space<hbm>>
      %dma_wait3A_760 = arith.constant 0 : i32
      %dma_wait3A_761 = arith.constant 0 : i32
      %dma_wait3A_762 = tpu.memref_slice %arg3[%dma_wait3A_760, %dma_wait3A_761] : memref<1040000x16xf32, #tpu.memory_space<hbm>> -> memref<256x16xf32, #tpu.memory_space<hbm>>
      tpu.wait_dma2 semaphore(%arg16 : memref<!tpu.dma_semaphore, #tpu.memory_space<semaphore_mem>>) src(%dma_wait3A_762 : memref<256x16xf32, #tpu.memory_space<hbm>>) dst(%arg8 : memref<256x16xf32, #tpu.memory_space<vmem>>)
      %add3A_763 = arith.constant 0 : i32
      %add3A_764 = arith.addi %mul3A_712, %add3A_763 : i32
      %scan3A_765 = arith.constant 0 : i32
      %scan3A_766 = arith.constant 0 : i32
      %scan3A_767 = arith.constant 32 : i32
      %scan3A_768 = arith.addi %scan3A_766, %scan3A_767 : i32
      %scan3A_769 = arith.constant 1 : i32
      scf.for %scan3A_1031 = %scan3A_766 to %scan3A_768 step %scan3A_769  : i32 {
        %mul3A_1032 = arith.constant 4 : i32
        %mul3A_1033 = arith.muli %scan3A_1031, %mul3A_1032 : i32
        %add3A_1034 = arith.constant 0 : i32
        %add3A_1035 = arith.addi %mul3A_1033, %add3A_1034 : i32
        %add3A_1036 = vector.broadcast %add3A_1035 : i32 to vector<16xi32>
        %add3A_1037 = arith.addi %iota3A, %add3A_1036 : vector<16xi32>
        %and3A_1038 = arith.constant 127 : i32
        %and3A_1039 = vector.broadcast %and3A_1038 : i32 to vector<16xi32>
        %and3A_1040 = arith.andi %add3A_1037, %and3A_1039 : vector<16xi32>
        %broadcast_in_dim3A = arith.constant 0 : i32
        %broadcast_in_dim3A_1041 = vector.broadcast %broadcast_in_dim3A : i32 to vector<16xi32>
        %gather3A = tpu.vector_load_idx %arg4[%select_n3A, %broadcast_in_dim3A_1041, %select_n3A_43, %and3A_1040] : memref<2x2x8x128xf32, #tpu.memory_space<vmem>>[vector<16xi32>, vector<16xi32>, vector<16xi32>, vector<16xi32>], vector<16xf32>,
        %add3A_1042 = arith.constant 0 : i32
        %add3A_1043 = vector.broadcast %add3A_1042 : i32 to vector<16xi32>
        %add3A_1044 = arith.addi %and3A_1040, %add3A_1043 : vector<16xi32>
        tpu.vector_store_idx %arg8[%add3A_1044, %iota3A], %gather3A : memref<256x16xf32, #tpu.memory_space<vmem>>[vector<16xi32>, vector<16xi32>], vector<16xf32>,
        %broadcast_in_dim3A_1045 = arith.constant 1 : i32
        %broadcast_in_dim3A_1046 = vector.broadcast %broadcast_in_dim3A_1045 : i32 to vector<16xi32>
        %gather3A_1047 = tpu.vector_load_idx %arg4[%select_n3A, %broadcast_in_dim3A_1046, %select_n3A_43, %and3A_1040] : memref<2x2x8x128xf32, #tpu.memory_space<vmem>>[vector<16xi32>, vector<16xi32>, vector<16xi32>, vector<16xi32>], vector<16xf32>,
        %add3A_1048 = arith.constant 128 : i32
        %add3A_1049 = vector.broadcast %add3A_1048 : i32 to vector<16xi32>
        %add3A_1050 = arith.addi %and3A_1040, %add3A_1049 : vector<16xi32>
        tpu.vector_store_idx %arg8[%add3A_1050, %iota3A], %gather3A_1047 : memref<256x16xf32, #tpu.memory_space<vmem>>[vector<16xi32>, vector<16xi32>], vector<16xf32>,
        %mul3A_1051 = arith.constant 4 : i32
        %mul3A_1052 = arith.muli %scan3A_1031, %mul3A_1051 : i32
        %add3A_1053 = arith.constant 1 : i32
        %add3A_1054 = arith.addi %mul3A_1052, %add3A_1053 : i32
        %add3A_1055 = vector.broadcast %add3A_1054 : i32 to vector<16xi32>
        %add3A_1056 = arith.addi %iota3A, %add3A_1055 : vector<16xi32>
        %and3A_1057 = arith.constant 127 : i32
        %and3A_1058 = vector.broadcast %and3A_1057 : i32 to vector<16xi32>
        %and3A_1059 = arith.andi %add3A_1056, %and3A_1058 : vector<16xi32>
        %broadcast_in_dim3A_1060 = arith.constant 0 : i32
        %broadcast_in_dim3A_1061 = vector.broadcast %broadcast_in_dim3A_1060 : i32 to vector<16xi32>
        %gather3A_1062 = tpu.vector_load_idx %arg4[%select_n3A, %broadcast_in_dim3A_1061, %select_n3A_43, %and3A_1059] : memref<2x2x8x128xf32, #tpu.memory_space<vmem>>[vector<16xi32>, vector<16xi32>, vector<16xi32>, vector<16xi32>], vector<16xf32>,
        %add3A_1063 = arith.constant 0 : i32
        %add3A_1064 = vector.broadcast %add3A_1063 : i32 to vector<16xi32>
        %add3A_1065 = arith.addi %and3A_1059, %add3A_1064 : vector<16xi32>
        tpu.vector_store_idx %arg8[%add3A_1065, %iota3A], %gather3A_1062 : memref<256x16xf32, #tpu.memory_space<vmem>>[vector<16xi32>, vector<16xi32>], vector<16xf32>,
        %broadcast_in_dim3A_1066 = arith.constant 1 : i32
        %broadcast_in_dim3A_1067 = vector.broadcast %broadcast_in_dim3A_1066 : i32 to vector<16xi32>
        %gather3A_1068 = tpu.vector_load_idx %arg4[%select_n3A, %broadcast_in_dim3A_1067, %select_n3A_43, %and3A_1059] : memref<2x2x8x128xf32, #tpu.memory_space<vmem>>[vector<16xi32>, vector<16xi32>, vector<16xi32>, vector<16xi32>], vector<16xf32>,
        %add3A_1069 = arith.constant 128 : i32
        %add3A_1070 = vector.broadcast %add3A_1069 : i32 to vector<16xi32>
        %add3A_1071 = arith.addi %and3A_1059, %add3A_1070 : vector<16xi32>
        tpu.vector_store_idx %arg8[%add3A_1071, %iota3A], %gather3A_1068 : memref<256x16xf32, #tpu.memory_space<vmem>>[vector<16xi32>, vector<16xi32>], vector<16xf32>,
        %mul3A_1072 = arith.constant 4 : i32
        %mul3A_1073 = arith.muli %scan3A_1031, %mul3A_1072 : i32
        %add3A_1074 = arith.constant 2 : i32
        %add3A_1075 = arith.addi %mul3A_1073, %add3A_1074 : i32
        %add3A_1076 = vector.broadcast %add3A_1075 : i32 to vector<16xi32>
        %add3A_1077 = arith.addi %iota3A, %add3A_1076 : vector<16xi32>
        %and3A_1078 = arith.constant 127 : i32
        %and3A_1079 = vector.broadcast %and3A_1078 : i32 to vector<16xi32>
        %and3A_1080 = arith.andi %add3A_1077, %and3A_1079 : vector<16xi32>
        %broadcast_in_dim3A_1081 = arith.constant 0 : i32
        %broadcast_in_dim3A_1082 = vector.broadcast %broadcast_in_dim3A_1081 : i32 to vector<16xi32>
        %gather3A_1083 = tpu.vector_load_idx %arg4[%select_n3A, %broadcast_in_dim3A_1082, %select_n3A_43, %and3A_1080] : memref<2x2x8x128xf32, #tpu.memory_space<vmem>>[vector<16xi32>, vector<16xi32>, vector<16xi32>, vector<16xi32>], vector<16xf32>,
        %add3A_1084 = arith.constant 0 : i32
        %add3A_1085 = vector.broadcast %add3A_1084 : i32 to vector<16xi32>
        %add3A_1086 = arith.addi %and3A_1080, %add3A_1085 : vector<16xi32>
        tpu.vector_store_idx %arg8[%add3A_1086, %iota3A], %gather3A_1083 : memref<256x16xf32, #tpu.memory_space<vmem>>[vector<16xi32>, vector<16xi32>], vector<16xf32>,
        %broadcast_in_dim3A_1087 = arith.constant 1 : i32
        %broadcast_in_dim3A_1088 = vector.broadcast %broadcast_in_dim3A_1087 : i32 to vector<16xi32>
        %gather3A_1089 = tpu.vector_load_idx %arg4[%select_n3A, %broadcast_in_dim3A_1088, %select_n3A_43, %and3A_1080] : memref<2x2x8x128xf32, #tpu.memory_space<vmem>>[vector<16xi32>, vector<16xi32>, vector<16xi32>, vector<16xi32>], vector<16xf32>,
        %add3A_1090 = arith.constant 128 : i32
        %add3A_1091 = vector.broadcast %add3A_1090 : i32 to vector<16xi32>
        %add3A_1092 = arith.addi %and3A_1080, %add3A_1091 : vector<16xi32>
        tpu.vector_store_idx %arg8[%add3A_1092, %iota3A], %gather3A_1089 : memref<256x16xf32, #tpu.memory_space<vmem>>[vector<16xi32>, vector<16xi32>], vector<16xf32>,
        %mul3A_1093 = arith.constant 4 : i32
        %mul3A_1094 = arith.muli %scan3A_1031, %mul3A_1093 : i32
        %add3A_1095 = arith.constant 3 : i32
        %add3A_1096 = arith.addi %mul3A_1094, %add3A_1095 : i32
        %add3A_1097 = vector.broadcast %add3A_1096 : i32 to vector<16xi32>
        %add3A_1098 = arith.addi %iota3A, %add3A_1097 : vector<16xi32>
        %and3A_1099 = arith.constant 127 : i32
        %and3A_1100 = vector.broadcast %and3A_1099 : i32 to vector<16xi32>
        %and3A_1101 = arith.andi %add3A_1098, %and3A_1100 : vector<16xi32>
        %broadcast_in_dim3A_1102 = arith.constant 0 : i32
        %broadcast_in_dim3A_1103 = vector.broadcast %broadcast_in_dim3A_1102 : i32 to vector<16xi32>
        %gather3A_1104 = tpu.vector_load_idx %arg4[%select_n3A, %broadcast_in_dim3A_1103, %select_n3A_43, %and3A_1101] : memref<2x2x8x128xf32, #tpu.memory_space<vmem>>[vector<16xi32>, vector<16xi32>, vector<16xi32>, vector<16xi32>], vector<16xf32>,
        %add3A_1105 = arith.constant 0 : i32
        %add3A_1106 = vector.broadcast %add3A_1105 : i32 to vector<16xi32>
        %add3A_1107 = arith.addi %and3A_1101, %add3A_1106 : vector<16xi32>
        tpu.vector_store_idx %arg8[%add3A_1107, %iota3A], %gather3A_1104 : memref<256x16xf32, #tpu.memory_space<vmem>>[vector<16xi32>, vector<16xi32>], vector<16xf32>,
        %broadcast_in_dim3A_1108 = arith.constant 1 : i32
        %broadcast_in_dim3A_1109 = vector.broadcast %broadcast_in_dim3A_1108 : i32 to vector<16xi32>
        %gather3A_1110 = tpu.vector_load_idx %arg4[%select_n3A, %broadcast_in_dim3A_1109, %select_n3A_43, %and3A_1101] : memref<2x2x8x128xf32, #tpu.memory_space<vmem>>[vector<16xi32>, vector<16xi32>, vector<16xi32>, vector<16xi32>], vector<16xf32>,
        %add3A_1111 = arith.constant 128 : i32
        %add3A_1112 = vector.broadcast %add3A_1111 : i32 to vector<16xi32>
        %add3A_1113 = arith.addi %and3A_1101, %add3A_1112 : vector<16xi32>
        tpu.vector_store_idx %arg8[%add3A_1113, %iota3A], %gather3A_1110 : memref<256x16xf32, #tpu.memory_space<vmem>>[vector<16xi32>, vector<16xi32>], vector<16xf32>,
      }
      %scan3A_770 = arith.constant 32 : i32
      %mul3A_771 = arith.constant 128 : i32
      %mul3A_772 = arith.muli %add3A, %mul3A_771 : i32
      %add3A_773 = arith.addi %mul3A_772, %add3A_764 : i32
      %mul3A_774 = arith.constant 2 : i32
      %mul3A_775 = arith.muli %add3A_773, %mul3A_774 : i32
      %min3A_776 = arith.constant 8123 : i32
      %min3A_777 = arith.minsi %mul3A_775, %min3A_776 : i32
      %mul3A_778 = arith.constant 128 : i32
      %mul3A_779 = arith.muli %min3A_777, %mul3A_778 : i32
      %dma_start3A_780 = arith.constant 0 : i32
      %dma_start3A_781 = tpu.memref_slice %arg3[%mul3A_779, %dma_start3A_780] : memref<1040000x16xf32, #tpu.memory_space<hbm>> -> memref<256x16xf32, #tpu.memory_space<hbm>>
      %dma_start3A_782 = arith.constant 0 : i32
      %dma_start3A_783 = tpu.memref_slice %arg3[%mul3A_779, %dma_start3A_782] : memref<1040000x16xf32, #tpu.memory_space<hbm>> -> memref<256x16xf32, #tpu.memory_space<hbm>>
      tpu.enqueue_dma source(%arg8 : memref<256x16xf32, #tpu.memory_space<vmem>>) target(%dma_start3A_783 : memref<256x16xf32, #tpu.memory_space<hbm>>) target_semaphore(%arg16 : memref<!tpu.dma_semaphore, #tpu.memory_space<semaphore_mem>>)
      %add3A_784 = arith.constant 0 : i32
      %add3A_785 = arith.addi %mul3A_712, %add3A_784 : i32
      %add3A_786 = arith.constant 4 : i32
      %add3A_787 = arith.addi %add3A_785, %add3A_786 : i32
      %lt3A_788 = arith.constant 128 : i32
      %lt3A_789 = arith.cmpi slt, %add3A_787, %lt3A_788 : i32
      %convert_element_type3A = arith.extui %lt3A_789 : i1 to i32
      %cond3A = arith.constant 0 : i32
      %cond3A_790 = arith.cmpi ne, %convert_element_type3A, %cond3A : i32
      scf.if %cond3A_790 {
        %add3A_1031 = arith.constant 0 : i32
        %add3A_1032 = arith.addi %mul3A_712, %add3A_1031 : i32
        %add3A_1033 = arith.constant 4 : i32
        %add3A_1034 = arith.addi %add3A_1032, %add3A_1033 : i32
        %mul3A_1035 = arith.constant 128 : i32
        %mul3A_1036 = arith.muli %add3A, %mul3A_1035 : i32
        %add3A_1037 = arith.addi %mul3A_1036, %add3A_1034 : i32
        %mul3A_1038 = arith.constant 2 : i32
        %mul3A_1039 = arith.muli %add3A_1037, %mul3A_1038 : i32
        %min3A_1040 = arith.constant 8123 : i32
        %min3A_1041 = arith.minsi %mul3A_1039, %min3A_1040 : i32
        %dma_start3A_1042 = arith.constant 0 : i32
        %dma_start3A_1043 = arith.constant 0 : i32
        %dma_start3A_1044 = arith.constant 0 : i32
        %dma_start3A_1045 = arith.constant 0 : i32
        %dma_start3A_1046 = arith.constant 0 : i32
        %dma_start3A_1047 = tpu.memref_slice %arg4[%dma_start3A_1043, %dma_start3A_1044, %dma_start3A_1045, %dma_start3A_1046] : memref<2x2x8x128xf32, #tpu.memory_space<vmem>> -> memref<1x2x8x128xf32, #tpu.memory_space<vmem>>
        %dma_start3A_1048 = tpu.memref_squeeze %dma_start3A_1047 : memref<1x2x8x128xf32, #tpu.memory_space<vmem>> -> memref<2x8x128xf32, #tpu.memory_space<vmem>>
        %dma_start3A_1049 = arith.constant 0 : i32
        %dma_start3A_1050 = arith.constant 0 : i32
        %dma_start3A_1051 = tpu.memref_slice %arg2[%dma_start3A_1042, %min3A_1041, %dma_start3A_1049, %dma_start3A_1050] : memref<2x8125x8x128xf32, #tpu.memory_space<hbm>> -> memref<1x2x8x128xf32, #tpu.memory_space<hbm>>
        %dma_start3A_1052 = tpu.memref_squeeze %dma_start3A_1051 : memref<1x2x8x128xf32, #tpu.memory_space<hbm>> -> memref<2x8x128xf32, #tpu.memory_space<hbm>>
        %dma_start3A_1053 = arith.constant 0 : i32
        %dma_start3A_1054 = arith.constant 0 : i32
        %dma_start3A_1055 = arith.constant 0 : i32
        %dma_start3A_1056 = tpu.memref_slice %arg4[%dma_start3A_1043, %dma_start3A_1053, %dma_start3A_1054, %dma_start3A_1055] : memref<2x2x8x128xf32, #tpu.memory_space<vmem>> -> memref<1x2x8x128xf32, #tpu.memory_space<vmem>>
        %dma_start3A_1057 = tpu.memref_squeeze %dma_start3A_1056 : memref<1x2x8x128xf32, #tpu.memory_space<vmem>> -> memref<2x8x128xf32, #tpu.memory_space<vmem>>
        %dma_start3A_1058 = arith.constant 0 : i32
        %dma_start3A_1059 = arith.constant 0 : i32
        %dma_start3A_1060 = tpu.memref_slice %arg2[%dma_start3A_1042, %min3A_1041, %dma_start3A_1058, %dma_start3A_1059] : memref<2x8125x8x128xf32, #tpu.memory_space<hbm>> -> memref<1x2x8x128xf32, #tpu.memory_space<hbm>>
        %dma_start3A_1061 = tpu.memref_squeeze %dma_start3A_1060 : memref<1x2x8x128xf32, #tpu.memory_space<hbm>> -> memref<2x8x128xf32, #tpu.memory_space<hbm>>
        tpu.enqueue_dma source(%dma_start3A_1061 : memref<2x8x128xf32, #tpu.memory_space<hbm>>) target(%dma_start3A_1057 : memref<2x8x128xf32, #tpu.memory_space<vmem>>) target_semaphore(%arg12 : memref<!tpu.dma_semaphore, #tpu.memory_space<semaphore_mem>>)
        %dma_start3A_1062 = arith.constant 1 : i32
        %dma_start3A_1063 = arith.constant 1 : i32
        %dma_start3A_1064 = arith.constant 0 : i32
        %dma_start3A_1065 = arith.constant 0 : i32
        %dma_start3A_1066 = arith.constant 0 : i32
        %dma_start3A_1067 = tpu.memref_slice %arg4[%dma_start3A_1063, %dma_start3A_1064, %dma_start3A_1065, %dma_start3A_1066] : memref<2x2x8x128xf32, #tpu.memory_space<vmem>> -> memref<1x2x8x128xf32, #tpu.memory_space<vmem>>
        %dma_start3A_1068 = tpu.memref_squeeze %dma_start3A_1067 : memref<1x2x8x128xf32, #tpu.memory_space<vmem>> -> memref<2x8x128xf32, #tpu.memory_space<vmem>>
        %dma_start3A_1069 = arith.constant 0 : i32
        %dma_start3A_1070 = arith.constant 0 : i32
        %dma_start3A_1071 = tpu.memref_slice %arg2[%dma_start3A_1062, %min3A_1041, %dma_start3A_1069, %dma_start3A_1070] : memref<2x8125x8x128xf32, #tpu.memory_space<hbm>> -> memref<1x2x8x128xf32, #tpu.memory_space<hbm>>
        %dma_start3A_1072 = tpu.memref_squeeze %dma_start3A_1071 : memref<1x2x8x128xf32, #tpu.memory_space<hbm>> -> memref<2x8x128xf32, #tpu.memory_space<hbm>>
        %dma_start3A_1073 = arith.constant 0 : i32
        %dma_start3A_1074 = arith.constant 0 : i32
        %dma_start3A_1075 = arith.constant 0 : i32
        %dma_start3A_1076 = tpu.memref_slice %arg4[%dma_start3A_1063, %dma_start3A_1073, %dma_start3A_1074, %dma_start3A_1075] : memref<2x2x8x128xf32, #tpu.memory_space<vmem>> -> memref<1x2x8x128xf32, #tpu.memory_space<vmem>>
        %dma_start3A_1077 = tpu.memref_squeeze %dma_start3A_1076 : memref<1x2x8x128xf32, #tpu.memory_space<vmem>> -> memref<2x8x128xf32, #tpu.memory_space<vmem>>
        %dma_start3A_1078 = arith.constant 0 : i32
        %dma_start3A_1079 = arith.constant 0 : i32
        %dma_start3A_1080 = tpu.memref_slice %arg2[%dma_start3A_1062, %min3A_1041, %dma_start3A_1078, %dma_start3A_1079] : memref<2x8125x8x128xf32, #tpu.memory_space<hbm>> -> memref<1x2x8x128xf32, #tpu.memory_space<hbm>>
        %dma_start3A_1081 = tpu.memref_squeeze %dma_start3A_1080 : memref<1x2x8x128xf32, #tpu.memory_space<hbm>> -> memref<2x8x128xf32, #tpu.memory_space<hbm>>
        tpu.enqueue_dma source(%dma_start3A_1081 : memref<2x8x128xf32, #tpu.memory_space<hbm>>) target(%dma_start3A_1077 : memref<2x8x128xf32, #tpu.memory_space<vmem>>) target_semaphore(%arg12 : memref<!tpu.dma_semaphore, #tpu.memory_space<semaphore_mem>>)
      } else {
      }
      %dma_wait3A_791 = arith.constant 0 : i32
      %dma_wait3A_792 = arith.constant 0 : i32
      %dma_wait3A_793 = arith.constant 0 : i32
      %dma_wait3A_794 = arith.constant 0 : i32
      %dma_wait3A_795 = arith.constant 0 : i32
      %dma_wait3A_796 = tpu.memref_slice %arg5[%dma_wait3A_792, %dma_wait3A_793, %dma_wait3A_794, %dma_wait3A_795] : memref<2x2x8x128xf32, #tpu.memory_space<vmem>> -> memref<1x2x8x128xf32, #tpu.memory_space<vmem>>
      %dma_wait3A_797 = tpu.memref_squeeze %dma_wait3A_796 : memref<1x2x8x128xf32, #tpu.memory_space<vmem>> -> memref<2x8x128xf32, #tpu.memory_space<vmem>>
      %dma_wait3A_798 = arith.constant 0 : i32
      %dma_wait3A_799 = arith.constant 0 : i32
      %dma_wait3A_800 = arith.constant 0 : i32
      %dma_wait3A_801 = tpu.memref_slice %arg2[%dma_wait3A_791, %dma_wait3A_798, %dma_wait3A_799, %dma_wait3A_800] : memref<2x8125x8x128xf32, #tpu.memory_space<hbm>> -> memref<1x2x8x128xf32, #tpu.memory_space<hbm>>
      %dma_wait3A_802 = tpu.memref_squeeze %dma_wait3A_801 : memref<1x2x8x128xf32, #tpu.memory_space<hbm>> -> memref<2x8x128xf32, #tpu.memory_space<hbm>>
      %dma_wait3A_803 = arith.constant 0 : i32
      %dma_wait3A_804 = arith.constant 0 : i32
      %dma_wait3A_805 = arith.constant 0 : i32
      %dma_wait3A_806 = tpu.memref_slice %arg5[%dma_wait3A_792, %dma_wait3A_803, %dma_wait3A_804, %dma_wait3A_805] : memref<2x2x8x128xf32, #tpu.memory_space<vmem>> -> memref<1x2x8x128xf32, #tpu.memory_space<vmem>>
      %dma_wait3A_807 = tpu.memref_squeeze %dma_wait3A_806 : memref<1x2x8x128xf32, #tpu.memory_space<vmem>> -> memref<2x8x128xf32, #tpu.memory_space<vmem>>
      %dma_wait3A_808 = arith.constant 0 : i32
      %dma_wait3A_809 = arith.constant 0 : i32
      %dma_wait3A_810 = arith.constant 0 : i32
      %dma_wait3A_811 = tpu.memref_slice %arg2[%dma_wait3A_791, %dma_wait3A_808, %dma_wait3A_809, %dma_wait3A_810] : memref<2x8125x8x128xf32, #tpu.memory_space<hbm>> -> memref<1x2x8x128xf32, #tpu.memory_space<hbm>>
      %dma_wait3A_812 = tpu.memref_squeeze %dma_wait3A_811 : memref<1x2x8x128xf32, #tpu.memory_space<hbm>> -> memref<2x8x128xf32, #tpu.memory_space<hbm>>
      tpu.wait_dma2 semaphore(%arg13 : memref<!tpu.dma_semaphore, #tpu.memory_space<semaphore_mem>>) src(%dma_wait3A_812 : memref<2x8x128xf32, #tpu.memory_space<hbm>>) dst(%dma_wait3A_807 : memref<2x8x128xf32, #tpu.memory_space<vmem>>)
      %dma_wait3A_813 = arith.constant 0 : i32
      %dma_wait3A_814 = arith.constant 1 : i32
      %dma_wait3A_815 = arith.constant 0 : i32
      %dma_wait3A_816 = arith.constant 0 : i32
      %dma_wait3A_817 = arith.constant 0 : i32
      %dma_wait3A_818 = tpu.memref_slice %arg5[%dma_wait3A_814, %dma_wait3A_815, %dma_wait3A_816, %dma_wait3A_817] : memref<2x2x8x128xf32, #tpu.memory_space<vmem>> -> memref<1x2x8x128xf32, #tpu.memory_space<vmem>>
      %dma_wait3A_819 = tpu.memref_squeeze %dma_wait3A_818 : memref<1x2x8x128xf32, #tpu.memory_space<vmem>> -> memref<2x8x128xf32, #tpu.memory_space<vmem>>
      %dma_wait3A_820 = arith.constant 0 : i32
      %dma_wait3A_821 = arith.constant 0 : i32
      %dma_wait3A_822 = arith.constant 0 : i32
      %dma_wait3A_823 = tpu.memref_slice %arg2[%dma_wait3A_813, %dma_wait3A_820, %dma_wait3A_821, %dma_wait3A_822] : memref<2x8125x8x128xf32, #tpu.memory_space<hbm>> -> memref<1x2x8x128xf32, #tpu.memory_space<hbm>>
      %dma_wait3A_824 = tpu.memref_squeeze %dma_wait3A_823 : memref<1x2x8x128xf32, #tpu.memory_space<hbm>> -> memref<2x8x128xf32, #tpu.memory_space<hbm>>
      %dma_wait3A_825 = arith.constant 0 : i32
      %dma_wait3A_826 = arith.constant 0 : i32
      %dma_wait3A_827 = arith.constant 0 : i32
      %dma_wait3A_828 = tpu.memref_slice %arg5[%dma_wait3A_814, %dma_wait3A_825, %dma_wait3A_826, %dma_wait3A_827] : memref<2x2x8x128xf32, #tpu.memory_space<vmem>> -> memref<1x2x8x128xf32, #tpu.memory_space<vmem>>
      %dma_wait3A_829 = tpu.memref_squeeze %dma_wait3A_828 : memref<1x2x8x128xf32, #tpu.memory_space<vmem>> -> memref<2x8x128xf32, #tpu.memory_space<vmem>>
      %dma_wait3A_830 = arith.constant 0 : i32
      %dma_wait3A_831 = arith.constant 0 : i32
      %dma_wait3A_832 = arith.constant 0 : i32
      %dma_wait3A_833 = tpu.memref_slice %arg2[%dma_wait3A_813, %dma_wait3A_830, %dma_wait3A_831, %dma_wait3A_832] : memref<2x8125x8x128xf32, #tpu.memory_space<hbm>> -> memref<1x2x8x128xf32, #tpu.memory_space<hbm>>
      %dma_wait3A_834 = tpu.memref_squeeze %dma_wait3A_833 : memref<1x2x8x128xf32, #tpu.memory_space<hbm>> -> memref<2x8x128xf32, #tpu.memory_space<hbm>>
      tpu.wait_dma2 semaphore(%arg13 : memref<!tpu.dma_semaphore, #tpu.memory_space<semaphore_mem>>) src(%dma_wait3A_834 : memref<2x8x128xf32, #tpu.memory_space<hbm>>) dst(%dma_wait3A_829 : memref<2x8x128xf32, #tpu.memory_space<vmem>>)
      %dma_wait3A_835 = arith.constant 0 : i32
      %dma_wait3A_836 = arith.constant 0 : i32
      %dma_wait3A_837 = tpu.memref_slice %arg3[%dma_wait3A_835, %dma_wait3A_836] : memref<1040000x16xf32, #tpu.memory_space<hbm>> -> memref<256x16xf32, #tpu.memory_space<hbm>>
      %dma_wait3A_838 = arith.constant 0 : i32
      %dma_wait3A_839 = arith.constant 0 : i32
      %dma_wait3A_840 = tpu.memref_slice %arg3[%dma_wait3A_838, %dma_wait3A_839] : memref<1040000x16xf32, #tpu.memory_space<hbm>> -> memref<256x16xf32, #tpu.memory_space<hbm>>
      tpu.wait_dma2 semaphore(%arg17 : memref<!tpu.dma_semaphore, #tpu.memory_space<semaphore_mem>>) src(%dma_wait3A_840 : memref<256x16xf32, #tpu.memory_space<hbm>>) dst(%arg9 : memref<256x16xf32, #tpu.memory_space<vmem>>)
      %add3A_841 = arith.constant 1 : i32
      %add3A_842 = arith.addi %mul3A_712, %add3A_841 : i32
      %scan3A_843 = arith.constant 0 : i32
      %scan3A_844 = arith.constant 0 : i32
      %scan3A_845 = arith.constant 32 : i32
      %scan3A_846 = arith.addi %scan3A_844, %scan3A_845 : i32
      %scan3A_847 = arith.constant 1 : i32
      scf.for %scan3A_1031 = %scan3A_844 to %scan3A_846 step %scan3A_847  : i32 {
        %mul3A_1032 = arith.constant 4 : i32
        %mul3A_1033 = arith.muli %scan3A_1031, %mul3A_1032 : i32
        %add3A_1034 = arith.constant 0 : i32
        %add3A_1035 = arith.addi %mul3A_1033, %add3A_1034 : i32
        %add3A_1036 = vector.broadcast %add3A_1035 : i32 to vector<16xi32>
        %add3A_1037 = arith.addi %iota3A, %add3A_1036 : vector<16xi32>
        %and3A_1038 = arith.constant 127 : i32
        %and3A_1039 = vector.broadcast %and3A_1038 : i32 to vector<16xi32>
        %and3A_1040 = arith.andi %add3A_1037, %and3A_1039 : vector<16xi32>
        %broadcast_in_dim3A = arith.constant 0 : i32
        %broadcast_in_dim3A_1041 = vector.broadcast %broadcast_in_dim3A : i32 to vector<16xi32>
        %gather3A = tpu.vector_load_idx %arg5[%select_n3A, %broadcast_in_dim3A_1041, %select_n3A_43, %and3A_1040] : memref<2x2x8x128xf32, #tpu.memory_space<vmem>>[vector<16xi32>, vector<16xi32>, vector<16xi32>, vector<16xi32>], vector<16xf32>,
        %add3A_1042 = arith.constant 0 : i32
        %add3A_1043 = vector.broadcast %add3A_1042 : i32 to vector<16xi32>
        %add3A_1044 = arith.addi %and3A_1040, %add3A_1043 : vector<16xi32>
        tpu.vector_store_idx %arg9[%add3A_1044, %iota3A], %gather3A : memref<256x16xf32, #tpu.memory_space<vmem>>[vector<16xi32>, vector<16xi32>], vector<16xf32>,
        %broadcast_in_dim3A_1045 = arith.constant 1 : i32
        %broadcast_in_dim3A_1046 = vector.broadcast %broadcast_in_dim3A_1045 : i32 to vector<16xi32>
        %gather3A_1047 = tpu.vector_load_idx %arg5[%select_n3A, %broadcast_in_dim3A_1046, %select_n3A_43, %and3A_1040] : memref<2x2x8x128xf32, #tpu.memory_space<vmem>>[vector<16xi32>, vector<16xi32>, vector<16xi32>, vector<16xi32>], vector<16xf32>,
        %add3A_1048 = arith.constant 128 : i32
        %add3A_1049 = vector.broadcast %add3A_1048 : i32 to vector<16xi32>
        %add3A_1050 = arith.addi %and3A_1040, %add3A_1049 : vector<16xi32>
        tpu.vector_store_idx %arg9[%add3A_1050, %iota3A], %gather3A_1047 : memref<256x16xf32, #tpu.memory_space<vmem>>[vector<16xi32>, vector<16xi32>], vector<16xf32>,
        %mul3A_1051 = arith.constant 4 : i32
        %mul3A_1052 = arith.muli %scan3A_1031, %mul3A_1051 : i32
        %add3A_1053 = arith.constant 1 : i32
        %add3A_1054 = arith.addi %mul3A_1052, %add3A_1053 : i32
        %add3A_1055 = vector.broadcast %add3A_1054 : i32 to vector<16xi32>
        %add3A_1056 = arith.addi %iota3A, %add3A_1055 : vector<16xi32>
        %and3A_1057 = arith.constant 127 : i32
        %and3A_1058 = vector.broadcast %and3A_1057 : i32 to vector<16xi32>
        %and3A_1059 = arith.andi %add3A_1056, %and3A_1058 : vector<16xi32>
        %broadcast_in_dim3A_1060 = arith.constant 0 : i32
        %broadcast_in_dim3A_1061 = vector.broadcast %broadcast_in_dim3A_1060 : i32 to vector<16xi32>
        %gather3A_1062 = tpu.vector_load_idx %arg5[%select_n3A, %broadcast_in_dim3A_1061, %select_n3A_43, %and3A_1059] : memref<2x2x8x128xf32, #tpu.memory_space<vmem>>[vector<16xi32>, vector<16xi32>, vector<16xi32>, vector<16xi32>], vector<16xf32>,
        %add3A_1063 = arith.constant 0 : i32
        %add3A_1064 = vector.broadcast %add3A_1063 : i32 to vector<16xi32>
        %add3A_1065 = arith.addi %and3A_1059, %add3A_1064 : vector<16xi32>
        tpu.vector_store_idx %arg9[%add3A_1065, %iota3A], %gather3A_1062 : memref<256x16xf32, #tpu.memory_space<vmem>>[vector<16xi32>, vector<16xi32>], vector<16xf32>,
        %broadcast_in_dim3A_1066 = arith.constant 1 : i32
        %broadcast_in_dim3A_1067 = vector.broadcast %broadcast_in_dim3A_1066 : i32 to vector<16xi32>
        %gather3A_1068 = tpu.vector_load_idx %arg5[%select_n3A, %broadcast_in_dim3A_1067, %select_n3A_43, %and3A_1059] : memref<2x2x8x128xf32, #tpu.memory_space<vmem>>[vector<16xi32>, vector<16xi32>, vector<16xi32>, vector<16xi32>], vector<16xf32>,
        %add3A_1069 = arith.constant 128 : i32
        %add3A_1070 = vector.broadcast %add3A_1069 : i32 to vector<16xi32>
        %add3A_1071 = arith.addi %and3A_1059, %add3A_1070 : vector<16xi32>
        tpu.vector_store_idx %arg9[%add3A_1071, %iota3A], %gather3A_1068 : memref<256x16xf32, #tpu.memory_space<vmem>>[vector<16xi32>, vector<16xi32>], vector<16xf32>,
        %mul3A_1072 = arith.constant 4 : i32
        %mul3A_1073 = arith.muli %scan3A_1031, %mul3A_1072 : i32
        %add3A_1074 = arith.constant 2 : i32
        %add3A_1075 = arith.addi %mul3A_1073, %add3A_1074 : i32
        %add3A_1076 = vector.broadcast %add3A_1075 : i32 to vector<16xi32>
        %add3A_1077 = arith.addi %iota3A, %add3A_1076 : vector<16xi32>
        %and3A_1078 = arith.constant 127 : i32
        %and3A_1079 = vector.broadcast %and3A_1078 : i32 to vector<16xi32>
        %and3A_1080 = arith.andi %add3A_1077, %and3A_1079 : vector<16xi32>
        %broadcast_in_dim3A_1081 = arith.constant 0 : i32
        %broadcast_in_dim3A_1082 = vector.broadcast %broadcast_in_dim3A_1081 : i32 to vector<16xi32>
        %gather3A_1083 = tpu.vector_load_idx %arg5[%select_n3A, %broadcast_in_dim3A_1082, %select_n3A_43, %and3A_1080] : memref<2x2x8x128xf32, #tpu.memory_space<vmem>>[vector<16xi32>, vector<16xi32>, vector<16xi32>, vector<16xi32>], vector<16xf32>,
        %add3A_1084 = arith.constant 0 : i32
        %add3A_1085 = vector.broadcast %add3A_1084 : i32 to vector<16xi32>
        %add3A_1086 = arith.addi %and3A_1080, %add3A_1085 : vector<16xi32>
        tpu.vector_store_idx %arg9[%add3A_1086, %iota3A], %gather3A_1083 : memref<256x16xf32, #tpu.memory_space<vmem>>[vector<16xi32>, vector<16xi32>], vector<16xf32>,
        %broadcast_in_dim3A_1087 = arith.constant 1 : i32
        %broadcast_in_dim3A_1088 = vector.broadcast %broadcast_in_dim3A_1087 : i32 to vector<16xi32>
        %gather3A_1089 = tpu.vector_load_idx %arg5[%select_n3A, %broadcast_in_dim3A_1088, %select_n3A_43, %and3A_1080] : memref<2x2x8x128xf32, #tpu.memory_space<vmem>>[vector<16xi32>, vector<16xi32>, vector<16xi32>, vector<16xi32>], vector<16xf32>,
        %add3A_1090 = arith.constant 128 : i32
        %add3A_1091 = vector.broadcast %add3A_1090 : i32 to vector<16xi32>
        %add3A_1092 = arith.addi %and3A_1080, %add3A_1091 : vector<16xi32>
        tpu.vector_store_idx %arg9[%add3A_1092, %iota3A], %gather3A_1089 : memref<256x16xf32, #tpu.memory_space<vmem>>[vector<16xi32>, vector<16xi32>], vector<16xf32>,
        %mul3A_1093 = arith.constant 4 : i32
        %mul3A_1094 = arith.muli %scan3A_1031, %mul3A_1093 : i32
        %add3A_1095 = arith.constant 3 : i32
        %add3A_1096 = arith.addi %mul3A_1094, %add3A_1095 : i32
        %add3A_1097 = vector.broadcast %add3A_1096 : i32 to vector<16xi32>
        %add3A_1098 = arith.addi %iota3A, %add3A_1097 : vector<16xi32>
        %and3A_1099 = arith.constant 127 : i32
        %and3A_1100 = vector.broadcast %and3A_1099 : i32 to vector<16xi32>
        %and3A_1101 = arith.andi %add3A_1098, %and3A_1100 : vector<16xi32>
        %broadcast_in_dim3A_1102 = arith.constant 0 : i32
        %broadcast_in_dim3A_1103 = vector.broadcast %broadcast_in_dim3A_1102 : i32 to vector<16xi32>
        %gather3A_1104 = tpu.vector_load_idx %arg5[%select_n3A, %broadcast_in_dim3A_1103, %select_n3A_43, %and3A_1101] : memref<2x2x8x128xf32, #tpu.memory_space<vmem>>[vector<16xi32>, vector<16xi32>, vector<16xi32>, vector<16xi32>], vector<16xf32>,
        %add3A_1105 = arith.constant 0 : i32
        %add3A_1106 = vector.broadcast %add3A_1105 : i32 to vector<16xi32>
        %add3A_1107 = arith.addi %and3A_1101, %add3A_1106 : vector<16xi32>
        tpu.vector_store_idx %arg9[%add3A_1107, %iota3A], %gather3A_1104 : memref<256x16xf32, #tpu.memory_space<vmem>>[vector<16xi32>, vector<16xi32>], vector<16xf32>,
        %broadcast_in_dim3A_1108 = arith.constant 1 : i32
        %broadcast_in_dim3A_1109 = vector.broadcast %broadcast_in_dim3A_1108 : i32 to vector<16xi32>
        %gather3A_1110 = tpu.vector_load_idx %arg5[%select_n3A, %broadcast_in_dim3A_1109, %select_n3A_43, %and3A_1101] : memref<2x2x8x128xf32, #tpu.memory_space<vmem>>[vector<16xi32>, vector<16xi32>, vector<16xi32>, vector<16xi32>], vector<16xf32>,
        %add3A_1111 = arith.constant 128 : i32
        %add3A_1112 = vector.broadcast %add3A_1111 : i32 to vector<16xi32>
        %add3A_1113 = arith.addi %and3A_1101, %add3A_1112 : vector<16xi32>
        tpu.vector_store_idx %arg9[%add3A_1113, %iota3A], %gather3A_1110 : memref<256x16xf32, #tpu.memory_space<vmem>>[vector<16xi32>, vector<16xi32>], vector<16xf32>,
      }
      %scan3A_848 = arith.constant 32 : i32
      %mul3A_849 = arith.constant 128 : i32
      %mul3A_850 = arith.muli %add3A, %mul3A_849 : i32
      %add3A_851 = arith.addi %mul3A_850, %add3A_842 : i32
      %mul3A_852 = arith.constant 2 : i32
      %mul3A_853 = arith.muli %add3A_851, %mul3A_852 : i32
      %min3A_854 = arith.constant 8123 : i32
      %min3A_855 = arith.minsi %mul3A_853, %min3A_854 : i32
      %mul3A_856 = arith.constant 128 : i32
      %mul3A_857 = arith.muli %min3A_855, %mul3A_856 : i32
      %dma_start3A_858 = arith.constant 0 : i32
      %dma_start3A_859 = tpu.memref_slice %arg3[%mul3A_857, %dma_start3A_858] : memref<1040000x16xf32, #tpu.memory_space<hbm>> -> memref<256x16xf32, #tpu.memory_space<hbm>>
      %dma_start3A_860 = arith.constant 0 : i32
      %dma_start3A_861 = tpu.memref_slice %arg3[%mul3A_857, %dma_start3A_860] : memref<1040000x16xf32, #tpu.memory_space<hbm>> -> memref<256x16xf32, #tpu.memory_space<hbm>>
      tpu.enqueue_dma source(%arg9 : memref<256x16xf32, #tpu.memory_space<vmem>>) target(%dma_start3A_861 : memref<256x16xf32, #tpu.memory_space<hbm>>) target_semaphore(%arg17 : memref<!tpu.dma_semaphore, #tpu.memory_space<semaphore_mem>>)
      %add3A_862 = arith.constant 1 : i32
      %add3A_863 = arith.addi %mul3A_712, %add3A_862 : i32
      %add3A_864 = arith.constant 4 : i32
      %add3A_865 = arith.addi %add3A_863, %add3A_864 : i32
      %lt3A_866 = arith.constant 128 : i32
      %lt3A_867 = arith.cmpi slt, %add3A_865, %lt3A_866 : i32
      %convert_element_type3A_868 = arith.extui %lt3A_867 : i1 to i32
      %cond3A_869 = arith.constant 0 : i32
      %cond3A_870 = arith.cmpi ne, %convert_element_type3A_868, %cond3A_869 : i32
      scf.if %cond3A_870 {
        %add3A_1031 = arith.constant 1 : i32
        %add3A_1032 = arith.addi %mul3A_712, %add3A_1031 : i32
        %add3A_1033 = arith.constant 4 : i32
        %add3A_1034 = arith.addi %add3A_1032, %add3A_1033 : i32
        %mul3A_1035 = arith.constant 128 : i32
        %mul3A_1036 = arith.muli %add3A, %mul3A_1035 : i32
        %add3A_1037 = arith.addi %mul3A_1036, %add3A_1034 : i32
        %mul3A_1038 = arith.constant 2 : i32
        %mul3A_1039 = arith.muli %add3A_1037, %mul3A_1038 : i32
        %min3A_1040 = arith.constant 8123 : i32
        %min3A_1041 = arith.minsi %mul3A_1039, %min3A_1040 : i32
        %dma_start3A_1042 = arith.constant 0 : i32
        %dma_start3A_1043 = arith.constant 0 : i32
        %dma_start3A_1044 = arith.constant 0 : i32
        %dma_start3A_1045 = arith.constant 0 : i32
        %dma_start3A_1046 = arith.constant 0 : i32
        %dma_start3A_1047 = tpu.memref_slice %arg5[%dma_start3A_1043, %dma_start3A_1044, %dma_start3A_1045, %dma_start3A_1046] : memref<2x2x8x128xf32, #tpu.memory_space<vmem>> -> memref<1x2x8x128xf32, #tpu.memory_space<vmem>>
        %dma_start3A_1048 = tpu.memref_squeeze %dma_start3A_1047 : memref<1x2x8x128xf32, #tpu.memory_space<vmem>> -> memref<2x8x128xf32, #tpu.memory_space<vmem>>
        %dma_start3A_1049 = arith.constant 0 : i32
        %dma_start3A_1050 = arith.constant 0 : i32
        %dma_start3A_1051 = tpu.memref_slice %arg2[%dma_start3A_1042, %min3A_1041, %dma_start3A_1049, %dma_start3A_1050] : memref<2x8125x8x128xf32, #tpu.memory_space<hbm>> -> memref<1x2x8x128xf32, #tpu.memory_space<hbm>>
        %dma_start3A_1052 = tpu.memref_squeeze %dma_start3A_1051 : memref<1x2x8x128xf32, #tpu.memory_space<hbm>> -> memref<2x8x128xf32, #tpu.memory_space<hbm>>
        %dma_start3A_1053 = arith.constant 0 : i32
        %dma_start3A_1054 = arith.constant 0 : i32
        %dma_start3A_1055 = arith.constant 0 : i32
        %dma_start3A_1056 = tpu.memref_slice %arg5[%dma_start3A_1043, %dma_start3A_1053, %dma_start3A_1054, %dma_start3A_1055] : memref<2x2x8x128xf32, #tpu.memory_space<vmem>> -> memref<1x2x8x128xf32, #tpu.memory_space<vmem>>
        %dma_start3A_1057 = tpu.memref_squeeze %dma_start3A_1056 : memref<1x2x8x128xf32, #tpu.memory_space<vmem>> -> memref<2x8x128xf32, #tpu.memory_space<vmem>>
        %dma_start3A_1058 = arith.constant 0 : i32
        %dma_start3A_1059 = arith.constant 0 : i32
        %dma_start3A_1060 = tpu.memref_slice %arg2[%dma_start3A_1042, %min3A_1041, %dma_start3A_1058, %dma_start3A_1059] : memref<2x8125x8x128xf32, #tpu.memory_space<hbm>> -> memref<1x2x8x128xf32, #tpu.memory_space<hbm>>
        %dma_start3A_1061 = tpu.memref_squeeze %dma_start3A_1060 : memref<1x2x8x128xf32, #tpu.memory_space<hbm>> -> memref<2x8x128xf32, #tpu.memory_space<hbm>>
        tpu.enqueue_dma source(%dma_start3A_1061 : memref<2x8x128xf32, #tpu.memory_space<hbm>>) target(%dma_start3A_1057 : memref<2x8x128xf32, #tpu.memory_space<vmem>>) target_semaphore(%arg13 : memref<!tpu.dma_semaphore, #tpu.memory_space<semaphore_mem>>)
        %dma_start3A_1062 = arith.constant 1 : i32
        %dma_start3A_1063 = arith.constant 1 : i32
        %dma_start3A_1064 = arith.constant 0 : i32
        %dma_start3A_1065 = arith.constant 0 : i32
        %dma_start3A_1066 = arith.constant 0 : i32
        %dma_start3A_1067 = tpu.memref_slice %arg5[%dma_start3A_1063, %dma_start3A_1064, %dma_start3A_1065, %dma_start3A_1066] : memref<2x2x8x128xf32, #tpu.memory_space<vmem>> -> memref<1x2x8x128xf32, #tpu.memory_space<vmem>>
        %dma_start3A_1068 = tpu.memref_squeeze %dma_start3A_1067 : memref<1x2x8x128xf32, #tpu.memory_space<vmem>> -> memref<2x8x128xf32, #tpu.memory_space<vmem>>
        %dma_start3A_1069 = arith.constant 0 : i32
        %dma_start3A_1070 = arith.constant 0 : i32
        %dma_start3A_1071 = tpu.memref_slice %arg2[%dma_start3A_1062, %min3A_1041, %dma_start3A_1069, %dma_start3A_1070] : memref<2x8125x8x128xf32, #tpu.memory_space<hbm>> -> memref<1x2x8x128xf32, #tpu.memory_space<hbm>>
        %dma_start3A_1072 = tpu.memref_squeeze %dma_start3A_1071 : memref<1x2x8x128xf32, #tpu.memory_space<hbm>> -> memref<2x8x128xf32, #tpu.memory_space<hbm>>
        %dma_start3A_1073 = arith.constant 0 : i32
        %dma_start3A_1074 = arith.constant 0 : i32
        %dma_start3A_1075 = arith.constant 0 : i32
        %dma_start3A_1076 = tpu.memref_slice %arg5[%dma_start3A_1063, %dma_start3A_1073, %dma_start3A_1074, %dma_start3A_1075] : memref<2x2x8x128xf32, #tpu.memory_space<vmem>> -> memref<1x2x8x128xf32, #tpu.memory_space<vmem>>
        %dma_start3A_1077 = tpu.memref_squeeze %dma_start3A_1076 : memref<1x2x8x128xf32, #tpu.memory_space<vmem>> -> memref<2x8x128xf32, #tpu.memory_space<vmem>>
        %dma_start3A_1078 = arith.constant 0 : i32
        %dma_start3A_1079 = arith.constant 0 : i32
        %dma_start3A_1080 = tpu.memref_slice %arg2[%dma_start3A_1062, %min3A_1041, %dma_start3A_1078, %dma_start3A_1079] : memref<2x8125x8x128xf32, #tpu.memory_space<hbm>> -> memref<1x2x8x128xf32, #tpu.memory_space<hbm>>
        %dma_start3A_1081 = tpu.memref_squeeze %dma_start3A_1080 : memref<1x2x8x128xf32, #tpu.memory_space<hbm>> -> memref<2x8x128xf32, #tpu.memory_space<hbm>>
        tpu.enqueue_dma source(%dma_start3A_1081 : memref<2x8x128xf32, #tpu.memory_space<hbm>>) target(%dma_start3A_1077 : memref<2x8x128xf32, #tpu.memory_space<vmem>>) target_semaphore(%arg13 : memref<!tpu.dma_semaphore, #tpu.memory_space<semaphore_mem>>)
      } else {
      }
      %dma_wait3A_871 = arith.constant 0 : i32
      %dma_wait3A_872 = arith.constant 0 : i32
      %dma_wait3A_873 = arith.constant 0 : i32
      %dma_wait3A_874 = arith.constant 0 : i32
      %dma_wait3A_875 = arith.constant 0 : i32
      %dma_wait3A_876 = tpu.memref_slice %arg6[%dma_wait3A_872, %dma_wait3A_873, %dma_wait3A_874, %dma_wait3A_875] : memref<2x2x8x128xf32, #tpu.memory_space<vmem>> -> memref<1x2x8x128xf32, #tpu.memory_space<vmem>>
      %dma_wait3A_877 = tpu.memref_squeeze %dma_wait3A_876 : memref<1x2x8x128xf32, #tpu.memory_space<vmem>> -> memref<2x8x128xf32, #tpu.memory_space<vmem>>
      %dma_wait3A_878 = arith.constant 0 : i32
      %dma_wait3A_879 = arith.constant 0 : i32
      %dma_wait3A_880 = arith.constant 0 : i32
      %dma_wait3A_881 = tpu.memref_slice %arg2[%dma_wait3A_871, %dma_wait3A_878, %dma_wait3A_879, %dma_wait3A_880] : memref<2x8125x8x128xf32, #tpu.memory_space<hbm>> -> memref<1x2x8x128xf32, #tpu.memory_space<hbm>>
      %dma_wait3A_882 = tpu.memref_squeeze %dma_wait3A_881 : memref<1x2x8x128xf32, #tpu.memory_space<hbm>> -> memref<2x8x128xf32, #tpu.memory_space<hbm>>
      %dma_wait3A_883 = arith.constant 0 : i32
      %dma_wait3A_884 = arith.constant 0 : i32
      %dma_wait3A_885 = arith.constant 0 : i32
      %dma_wait3A_886 = tpu.memref_slice %arg6[%dma_wait3A_872, %dma_wait3A_883, %dma_wait3A_884, %dma_wait3A_885] : memref<2x2x8x128xf32, #tpu.memory_space<vmem>> -> memref<1x2x8x128xf32, #tpu.memory_space<vmem>>
      %dma_wait3A_887 = tpu.memref_squeeze %dma_wait3A_886 : memref<1x2x8x128xf32, #tpu.memory_space<vmem>> -> memref<2x8x128xf32, #tpu.memory_space<vmem>>
      %dma_wait3A_888 = arith.constant 0 : i32
      %dma_wait3A_889 = arith.constant 0 : i32
      %dma_wait3A_890 = arith.constant 0 : i32
      %dma_wait3A_891 = tpu.memref_slice %arg2[%dma_wait3A_871, %dma_wait3A_888, %dma_wait3A_889, %dma_wait3A_890] : memref<2x8125x8x128xf32, #tpu.memory_space<hbm>> -> memref<1x2x8x128xf32, #tpu.memory_space<hbm>>
      %dma_wait3A_892 = tpu.memref_squeeze %dma_wait3A_891 : memref<1x2x8x128xf32, #tpu.memory_space<hbm>> -> memref<2x8x128xf32, #tpu.memory_space<hbm>>
      tpu.wait_dma2 semaphore(%arg14 : memref<!tpu.dma_semaphore, #tpu.memory_space<semaphore_mem>>) src(%dma_wait3A_892 : memref<2x8x128xf32, #tpu.memory_space<hbm>>) dst(%dma_wait3A_887 : memref<2x8x128xf32, #tpu.memory_space<vmem>>)
      %dma_wait3A_893 = arith.constant 0 : i32
      %dma_wait3A_894 = arith.constant 1 : i32
      %dma_wait3A_895 = arith.constant 0 : i32
      %dma_wait3A_896 = arith.constant 0 : i32
      %dma_wait3A_897 = arith.constant 0 : i32
      %dma_wait3A_898 = tpu.memref_slice %arg6[%dma_wait3A_894, %dma_wait3A_895, %dma_wait3A_896, %dma_wait3A_897] : memref<2x2x8x128xf32, #tpu.memory_space<vmem>> -> memref<1x2x8x128xf32, #tpu.memory_space<vmem>>
      %dma_wait3A_899 = tpu.memref_squeeze %dma_wait3A_898 : memref<1x2x8x128xf32, #tpu.memory_space<vmem>> -> memref<2x8x128xf32, #tpu.memory_space<vmem>>
      %dma_wait3A_900 = arith.constant 0 : i32
      %dma_wait3A_901 = arith.constant 0 : i32
      %dma_wait3A_902 = arith.constant 0 : i32
      %dma_wait3A_903 = tpu.memref_slice %arg2[%dma_wait3A_893, %dma_wait3A_900, %dma_wait3A_901, %dma_wait3A_902] : memref<2x8125x8x128xf32, #tpu.memory_space<hbm>> -> memref<1x2x8x128xf32, #tpu.memory_space<hbm>>
      %dma_wait3A_904 = tpu.memref_squeeze %dma_wait3A_903 : memref<1x2x8x128xf32, #tpu.memory_space<hbm>> -> memref<2x8x128xf32, #tpu.memory_space<hbm>>
      %dma_wait3A_905 = arith.constant 0 : i32
      %dma_wait3A_906 = arith.constant 0 : i32
      %dma_wait3A_907 = arith.constant 0 : i32
      %dma_wait3A_908 = tpu.memref_slice %arg6[%dma_wait3A_894, %dma_wait3A_905, %dma_wait3A_906, %dma_wait3A_907] : memref<2x2x8x128xf32, #tpu.memory_space<vmem>> -> memref<1x2x8x128xf32, #tpu.memory_space<vmem>>
      %dma_wait3A_909 = tpu.memref_squeeze %dma_wait3A_908 : memref<1x2x8x128xf32, #tpu.memory_space<vmem>> -> memref<2x8x128xf32, #tpu.memory_space<vmem>>
      %dma_wait3A_910 = arith.constant 0 : i32
      %dma_wait3A_911 = arith.constant 0 : i32
      %dma_wait3A_912 = arith.constant 0 : i32
      %dma_wait3A_913 = tpu.memref_slice %arg2[%dma_wait3A_893, %dma_wait3A_910, %dma_wait3A_911, %dma_wait3A_912] : memref<2x8125x8x128xf32, #tpu.memory_space<hbm>> -> memref<1x2x8x128xf32, #tpu.memory_space<hbm>>
      %dma_wait3A_914 = tpu.memref_squeeze %dma_wait3A_913 : memref<1x2x8x128xf32, #tpu.memory_space<hbm>> -> memref<2x8x128xf32, #tpu.memory_space<hbm>>
      tpu.wait_dma2 semaphore(%arg14 : memref<!tpu.dma_semaphore, #tpu.memory_space<semaphore_mem>>) src(%dma_wait3A_914 : memref<2x8x128xf32, #tpu.memory_space<hbm>>) dst(%dma_wait3A_909 : memref<2x8x128xf32, #tpu.memory_space<vmem>>)
      %dma_wait3A_915 = arith.constant 0 : i32
      %dma_wait3A_916 = arith.constant 0 : i32
      %dma_wait3A_917 = tpu.memref_slice %arg3[%dma_wait3A_915, %dma_wait3A_916] : memref<1040000x16xf32, #tpu.memory_space<hbm>> -> memref<256x16xf32, #tpu.memory_space<hbm>>
      %dma_wait3A_918 = arith.constant 0 : i32
      %dma_wait3A_919 = arith.constant 0 : i32
      %dma_wait3A_920 = tpu.memref_slice %arg3[%dma_wait3A_918, %dma_wait3A_919] : memref<1040000x16xf32, #tpu.memory_space<hbm>> -> memref<256x16xf32, #tpu.memory_space<hbm>>
      tpu.wait_dma2 semaphore(%arg18 : memref<!tpu.dma_semaphore, #tpu.memory_space<semaphore_mem>>) src(%dma_wait3A_920 : memref<256x16xf32, #tpu.memory_space<hbm>>) dst(%arg10 : memref<256x16xf32, #tpu.memory_space<vmem>>)
      %add3A_921 = arith.constant 2 : i32
      %add3A_922 = arith.addi %mul3A_712, %add3A_921 : i32
      %scan3A_923 = arith.constant 0 : i32
      %scan3A_924 = arith.constant 0 : i32
      %scan3A_925 = arith.constant 32 : i32
      %scan3A_926 = arith.addi %scan3A_924, %scan3A_925 : i32
      %scan3A_927 = arith.constant 1 : i32
      scf.for %scan3A_1031 = %scan3A_924 to %scan3A_926 step %scan3A_927  : i32 {
        %mul3A_1032 = arith.constant 4 : i32
        %mul3A_1033 = arith.muli %scan3A_1031, %mul3A_1032 : i32
        %add3A_1034 = arith.constant 0 : i32
        %add3A_1035 = arith.addi %mul3A_1033, %add3A_1034 : i32
        %add3A_1036 = vector.broadcast %add3A_1035 : i32 to vector<16xi32>
        %add3A_1037 = arith.addi %iota3A, %add3A_1036 : vector<16xi32>
        %and3A_1038 = arith.constant 127 : i32
        %and3A_1039 = vector.broadcast %and3A_1038 : i32 to vector<16xi32>
        %and3A_1040 = arith.andi %add3A_1037, %and3A_1039 : vector<16xi32>
        %broadcast_in_dim3A = arith.constant 0 : i32
        %broadcast_in_dim3A_1041 = vector.broadcast %broadcast_in_dim3A : i32 to vector<16xi32>
        %gather3A = tpu.vector_load_idx %arg6[%select_n3A, %broadcast_in_dim3A_1041, %select_n3A_43, %and3A_1040] : memref<2x2x8x128xf32, #tpu.memory_space<vmem>>[vector<16xi32>, vector<16xi32>, vector<16xi32>, vector<16xi32>], vector<16xf32>,
        %add3A_1042 = arith.constant 0 : i32
        %add3A_1043 = vector.broadcast %add3A_1042 : i32 to vector<16xi32>
        %add3A_1044 = arith.addi %and3A_1040, %add3A_1043 : vector<16xi32>
        tpu.vector_store_idx %arg10[%add3A_1044, %iota3A], %gather3A : memref<256x16xf32, #tpu.memory_space<vmem>>[vector<16xi32>, vector<16xi32>], vector<16xf32>,
        %broadcast_in_dim3A_1045 = arith.constant 1 : i32
        %broadcast_in_dim3A_1046 = vector.broadcast %broadcast_in_dim3A_1045 : i32 to vector<16xi32>
        %gather3A_1047 = tpu.vector_load_idx %arg6[%select_n3A, %broadcast_in_dim3A_1046, %select_n3A_43, %and3A_1040] : memref<2x2x8x128xf32, #tpu.memory_space<vmem>>[vector<16xi32>, vector<16xi32>, vector<16xi32>, vector<16xi32>], vector<16xf32>,
        %add3A_1048 = arith.constant 128 : i32
        %add3A_1049 = vector.broadcast %add3A_1048 : i32 to vector<16xi32>
        %add3A_1050 = arith.addi %and3A_1040, %add3A_1049 : vector<16xi32>
        tpu.vector_store_idx %arg10[%add3A_1050, %iota3A], %gather3A_1047 : memref<256x16xf32, #tpu.memory_space<vmem>>[vector<16xi32>, vector<16xi32>], vector<16xf32>,
        %mul3A_1051 = arith.constant 4 : i32
        %mul3A_1052 = arith.muli %scan3A_1031, %mul3A_1051 : i32
        %add3A_1053 = arith.constant 1 : i32
        %add3A_1054 = arith.addi %mul3A_1052, %add3A_1053 : i32
        %add3A_1055 = vector.broadcast %add3A_1054 : i32 to vector<16xi32>
        %add3A_1056 = arith.addi %iota3A, %add3A_1055 : vector<16xi32>
        %and3A_1057 = arith.constant 127 : i32
        %and3A_1058 = vector.broadcast %and3A_1057 : i32 to vector<16xi32>
        %and3A_1059 = arith.andi %add3A_1056, %and3A_1058 : vector<16xi32>
        %broadcast_in_dim3A_1060 = arith.constant 0 : i32
        %broadcast_in_dim3A_1061 = vector.broadcast %broadcast_in_dim3A_1060 : i32 to vector<16xi32>
        %gather3A_1062 = tpu.vector_load_idx %arg6[%select_n3A, %broadcast_in_dim3A_1061, %select_n3A_43, %and3A_1059] : memref<2x2x8x128xf32, #tpu.memory_space<vmem>>[vector<16xi32>, vector<16xi32>, vector<16xi32>, vector<16xi32>], vector<16xf32>,
        %add3A_1063 = arith.constant 0 : i32
        %add3A_1064 = vector.broadcast %add3A_1063 : i32 to vector<16xi32>
        %add3A_1065 = arith.addi %and3A_1059, %add3A_1064 : vector<16xi32>
        tpu.vector_store_idx %arg10[%add3A_1065, %iota3A], %gather3A_1062 : memref<256x16xf32, #tpu.memory_space<vmem>>[vector<16xi32>, vector<16xi32>], vector<16xf32>,
        %broadcast_in_dim3A_1066 = arith.constant 1 : i32
        %broadcast_in_dim3A_1067 = vector.broadcast %broadcast_in_dim3A_1066 : i32 to vector<16xi32>
        %gather3A_1068 = tpu.vector_load_idx %arg6[%select_n3A, %broadcast_in_dim3A_1067, %select_n3A_43, %and3A_1059] : memref<2x2x8x128xf32, #tpu.memory_space<vmem>>[vector<16xi32>, vector<16xi32>, vector<16xi32>, vector<16xi32>], vector<16xf32>,
        %add3A_1069 = arith.constant 128 : i32
        %add3A_1070 = vector.broadcast %add3A_1069 : i32 to vector<16xi32>
        %add3A_1071 = arith.addi %and3A_1059, %add3A_1070 : vector<16xi32>
        tpu.vector_store_idx %arg10[%add3A_1071, %iota3A], %gather3A_1068 : memref<256x16xf32, #tpu.memory_space<vmem>>[vector<16xi32>, vector<16xi32>], vector<16xf32>,
        %mul3A_1072 = arith.constant 4 : i32
        %mul3A_1073 = arith.muli %scan3A_1031, %mul3A_1072 : i32
        %add3A_1074 = arith.constant 2 : i32
        %add3A_1075 = arith.addi %mul3A_1073, %add3A_1074 : i32
        %add3A_1076 = vector.broadcast %add3A_1075 : i32 to vector<16xi32>
        %add3A_1077 = arith.addi %iota3A, %add3A_1076 : vector<16xi32>
        %and3A_1078 = arith.constant 127 : i32
        %and3A_1079 = vector.broadcast %and3A_1078 : i32 to vector<16xi32>
        %and3A_1080 = arith.andi %add3A_1077, %and3A_1079 : vector<16xi32>
        %broadcast_in_dim3A_1081 = arith.constant 0 : i32
        %broadcast_in_dim3A_1082 = vector.broadcast %broadcast_in_dim3A_1081 : i32 to vector<16xi32>
        %gather3A_1083 = tpu.vector_load_idx %arg6[%select_n3A, %broadcast_in_dim3A_1082, %select_n3A_43, %and3A_1080] : memref<2x2x8x128xf32, #tpu.memory_space<vmem>>[vector<16xi32>, vector<16xi32>, vector<16xi32>, vector<16xi32>], vector<16xf32>,
        %add3A_1084 = arith.constant 0 : i32
        %add3A_1085 = vector.broadcast %add3A_1084 : i32 to vector<16xi32>
        %add3A_1086 = arith.addi %and3A_1080, %add3A_1085 : vector<16xi32>
        tpu.vector_store_idx %arg10[%add3A_1086, %iota3A], %gather3A_1083 : memref<256x16xf32, #tpu.memory_space<vmem>>[vector<16xi32>, vector<16xi32>], vector<16xf32>,
        %broadcast_in_dim3A_1087 = arith.constant 1 : i32
        %broadcast_in_dim3A_1088 = vector.broadcast %broadcast_in_dim3A_1087 : i32 to vector<16xi32>
        %gather3A_1089 = tpu.vector_load_idx %arg6[%select_n3A, %broadcast_in_dim3A_1088, %select_n3A_43, %and3A_1080] : memref<2x2x8x128xf32, #tpu.memory_space<vmem>>[vector<16xi32>, vector<16xi32>, vector<16xi32>, vector<16xi32>], vector<16xf32>,
        %add3A_1090 = arith.constant 128 : i32
        %add3A_1091 = vector.broadcast %add3A_1090 : i32 to vector<16xi32>
        %add3A_1092 = arith.addi %and3A_1080, %add3A_1091 : vector<16xi32>
        tpu.vector_store_idx %arg10[%add3A_1092, %iota3A], %gather3A_1089 : memref<256x16xf32, #tpu.memory_space<vmem>>[vector<16xi32>, vector<16xi32>], vector<16xf32>,
        %mul3A_1093 = arith.constant 4 : i32
        %mul3A_1094 = arith.muli %scan3A_1031, %mul3A_1093 : i32
        %add3A_1095 = arith.constant 3 : i32
        %add3A_1096 = arith.addi %mul3A_1094, %add3A_1095 : i32
        %add3A_1097 = vector.broadcast %add3A_1096 : i32 to vector<16xi32>
        %add3A_1098 = arith.addi %iota3A, %add3A_1097 : vector<16xi32>
        %and3A_1099 = arith.constant 127 : i32
        %and3A_1100 = vector.broadcast %and3A_1099 : i32 to vector<16xi32>
        %and3A_1101 = arith.andi %add3A_1098, %and3A_1100 : vector<16xi32>
        %broadcast_in_dim3A_1102 = arith.constant 0 : i32
        %broadcast_in_dim3A_1103 = vector.broadcast %broadcast_in_dim3A_1102 : i32 to vector<16xi32>
        %gather3A_1104 = tpu.vector_load_idx %arg6[%select_n3A, %broadcast_in_dim3A_1103, %select_n3A_43, %and3A_1101] : memref<2x2x8x128xf32, #tpu.memory_space<vmem>>[vector<16xi32>, vector<16xi32>, vector<16xi32>, vector<16xi32>], vector<16xf32>,
        %add3A_1105 = arith.constant 0 : i32
        %add3A_1106 = vector.broadcast %add3A_1105 : i32 to vector<16xi32>
        %add3A_1107 = arith.addi %and3A_1101, %add3A_1106 : vector<16xi32>
        tpu.vector_store_idx %arg10[%add3A_1107, %iota3A], %gather3A_1104 : memref<256x16xf32, #tpu.memory_space<vmem>>[vector<16xi32>, vector<16xi32>], vector<16xf32>,
        %broadcast_in_dim3A_1108 = arith.constant 1 : i32
        %broadcast_in_dim3A_1109 = vector.broadcast %broadcast_in_dim3A_1108 : i32 to vector<16xi32>
        %gather3A_1110 = tpu.vector_load_idx %arg6[%select_n3A, %broadcast_in_dim3A_1109, %select_n3A_43, %and3A_1101] : memref<2x2x8x128xf32, #tpu.memory_space<vmem>>[vector<16xi32>, vector<16xi32>, vector<16xi32>, vector<16xi32>], vector<16xf32>,
        %add3A_1111 = arith.constant 128 : i32
        %add3A_1112 = vector.broadcast %add3A_1111 : i32 to vector<16xi32>
        %add3A_1113 = arith.addi %and3A_1101, %add3A_1112 : vector<16xi32>
        tpu.vector_store_idx %arg10[%add3A_1113, %iota3A], %gather3A_1110 : memref<256x16xf32, #tpu.memory_space<vmem>>[vector<16xi32>, vector<16xi32>], vector<16xf32>,
      }
      %scan3A_928 = arith.constant 32 : i32
      %mul3A_929 = arith.constant 128 : i32
      %mul3A_930 = arith.muli %add3A, %mul3A_929 : i32
      %add3A_931 = arith.addi %mul3A_930, %add3A_922 : i32
      %mul3A_932 = arith.constant 2 : i32
      %mul3A_933 = arith.muli %add3A_931, %mul3A_932 : i32
      %min3A_934 = arith.constant 8123 : i32
      %min3A_935 = arith.minsi %mul3A_933, %min3A_934 : i32
      %mul3A_936 = arith.constant 128 : i32
      %mul3A_937 = arith.muli %min3A_935, %mul3A_936 : i32
      %dma_start3A_938 = arith.constant 0 : i32
      %dma_start3A_939 = tpu.memref_slice %arg3[%mul3A_937, %dma_start3A_938] : memref<1040000x16xf32, #tpu.memory_space<hbm>> -> memref<256x16xf32, #tpu.memory_space<hbm>>
      %dma_start3A_940 = arith.constant 0 : i32
      %dma_start3A_941 = tpu.memref_slice %arg3[%mul3A_937, %dma_start3A_940] : memref<1040000x16xf32, #tpu.memory_space<hbm>> -> memref<256x16xf32, #tpu.memory_space<hbm>>
      tpu.enqueue_dma source(%arg10 : memref<256x16xf32, #tpu.memory_space<vmem>>) target(%dma_start3A_941 : memref<256x16xf32, #tpu.memory_space<hbm>>) target_semaphore(%arg18 : memref<!tpu.dma_semaphore, #tpu.memory_space<semaphore_mem>>)
      %add3A_942 = arith.constant 2 : i32
      %add3A_943 = arith.addi %mul3A_712, %add3A_942 : i32
      %add3A_944 = arith.constant 4 : i32
      %add3A_945 = arith.addi %add3A_943, %add3A_944 : i32
      %lt3A_946 = arith.constant 128 : i32
      %lt3A_947 = arith.cmpi slt, %add3A_945, %lt3A_946 : i32
      %convert_element_type3A_948 = arith.extui %lt3A_947 : i1 to i32
      %cond3A_949 = arith.constant 0 : i32
      %cond3A_950 = arith.cmpi ne, %convert_element_type3A_948, %cond3A_949 : i32
      scf.if %cond3A_950 {
        %add3A_1031 = arith.constant 2 : i32
        %add3A_1032 = arith.addi %mul3A_712, %add3A_1031 : i32
        %add3A_1033 = arith.constant 4 : i32
        %add3A_1034 = arith.addi %add3A_1032, %add3A_1033 : i32
        %mul3A_1035 = arith.constant 128 : i32
        %mul3A_1036 = arith.muli %add3A, %mul3A_1035 : i32
        %add3A_1037 = arith.addi %mul3A_1036, %add3A_1034 : i32
        %mul3A_1038 = arith.constant 2 : i32
        %mul3A_1039 = arith.muli %add3A_1037, %mul3A_1038 : i32
        %min3A_1040 = arith.constant 8123 : i32
        %min3A_1041 = arith.minsi %mul3A_1039, %min3A_1040 : i32
        %dma_start3A_1042 = arith.constant 0 : i32
        %dma_start3A_1043 = arith.constant 0 : i32
        %dma_start3A_1044 = arith.constant 0 : i32
        %dma_start3A_1045 = arith.constant 0 : i32
        %dma_start3A_1046 = arith.constant 0 : i32
        %dma_start3A_1047 = tpu.memref_slice %arg6[%dma_start3A_1043, %dma_start3A_1044, %dma_start3A_1045, %dma_start3A_1046] : memref<2x2x8x128xf32, #tpu.memory_space<vmem>> -> memref<1x2x8x128xf32, #tpu.memory_space<vmem>>
        %dma_start3A_1048 = tpu.memref_squeeze %dma_start3A_1047 : memref<1x2x8x128xf32, #tpu.memory_space<vmem>> -> memref<2x8x128xf32, #tpu.memory_space<vmem>>
        %dma_start3A_1049 = arith.constant 0 : i32
        %dma_start3A_1050 = arith.constant 0 : i32
        %dma_start3A_1051 = tpu.memref_slice %arg2[%dma_start3A_1042, %min3A_1041, %dma_start3A_1049, %dma_start3A_1050] : memref<2x8125x8x128xf32, #tpu.memory_space<hbm>> -> memref<1x2x8x128xf32, #tpu.memory_space<hbm>>
        %dma_start3A_1052 = tpu.memref_squeeze %dma_start3A_1051 : memref<1x2x8x128xf32, #tpu.memory_space<hbm>> -> memref<2x8x128xf32, #tpu.memory_space<hbm>>
        %dma_start3A_1053 = arith.constant 0 : i32
        %dma_start3A_1054 = arith.constant 0 : i32
        %dma_start3A_1055 = arith.constant 0 : i32
        %dma_start3A_1056 = tpu.memref_slice %arg6[%dma_start3A_1043, %dma_start3A_1053, %dma_start3A_1054, %dma_start3A_1055] : memref<2x2x8x128xf32, #tpu.memory_space<vmem>> -> memref<1x2x8x128xf32, #tpu.memory_space<vmem>>
        %dma_start3A_1057 = tpu.memref_squeeze %dma_start3A_1056 : memref<1x2x8x128xf32, #tpu.memory_space<vmem>> -> memref<2x8x128xf32, #tpu.memory_space<vmem>>
        %dma_start3A_1058 = arith.constant 0 : i32
        %dma_start3A_1059 = arith.constant 0 : i32
        %dma_start3A_1060 = tpu.memref_slice %arg2[%dma_start3A_1042, %min3A_1041, %dma_start3A_1058, %dma_start3A_1059] : memref<2x8125x8x128xf32, #tpu.memory_space<hbm>> -> memref<1x2x8x128xf32, #tpu.memory_space<hbm>>
        %dma_start3A_1061 = tpu.memref_squeeze %dma_start3A_1060 : memref<1x2x8x128xf32, #tpu.memory_space<hbm>> -> memref<2x8x128xf32, #tpu.memory_space<hbm>>
        tpu.enqueue_dma source(%dma_start3A_1061 : memref<2x8x128xf32, #tpu.memory_space<hbm>>) target(%dma_start3A_1057 : memref<2x8x128xf32, #tpu.memory_space<vmem>>) target_semaphore(%arg14 : memref<!tpu.dma_semaphore, #tpu.memory_space<semaphore_mem>>)
        %dma_start3A_1062 = arith.constant 1 : i32
        %dma_start3A_1063 = arith.constant 1 : i32
        %dma_start3A_1064 = arith.constant 0 : i32
        %dma_start3A_1065 = arith.constant 0 : i32
        %dma_start3A_1066 = arith.constant 0 : i32
        %dma_start3A_1067 = tpu.memref_slice %arg6[%dma_start3A_1063, %dma_start3A_1064, %dma_start3A_1065, %dma_start3A_1066] : memref<2x2x8x128xf32, #tpu.memory_space<vmem>> -> memref<1x2x8x128xf32, #tpu.memory_space<vmem>>
        %dma_start3A_1068 = tpu.memref_squeeze %dma_start3A_1067 : memref<1x2x8x128xf32, #tpu.memory_space<vmem>> -> memref<2x8x128xf32, #tpu.memory_space<vmem>>
        %dma_start3A_1069 = arith.constant 0 : i32
        %dma_start3A_1070 = arith.constant 0 : i32
        %dma_start3A_1071 = tpu.memref_slice %arg2[%dma_start3A_1062, %min3A_1041, %dma_start3A_1069, %dma_start3A_1070] : memref<2x8125x8x128xf32, #tpu.memory_space<hbm>> -> memref<1x2x8x128xf32, #tpu.memory_space<hbm>>
        %dma_start3A_1072 = tpu.memref_squeeze %dma_start3A_1071 : memref<1x2x8x128xf32, #tpu.memory_space<hbm>> -> memref<2x8x128xf32, #tpu.memory_space<hbm>>
        %dma_start3A_1073 = arith.constant 0 : i32
        %dma_start3A_1074 = arith.constant 0 : i32
        %dma_start3A_1075 = arith.constant 0 : i32
        %dma_start3A_1076 = tpu.memref_slice %arg6[%dma_start3A_1063, %dma_start3A_1073, %dma_start3A_1074, %dma_start3A_1075] : memref<2x2x8x128xf32, #tpu.memory_space<vmem>> -> memref<1x2x8x128xf32, #tpu.memory_space<vmem>>
        %dma_start3A_1077 = tpu.memref_squeeze %dma_start3A_1076 : memref<1x2x8x128xf32, #tpu.memory_space<vmem>> -> memref<2x8x128xf32, #tpu.memory_space<vmem>>
        %dma_start3A_1078 = arith.constant 0 : i32
        %dma_start3A_1079 = arith.constant 0 : i32
        %dma_start3A_1080 = tpu.memref_slice %arg2[%dma_start3A_1062, %min3A_1041, %dma_start3A_1078, %dma_start3A_1079] : memref<2x8125x8x128xf32, #tpu.memory_space<hbm>> -> memref<1x2x8x128xf32, #tpu.memory_space<hbm>>
        %dma_start3A_1081 = tpu.memref_squeeze %dma_start3A_1080 : memref<1x2x8x128xf32, #tpu.memory_space<hbm>> -> memref<2x8x128xf32, #tpu.memory_space<hbm>>
        tpu.enqueue_dma source(%dma_start3A_1081 : memref<2x8x128xf32, #tpu.memory_space<hbm>>) target(%dma_start3A_1077 : memref<2x8x128xf32, #tpu.memory_space<vmem>>) target_semaphore(%arg14 : memref<!tpu.dma_semaphore, #tpu.memory_space<semaphore_mem>>)
      } else {
      }
      %dma_wait3A_951 = arith.constant 0 : i32
      %dma_wait3A_952 = arith.constant 0 : i32
      %dma_wait3A_953 = arith.constant 0 : i32
      %dma_wait3A_954 = arith.constant 0 : i32
      %dma_wait3A_955 = arith.constant 0 : i32
      %dma_wait3A_956 = tpu.memref_slice %arg7[%dma_wait3A_952, %dma_wait3A_953, %dma_wait3A_954, %dma_wait3A_955] : memref<2x2x8x128xf32, #tpu.memory_space<vmem>> -> memref<1x2x8x128xf32, #tpu.memory_space<vmem>>
      %dma_wait3A_957 = tpu.memref_squeeze %dma_wait3A_956 : memref<1x2x8x128xf32, #tpu.memory_space<vmem>> -> memref<2x8x128xf32, #tpu.memory_space<vmem>>
      %dma_wait3A_958 = arith.constant 0 : i32
      %dma_wait3A_959 = arith.constant 0 : i32
      %dma_wait3A_960 = arith.constant 0 : i32
      %dma_wait3A_961 = tpu.memref_slice %arg2[%dma_wait3A_951, %dma_wait3A_958, %dma_wait3A_959, %dma_wait3A_960] : memref<2x8125x8x128xf32, #tpu.memory_space<hbm>> -> memref<1x2x8x128xf32, #tpu.memory_space<hbm>>
      %dma_wait3A_962 = tpu.memref_squeeze %dma_wait3A_961 : memref<1x2x8x128xf32, #tpu.memory_space<hbm>> -> memref<2x8x128xf32, #tpu.memory_space<hbm>>
      %dma_wait3A_963 = arith.constant 0 : i32
      %dma_wait3A_964 = arith.constant 0 : i32
      %dma_wait3A_965 = arith.constant 0 : i32
      %dma_wait3A_966 = tpu.memref_slice %arg7[%dma_wait3A_952, %dma_wait3A_963, %dma_wait3A_964, %dma_wait3A_965] : memref<2x2x8x128xf32, #tpu.memory_space<vmem>> -> memref<1x2x8x128xf32, #tpu.memory_space<vmem>>
      %dma_wait3A_967 = tpu.memref_squeeze %dma_wait3A_966 : memref<1x2x8x128xf32, #tpu.memory_space<vmem>> -> memref<2x8x128xf32, #tpu.memory_space<vmem>>
      %dma_wait3A_968 = arith.constant 0 : i32
      %dma_wait3A_969 = arith.constant 0 : i32
      %dma_wait3A_970 = arith.constant 0 : i32
      %dma_wait3A_971 = tpu.memref_slice %arg2[%dma_wait3A_951, %dma_wait3A_968, %dma_wait3A_969, %dma_wait3A_970] : memref<2x8125x8x128xf32, #tpu.memory_space<hbm>> -> memref<1x2x8x128xf32, #tpu.memory_space<hbm>>
      %dma_wait3A_972 = tpu.memref_squeeze %dma_wait3A_971 : memref<1x2x8x128xf32, #tpu.memory_space<hbm>> -> memref<2x8x128xf32, #tpu.memory_space<hbm>>
      tpu.wait_dma2 semaphore(%arg15 : memref<!tpu.dma_semaphore, #tpu.memory_space<semaphore_mem>>) src(%dma_wait3A_972 : memref<2x8x128xf32, #tpu.memory_space<hbm>>) dst(%dma_wait3A_967 : memref<2x8x128xf32, #tpu.memory_space<vmem>>)
      %dma_wait3A_973 = arith.constant 0 : i32
      %dma_wait3A_974 = arith.constant 1 : i32
      %dma_wait3A_975 = arith.constant 0 : i32
      %dma_wait3A_976 = arith.constant 0 : i32
      %dma_wait3A_977 = arith.constant 0 : i32
      %dma_wait3A_978 = tpu.memref_slice %arg7[%dma_wait3A_974, %dma_wait3A_975, %dma_wait3A_976, %dma_wait3A_977] : memref<2x2x8x128xf32, #tpu.memory_space<vmem>> -> memref<1x2x8x128xf32, #tpu.memory_space<vmem>>
      %dma_wait3A_979 = tpu.memref_squeeze %dma_wait3A_978 : memref<1x2x8x128xf32, #tpu.memory_space<vmem>> -> memref<2x8x128xf32, #tpu.memory_space<vmem>>
      %dma_wait3A_980 = arith.constant 0 : i32
      %dma_wait3A_981 = arith.constant 0 : i32
      %dma_wait3A_982 = arith.constant 0 : i32
      %dma_wait3A_983 = tpu.memref_slice %arg2[%dma_wait3A_973, %dma_wait3A_980, %dma_wait3A_981, %dma_wait3A_982] : memref<2x8125x8x128xf32, #tpu.memory_space<hbm>> -> memref<1x2x8x128xf32, #tpu.memory_space<hbm>>
      %dma_wait3A_984 = tpu.memref_squeeze %dma_wait3A_983 : memref<1x2x8x128xf32, #tpu.memory_space<hbm>> -> memref<2x8x128xf32, #tpu.memory_space<hbm>>
      %dma_wait3A_985 = arith.constant 0 : i32
      %dma_wait3A_986 = arith.constant 0 : i32
      %dma_wait3A_987 = arith.constant 0 : i32
      %dma_wait3A_988 = tpu.memref_slice %arg7[%dma_wait3A_974, %dma_wait3A_985, %dma_wait3A_986, %dma_wait3A_987] : memref<2x2x8x128xf32, #tpu.memory_space<vmem>> -> memref<1x2x8x128xf32, #tpu.memory_space<vmem>>
      %dma_wait3A_989 = tpu.memref_squeeze %dma_wait3A_988 : memref<1x2x8x128xf32, #tpu.memory_space<vmem>> -> memref<2x8x128xf32, #tpu.memory_space<vmem>>
      %dma_wait3A_990 = arith.constant 0 : i32
      %dma_wait3A_991 = arith.constant 0 : i32
      %dma_wait3A_992 = arith.constant 0 : i32
      %dma_wait3A_993 = tpu.memref_slice %arg2[%dma_wait3A_973, %dma_wait3A_990, %dma_wait3A_991, %dma_wait3A_992] : memref<2x8125x8x128xf32, #tpu.memory_space<hbm>> -> memref<1x2x8x128xf32, #tpu.memory_space<hbm>>
      %dma_wait3A_994 = tpu.memref_squeeze %dma_wait3A_993 : memref<1x2x8x128xf32, #tpu.memory_space<hbm>> -> memref<2x8x128xf32, #tpu.memory_space<hbm>>
      tpu.wait_dma2 semaphore(%arg15 : memref<!tpu.dma_semaphore, #tpu.memory_space<semaphore_mem>>) src(%dma_wait3A_994 : memref<2x8x128xf32, #tpu.memory_space<hbm>>) dst(%dma_wait3A_989 : memref<2x8x128xf32, #tpu.memory_space<vmem>>)
      %dma_wait3A_995 = arith.constant 0 : i32
      %dma_wait3A_996 = arith.constant 0 : i32
      %dma_wait3A_997 = tpu.memref_slice %arg3[%dma_wait3A_995, %dma_wait3A_996] : memref<1040000x16xf32, #tpu.memory_space<hbm>> -> memref<256x16xf32, #tpu.memory_space<hbm>>
      %dma_wait3A_998 = arith.constant 0 : i32
      %dma_wait3A_999 = arith.constant 0 : i32
      %dma_wait3A_1000 = tpu.memref_slice %arg3[%dma_wait3A_998, %dma_wait3A_999] : memref<1040000x16xf32, #tpu.memory_space<hbm>> -> memref<256x16xf32, #tpu.memory_space<hbm>>
      tpu.wait_dma2 semaphore(%arg19 : memref<!tpu.dma_semaphore, #tpu.memory_space<semaphore_mem>>) src(%dma_wait3A_1000 : memref<256x16xf32, #tpu.memory_space<hbm>>) dst(%arg11 : memref<256x16xf32, #tpu.memory_space<vmem>>)
      %add3A_1001 = arith.constant 3 : i32
      %add3A_1002 = arith.addi %mul3A_712, %add3A_1001 : i32
      %scan3A_1003 = arith.constant 0 : i32
      %scan3A_1004 = arith.constant 0 : i32
      %scan3A_1005 = arith.constant 32 : i32
      %scan3A_1006 = arith.addi %scan3A_1004, %scan3A_1005 : i32
      %scan3A_1007 = arith.constant 1 : i32
      scf.for %scan3A_1031 = %scan3A_1004 to %scan3A_1006 step %scan3A_1007  : i32 {
        %mul3A_1032 = arith.constant 4 : i32
        %mul3A_1033 = arith.muli %scan3A_1031, %mul3A_1032 : i32
        %add3A_1034 = arith.constant 0 : i32
        %add3A_1035 = arith.addi %mul3A_1033, %add3A_1034 : i32
        %add3A_1036 = vector.broadcast %add3A_1035 : i32 to vector<16xi32>
        %add3A_1037 = arith.addi %iota3A, %add3A_1036 : vector<16xi32>
        %and3A_1038 = arith.constant 127 : i32
        %and3A_1039 = vector.broadcast %and3A_1038 : i32 to vector<16xi32>
        %and3A_1040 = arith.andi %add3A_1037, %and3A_1039 : vector<16xi32>
        %broadcast_in_dim3A = arith.constant 0 : i32
        %broadcast_in_dim3A_1041 = vector.broadcast %broadcast_in_dim3A : i32 to vector<16xi32>
        %gather3A = tpu.vector_load_idx %arg7[%select_n3A, %broadcast_in_dim3A_1041, %select_n3A_43, %and3A_1040] : memref<2x2x8x128xf32, #tpu.memory_space<vmem>>[vector<16xi32>, vector<16xi32>, vector<16xi32>, vector<16xi32>], vector<16xf32>,
        %add3A_1042 = arith.constant 0 : i32
        %add3A_1043 = vector.broadcast %add3A_1042 : i32 to vector<16xi32>
        %add3A_1044 = arith.addi %and3A_1040, %add3A_1043 : vector<16xi32>
        tpu.vector_store_idx %arg11[%add3A_1044, %iota3A], %gather3A : memref<256x16xf32, #tpu.memory_space<vmem>>[vector<16xi32>, vector<16xi32>], vector<16xf32>,
        %broadcast_in_dim3A_1045 = arith.constant 1 : i32
        %broadcast_in_dim3A_1046 = vector.broadcast %broadcast_in_dim3A_1045 : i32 to vector<16xi32>
        %gather3A_1047 = tpu.vector_load_idx %arg7[%select_n3A, %broadcast_in_dim3A_1046, %select_n3A_43, %and3A_1040] : memref<2x2x8x128xf32, #tpu.memory_space<vmem>>[vector<16xi32>, vector<16xi32>, vector<16xi32>, vector<16xi32>], vector<16xf32>,
        %add3A_1048 = arith.constant 128 : i32
        %add3A_1049 = vector.broadcast %add3A_1048 : i32 to vector<16xi32>
        %add3A_1050 = arith.addi %and3A_1040, %add3A_1049 : vector<16xi32>
        tpu.vector_store_idx %arg11[%add3A_1050, %iota3A], %gather3A_1047 : memref<256x16xf32, #tpu.memory_space<vmem>>[vector<16xi32>, vector<16xi32>], vector<16xf32>,
        %mul3A_1051 = arith.constant 4 : i32
        %mul3A_1052 = arith.muli %scan3A_1031, %mul3A_1051 : i32
        %add3A_1053 = arith.constant 1 : i32
        %add3A_1054 = arith.addi %mul3A_1052, %add3A_1053 : i32
        %add3A_1055 = vector.broadcast %add3A_1054 : i32 to vector<16xi32>
        %add3A_1056 = arith.addi %iota3A, %add3A_1055 : vector<16xi32>
        %and3A_1057 = arith.constant 127 : i32
        %and3A_1058 = vector.broadcast %and3A_1057 : i32 to vector<16xi32>
        %and3A_1059 = arith.andi %add3A_1056, %and3A_1058 : vector<16xi32>
        %broadcast_in_dim3A_1060 = arith.constant 0 : i32
        %broadcast_in_dim3A_1061 = vector.broadcast %broadcast_in_dim3A_1060 : i32 to vector<16xi32>
        %gather3A_1062 = tpu.vector_load_idx %arg7[%select_n3A, %broadcast_in_dim3A_1061, %select_n3A_43, %and3A_1059] : memref<2x2x8x128xf32, #tpu.memory_space<vmem>>[vector<16xi32>, vector<16xi32>, vector<16xi32>, vector<16xi32>], vector<16xf32>,
        %add3A_1063 = arith.constant 0 : i32
        %add3A_1064 = vector.broadcast %add3A_1063 : i32 to vector<16xi32>
        %add3A_1065 = arith.addi %and3A_1059, %add3A_1064 : vector<16xi32>
        tpu.vector_store_idx %arg11[%add3A_1065, %iota3A], %gather3A_1062 : memref<256x16xf32, #tpu.memory_space<vmem>>[vector<16xi32>, vector<16xi32>], vector<16xf32>,
        %broadcast_in_dim3A_1066 = arith.constant 1 : i32
        %broadcast_in_dim3A_1067 = vector.broadcast %broadcast_in_dim3A_1066 : i32 to vector<16xi32>
        %gather3A_1068 = tpu.vector_load_idx %arg7[%select_n3A, %broadcast_in_dim3A_1067, %select_n3A_43, %and3A_1059] : memref<2x2x8x128xf32, #tpu.memory_space<vmem>>[vector<16xi32>, vector<16xi32>, vector<16xi32>, vector<16xi32>], vector<16xf32>,
        %add3A_1069 = arith.constant 128 : i32
        %add3A_1070 = vector.broadcast %add3A_1069 : i32 to vector<16xi32>
        %add3A_1071 = arith.addi %and3A_1059, %add3A_1070 : vector<16xi32>
        tpu.vector_store_idx %arg11[%add3A_1071, %iota3A], %gather3A_1068 : memref<256x16xf32, #tpu.memory_space<vmem>>[vector<16xi32>, vector<16xi32>], vector<16xf32>,
        %mul3A_1072 = arith.constant 4 : i32
        %mul3A_1073 = arith.muli %scan3A_1031, %mul3A_1072 : i32
        %add3A_1074 = arith.constant 2 : i32
        %add3A_1075 = arith.addi %mul3A_1073, %add3A_1074 : i32
        %add3A_1076 = vector.broadcast %add3A_1075 : i32 to vector<16xi32>
        %add3A_1077 = arith.addi %iota3A, %add3A_1076 : vector<16xi32>
        %and3A_1078 = arith.constant 127 : i32
        %and3A_1079 = vector.broadcast %and3A_1078 : i32 to vector<16xi32>
        %and3A_1080 = arith.andi %add3A_1077, %and3A_1079 : vector<16xi32>
        %broadcast_in_dim3A_1081 = arith.constant 0 : i32
        %broadcast_in_dim3A_1082 = vector.broadcast %broadcast_in_dim3A_1081 : i32 to vector<16xi32>
        %gather3A_1083 = tpu.vector_load_idx %arg7[%select_n3A, %broadcast_in_dim3A_1082, %select_n3A_43, %and3A_1080] : memref<2x2x8x128xf32, #tpu.memory_space<vmem>>[vector<16xi32>, vector<16xi32>, vector<16xi32>, vector<16xi32>], vector<16xf32>,
        %add3A_1084 = arith.constant 0 : i32
        %add3A_1085 = vector.broadcast %add3A_1084 : i32 to vector<16xi32>
        %add3A_1086 = arith.addi %and3A_1080, %add3A_1085 : vector<16xi32>
        tpu.vector_store_idx %arg11[%add3A_1086, %iota3A], %gather3A_1083 : memref<256x16xf32, #tpu.memory_space<vmem>>[vector<16xi32>, vector<16xi32>], vector<16xf32>,
        %broadcast_in_dim3A_1087 = arith.constant 1 : i32
        %broadcast_in_dim3A_1088 = vector.broadcast %broadcast_in_dim3A_1087 : i32 to vector<16xi32>
        %gather3A_1089 = tpu.vector_load_idx %arg7[%select_n3A, %broadcast_in_dim3A_1088, %select_n3A_43, %and3A_1080] : memref<2x2x8x128xf32, #tpu.memory_space<vmem>>[vector<16xi32>, vector<16xi32>, vector<16xi32>, vector<16xi32>], vector<16xf32>,
        %add3A_1090 = arith.constant 128 : i32
        %add3A_1091 = vector.broadcast %add3A_1090 : i32 to vector<16xi32>
        %add3A_1092 = arith.addi %and3A_1080, %add3A_1091 : vector<16xi32>
        tpu.vector_store_idx %arg11[%add3A_1092, %iota3A], %gather3A_1089 : memref<256x16xf32, #tpu.memory_space<vmem>>[vector<16xi32>, vector<16xi32>], vector<16xf32>,
        %mul3A_1093 = arith.constant 4 : i32
        %mul3A_1094 = arith.muli %scan3A_1031, %mul3A_1093 : i32
        %add3A_1095 = arith.constant 3 : i32
        %add3A_1096 = arith.addi %mul3A_1094, %add3A_1095 : i32
        %add3A_1097 = vector.broadcast %add3A_1096 : i32 to vector<16xi32>
        %add3A_1098 = arith.addi %iota3A, %add3A_1097 : vector<16xi32>
        %and3A_1099 = arith.constant 127 : i32
        %and3A_1100 = vector.broadcast %and3A_1099 : i32 to vector<16xi32>
        %and3A_1101 = arith.andi %add3A_1098, %and3A_1100 : vector<16xi32>
        %broadcast_in_dim3A_1102 = arith.constant 0 : i32
        %broadcast_in_dim3A_1103 = vector.broadcast %broadcast_in_dim3A_1102 : i32 to vector<16xi32>
        %gather3A_1104 = tpu.vector_load_idx %arg7[%select_n3A, %broadcast_in_dim3A_1103, %select_n3A_43, %and3A_1101] : memref<2x2x8x128xf32, #tpu.memory_space<vmem>>[vector<16xi32>, vector<16xi32>, vector<16xi32>, vector<16xi32>], vector<16xf32>,
        %add3A_1105 = arith.constant 0 : i32
        %add3A_1106 = vector.broadcast %add3A_1105 : i32 to vector<16xi32>
        %add3A_1107 = arith.addi %and3A_1101, %add3A_1106 : vector<16xi32>
        tpu.vector_store_idx %arg11[%add3A_1107, %iota3A], %gather3A_1104 : memref<256x16xf32, #tpu.memory_space<vmem>>[vector<16xi32>, vector<16xi32>], vector<16xf32>,
        %broadcast_in_dim3A_1108 = arith.constant 1 : i32
        %broadcast_in_dim3A_1109 = vector.broadcast %broadcast_in_dim3A_1108 : i32 to vector<16xi32>
        %gather3A_1110 = tpu.vector_load_idx %arg7[%select_n3A, %broadcast_in_dim3A_1109, %select_n3A_43, %and3A_1101] : memref<2x2x8x128xf32, #tpu.memory_space<vmem>>[vector<16xi32>, vector<16xi32>, vector<16xi32>, vector<16xi32>], vector<16xf32>,
        %add3A_1111 = arith.constant 128 : i32
        %add3A_1112 = vector.broadcast %add3A_1111 : i32 to vector<16xi32>
        %add3A_1113 = arith.addi %and3A_1101, %add3A_1112 : vector<16xi32>
        tpu.vector_store_idx %arg11[%add3A_1113, %iota3A], %gather3A_1110 : memref<256x16xf32, #tpu.memory_space<vmem>>[vector<16xi32>, vector<16xi32>], vector<16xf32>,
      }
      %scan3A_1008 = arith.constant 32 : i32
      %mul3A_1009 = arith.constant 128 : i32
      %mul3A_1010 = arith.muli %add3A, %mul3A_1009 : i32
      %add3A_1011 = arith.addi %mul3A_1010, %add3A_1002 : i32
      %mul3A_1012 = arith.constant 2 : i32
      %mul3A_1013 = arith.muli %add3A_1011, %mul3A_1012 : i32
      %min3A_1014 = arith.constant 8123 : i32
      %min3A_1015 = arith.minsi %mul3A_1013, %min3A_1014 : i32
      %mul3A_1016 = arith.constant 128 : i32
      %mul3A_1017 = arith.muli %min3A_1015, %mul3A_1016 : i32
      %dma_start3A_1018 = arith.constant 0 : i32
      %dma_start3A_1019 = tpu.memref_slice %arg3[%mul3A_1017, %dma_start3A_1018] : memref<1040000x16xf32, #tpu.memory_space<hbm>> -> memref<256x16xf32, #tpu.memory_space<hbm>>
      %dma_start3A_1020 = arith.constant 0 : i32
      %dma_start3A_1021 = tpu.memref_slice %arg3[%mul3A_1017, %dma_start3A_1020] : memref<1040000x16xf32, #tpu.memory_space<hbm>> -> memref<256x16xf32, #tpu.memory_space<hbm>>
      tpu.enqueue_dma source(%arg11 : memref<256x16xf32, #tpu.memory_space<vmem>>) target(%dma_start3A_1021 : memref<256x16xf32, #tpu.memory_space<hbm>>) target_semaphore(%arg19 : memref<!tpu.dma_semaphore, #tpu.memory_space<semaphore_mem>>)
      %add3A_1022 = arith.constant 3 : i32
      %add3A_1023 = arith.addi %mul3A_712, %add3A_1022 : i32
      %add3A_1024 = arith.constant 4 : i32
      %add3A_1025 = arith.addi %add3A_1023, %add3A_1024 : i32
      %lt3A_1026 = arith.constant 128 : i32
      %lt3A_1027 = arith.cmpi slt, %add3A_1025, %lt3A_1026 : i32
      %convert_element_type3A_1028 = arith.extui %lt3A_1027 : i1 to i32
      %cond3A_1029 = arith.constant 0 : i32
      %cond3A_1030 = arith.cmpi ne, %convert_element_type3A_1028, %cond3A_1029 : i32
      scf.if %cond3A_1030 {
        %add3A_1031 = arith.constant 3 : i32
        %add3A_1032 = arith.addi %mul3A_712, %add3A_1031 : i32
        %add3A_1033 = arith.constant 4 : i32
        %add3A_1034 = arith.addi %add3A_1032, %add3A_1033 : i32
        %mul3A_1035 = arith.constant 128 : i32
        %mul3A_1036 = arith.muli %add3A, %mul3A_1035 : i32
        %add3A_1037 = arith.addi %mul3A_1036, %add3A_1034 : i32
        %mul3A_1038 = arith.constant 2 : i32
        %mul3A_1039 = arith.muli %add3A_1037, %mul3A_1038 : i32
        %min3A_1040 = arith.constant 8123 : i32
        %min3A_1041 = arith.minsi %mul3A_1039, %min3A_1040 : i32
        %dma_start3A_1042 = arith.constant 0 : i32
        %dma_start3A_1043 = arith.constant 0 : i32
        %dma_start3A_1044 = arith.constant 0 : i32
        %dma_start3A_1045 = arith.constant 0 : i32
        %dma_start3A_1046 = arith.constant 0 : i32
        %dma_start3A_1047 = tpu.memref_slice %arg7[%dma_start3A_1043, %dma_start3A_1044, %dma_start3A_1045, %dma_start3A_1046] : memref<2x2x8x128xf32, #tpu.memory_space<vmem>> -> memref<1x2x8x128xf32, #tpu.memory_space<vmem>>
        %dma_start3A_1048 = tpu.memref_squeeze %dma_start3A_1047 : memref<1x2x8x128xf32, #tpu.memory_space<vmem>> -> memref<2x8x128xf32, #tpu.memory_space<vmem>>
        %dma_start3A_1049 = arith.constant 0 : i32
        %dma_start3A_1050 = arith.constant 0 : i32
        %dma_start3A_1051 = tpu.memref_slice %arg2[%dma_start3A_1042, %min3A_1041, %dma_start3A_1049, %dma_start3A_1050] : memref<2x8125x8x128xf32, #tpu.memory_space<hbm>> -> memref<1x2x8x128xf32, #tpu.memory_space<hbm>>
        %dma_start3A_1052 = tpu.memref_squeeze %dma_start3A_1051 : memref<1x2x8x128xf32, #tpu.memory_space<hbm>> -> memref<2x8x128xf32, #tpu.memory_space<hbm>>
        %dma_start3A_1053 = arith.constant 0 : i32
        %dma_start3A_1054 = arith.constant 0 : i32
        %dma_start3A_1055 = arith.constant 0 : i32
        %dma_start3A_1056 = tpu.memref_slice %arg7[%dma_start3A_1043, %dma_start3A_1053, %dma_start3A_1054, %dma_start3A_1055] : memref<2x2x8x128xf32, #tpu.memory_space<vmem>> -> memref<1x2x8x128xf32, #tpu.memory_space<vmem>>
        %dma_start3A_1057 = tpu.memref_squeeze %dma_start3A_1056 : memref<1x2x8x128xf32, #tpu.memory_space<vmem>> -> memref<2x8x128xf32, #tpu.memory_space<vmem>>
        %dma_start3A_1058 = arith.constant 0 : i32
        %dma_start3A_1059 = arith.constant 0 : i32
        %dma_start3A_1060 = tpu.memref_slice %arg2[%dma_start3A_1042, %min3A_1041, %dma_start3A_1058, %dma_start3A_1059] : memref<2x8125x8x128xf32, #tpu.memory_space<hbm>> -> memref<1x2x8x128xf32, #tpu.memory_space<hbm>>
        %dma_start3A_1061 = tpu.memref_squeeze %dma_start3A_1060 : memref<1x2x8x128xf32, #tpu.memory_space<hbm>> -> memref<2x8x128xf32, #tpu.memory_space<hbm>>
        tpu.enqueue_dma source(%dma_start3A_1061 : memref<2x8x128xf32, #tpu.memory_space<hbm>>) target(%dma_start3A_1057 : memref<2x8x128xf32, #tpu.memory_space<vmem>>) target_semaphore(%arg15 : memref<!tpu.dma_semaphore, #tpu.memory_space<semaphore_mem>>)
        %dma_start3A_1062 = arith.constant 1 : i32
        %dma_start3A_1063 = arith.constant 1 : i32
        %dma_start3A_1064 = arith.constant 0 : i32
        %dma_start3A_1065 = arith.constant 0 : i32
        %dma_start3A_1066 = arith.constant 0 : i32
        %dma_start3A_1067 = tpu.memref_slice %arg7[%dma_start3A_1063, %dma_start3A_1064, %dma_start3A_1065, %dma_start3A_1066] : memref<2x2x8x128xf32, #tpu.memory_space<vmem>> -> memref<1x2x8x128xf32, #tpu.memory_space<vmem>>
        %dma_start3A_1068 = tpu.memref_squeeze %dma_start3A_1067 : memref<1x2x8x128xf32, #tpu.memory_space<vmem>> -> memref<2x8x128xf32, #tpu.memory_space<vmem>>
        %dma_start3A_1069 = arith.constant 0 : i32
        %dma_start3A_1070 = arith.constant 0 : i32
        %dma_start3A_1071 = tpu.memref_slice %arg2[%dma_start3A_1062, %min3A_1041, %dma_start3A_1069, %dma_start3A_1070] : memref<2x8125x8x128xf32, #tpu.memory_space<hbm>> -> memref<1x2x8x128xf32, #tpu.memory_space<hbm>>
        %dma_start3A_1072 = tpu.memref_squeeze %dma_start3A_1071 : memref<1x2x8x128xf32, #tpu.memory_space<hbm>> -> memref<2x8x128xf32, #tpu.memory_space<hbm>>
        %dma_start3A_1073 = arith.constant 0 : i32
        %dma_start3A_1074 = arith.constant 0 : i32
        %dma_start3A_1075 = arith.constant 0 : i32
        %dma_start3A_1076 = tpu.memref_slice %arg7[%dma_start3A_1063, %dma_start3A_1073, %dma_start3A_1074, %dma_start3A_1075] : memref<2x2x8x128xf32, #tpu.memory_space<vmem>> -> memref<1x2x8x128xf32, #tpu.memory_space<vmem>>
        %dma_start3A_1077 = tpu.memref_squeeze %dma_start3A_1076 : memref<1x2x8x128xf32, #tpu.memory_space<vmem>> -> memref<2x8x128xf32, #tpu.memory_space<vmem>>
        %dma_start3A_1078 = arith.constant 0 : i32
        %dma_start3A_1079 = arith.constant 0 : i32
        %dma_start3A_1080 = tpu.memref_slice %arg2[%dma_start3A_1062, %min3A_1041, %dma_start3A_1078, %dma_start3A_1079] : memref<2x8125x8x128xf32, #tpu.memory_space<hbm>> -> memref<1x2x8x128xf32, #tpu.memory_space<hbm>>
        %dma_start3A_1081 = tpu.memref_squeeze %dma_start3A_1080 : memref<1x2x8x128xf32, #tpu.memory_space<hbm>> -> memref<2x8x128xf32, #tpu.memory_space<hbm>>
        tpu.enqueue_dma source(%dma_start3A_1081 : memref<2x8x128xf32, #tpu.memory_space<hbm>>) target(%dma_start3A_1077 : memref<2x8x128xf32, #tpu.memory_space<vmem>>) target_semaphore(%arg15 : memref<!tpu.dma_semaphore, #tpu.memory_space<semaphore_mem>>)
      } else {
      }
    }
    %scan3A_685 = arith.constant 31 : i32
    %dma_wait3A_686 = arith.constant 0 : i32
    %dma_wait3A_687 = arith.constant 0 : i32
    %dma_wait3A_688 = tpu.memref_slice %arg3[%dma_wait3A_686, %dma_wait3A_687] : memref<1040000x16xf32, #tpu.memory_space<hbm>> -> memref<256x16xf32, #tpu.memory_space<hbm>>
    %dma_wait3A_689 = arith.constant 0 : i32
    %dma_wait3A_690 = arith.constant 0 : i32
    %dma_wait3A_691 = tpu.memref_slice %arg3[%dma_wait3A_689, %dma_wait3A_690] : memref<1040000x16xf32, #tpu.memory_space<hbm>> -> memref<256x16xf32, #tpu.memory_space<hbm>>
    tpu.wait_dma2 semaphore(%arg16 : memref<!tpu.dma_semaphore, #tpu.memory_space<semaphore_mem>>) src(%dma_wait3A_691 : memref<256x16xf32, #tpu.memory_space<hbm>>) dst(%arg8 : memref<256x16xf32, #tpu.memory_space<vmem>>)
    %dma_wait3A_692 = arith.constant 0 : i32
    %dma_wait3A_693 = arith.constant 0 : i32
    %dma_wait3A_694 = tpu.memref_slice %arg3[%dma_wait3A_692, %dma_wait3A_693] : memref<1040000x16xf32, #tpu.memory_space<hbm>> -> memref<256x16xf32, #tpu.memory_space<hbm>>
    %dma_wait3A_695 = arith.constant 0 : i32
    %dma_wait3A_696 = arith.constant 0 : i32
    %dma_wait3A_697 = tpu.memref_slice %arg3[%dma_wait3A_695, %dma_wait3A_696] : memref<1040000x16xf32, #tpu.memory_space<hbm>> -> memref<256x16xf32, #tpu.memory_space<hbm>>
    tpu.wait_dma2 semaphore(%arg17 : memref<!tpu.dma_semaphore, #tpu.memory_space<semaphore_mem>>) src(%dma_wait3A_697 : memref<256x16xf32, #tpu.memory_space<hbm>>) dst(%arg9 : memref<256x16xf32, #tpu.memory_space<vmem>>)
    %dma_wait3A_698 = arith.constant 0 : i32
    %dma_wait3A_699 = arith.constant 0 : i32
    %dma_wait3A_700 = tpu.memref_slice %arg3[%dma_wait3A_698, %dma_wait3A_699] : memref<1040000x16xf32, #tpu.memory_space<hbm>> -> memref<256x16xf32, #tpu.memory_space<hbm>>
    %dma_wait3A_701 = arith.constant 0 : i32
    %dma_wait3A_702 = arith.constant 0 : i32
    %dma_wait3A_703 = tpu.memref_slice %arg3[%dma_wait3A_701, %dma_wait3A_702] : memref<1040000x16xf32, #tpu.memory_space<hbm>> -> memref<256x16xf32, #tpu.memory_space<hbm>>
    tpu.wait_dma2 semaphore(%arg18 : memref<!tpu.dma_semaphore, #tpu.memory_space<semaphore_mem>>) src(%dma_wait3A_703 : memref<256x16xf32, #tpu.memory_space<hbm>>) dst(%arg10 : memref<256x16xf32, #tpu.memory_space<vmem>>)
    %dma_wait3A_704 = arith.constant 0 : i32
    %dma_wait3A_705 = arith.constant 0 : i32
    %dma_wait3A_706 = tpu.memref_slice %arg3[%dma_wait3A_704, %dma_wait3A_705] : memref<1040000x16xf32, #tpu.memory_space<hbm>> -> memref<256x16xf32, #tpu.memory_space<hbm>>
    %dma_wait3A_707 = arith.constant 0 : i32
    %dma_wait3A_708 = arith.constant 0 : i32
    %dma_wait3A_709 = tpu.memref_slice %arg3[%dma_wait3A_707, %dma_wait3A_708] : memref<1040000x16xf32, #tpu.memory_space<hbm>> -> memref<256x16xf32, #tpu.memory_space<hbm>>
    tpu.wait_dma2 semaphore(%arg19 : memref<!tpu.dma_semaphore, #tpu.memory_space<semaphore_mem>>) src(%dma_wait3A_709 : memref<256x16xf32, #tpu.memory_space<hbm>>) dst(%arg11 : memref<256x16xf32, #tpu.memory_space<vmem>>)
    return
  }
}

</mosaic_0001>

<sc_bundles>
// kernel: _tr_call.3.cloned.1.call-start
scs
__scs_entry_jumppad:
0x0: {  	(pc) =	sbr.rel $0x88, $3  }
0x1: {  	(tag) =	ssettag $0x0;
	lr =	simm.s32 $0x1  }
0x2: {  	[smem:$0x3FA0] =	sst lr;
	_ =	strace $0xD0000000  }
0x3: {  	_ = 	snop  }
0x4: {  	_ = 	snop  }
0x5: {  	_ = 	snop  }
0x6: {  	_ = 	snop  }
0x7: {  	_ = 	snop  }
__scs_overlays_trampoline_lowered:
0x8: {  	[smem:$0x3FAF] =	sst s0  }
0x9: {  	[smem:$0x3FB0] =	sst s1  }
0xa: {  	[smem:$0x3FB1] =	sst s2  }
0xb: {  	[smem:$0x3FB2] =	sst s3  }
0xc: {  	[smem:$0x3FB3] =	sst s4  }
0xd: {  	[smem:$0x3FB4] =	sst s5  }
0xe: {  	[smem:$0x3FB5] =	sst s6  }
0xf: {  	[smem:$0x3FB6] =	sst s7  }
0x10: {  	[smem:$0x3FB7] =	sst s8  }
0x11: {  	[smem:$0x3FB8] =	sst s9;
	s0 =	simm.s32 @!p0 $0x0  }
0x12: {  	s1 =	sld [smem:$0x3F9E];
	s0 =	simm.s32 @p0 $0x1  }
0x13: {  	[smem:$0x3FB9] =	sst s0;
	s0 =	simm.s32 @!p1 $0x0  }
0x14: {  	s2 =	sld [smem:$0x3F9D];
	s0 =	simm.s32 @p1 $0x1  }
0x15: {  	[smem:$0x3FBA] =	sst s0;
	s0 =	simm.s32 @!p2 $0x0  }
0x16: {  	s3 =	sld [smem:$0x3FDB];
	s0 =	simm.s32 @p2 $0x1  }
0x17: {  	s4 =	simm.s32 $0x1BF5;
	[smem:$0x3FBC] =	sst s0  }
0x18: {  	s0 =	sld [smem:$0x3F9F];
	_ =	swait.ge [sflag:s4], $0x0  }
0x19: {  	s7 =	sld [smem:$0x3FA0]  }
0x1a: {  	s8 =	sadd.s32 $0xFFFFE003, lr  }
0x1b: {  	s9 =	sadd.s32 $0xFFFFFEF7, lr;
	s5 =	simm.s32 $0xFFFFFFFF;
	p2 =	slt.u32 s8, $0xFFFFF086  }
0x1c: {  	p1 =	slt.u32 s9, $0xF7A;
	s5 =	simm.s32 @!p2 $0x0  }
0x1d: {  	s5 =	simm.s32 @p1 $0x1;
	p0 =	seq.s32 s7, s2  }
0x1e: {  	s7 =	smul.u32 @!p0 $0xF7A, s2;
	p2 =	seq.s32 @!p0 s5, $0x0  }
0x1f: {  	s9 =	smul.u32 $0xF7A, s1;
	s8 =	simm.s32 @!p0 $0x1BF5;
	p2 =	por !p2, p0  }
0x20: {  	[sflag:s8] =	ssyncset.s32 @!p0 $0xFFFFF086;
	s6 =	sadd.s32 @!p0 s3, s7;
	s7 =	simm.s32 @!p0 $0x108  }
0x21: {  	s3 =	sadd.s32 s3, s9;
	s6 =	sadd.s32 @!p0 $0x88, s6;
	s7 =	simm.s32 @p2 $0x1082  }
0x22: {  	[simem:s7], [sflag:s8] =	dma.local @!p0 [hbm:s6], $0xF7A  }
0x23: {  	s9 =	sor.u32 $0xD0000000, s2;
	s6 =	simm.s32 $0x108;
	_ =	swait.ge @!p0 [sflag:s8], $0x0  }
0x24: {  	s3 =	sadd.s32 $0x88, s3;
	s6 =	simm.s32 @!p1 $0x1082;
	[sflag:s4] =	ssyncset.s32 $0xFFFFF086  }
0x25: {  	[simem:s6], [sflag:s4] =	dma.local [hbm:s3], $0xF7A  }
0x26: {  	[smem:$0x3FA0] =	sst s1;
	(tag) =	ssettag s2;
	_ =	strace s9  }
0x27: {  	s1 =	sld [smem:$0x3FB0]  }
0x28: {  	s2 =	sld [smem:$0x3FB1]  }
0x29: {  	s4 =	sld [smem:$0x3FB3]  }
0x2a: {  	p0 =	seq.s32 s5, $0x0;
	s5 =	sld [smem:$0x3FB4]  }
0x2b: {  	s6 =	sld [smem:$0x3FB5]  }
0x2c: {  	s7 =	sld [smem:$0x3FB6]  }
0x2d: {  	s3 =	simm.s32 $0x108;
	s8 =	sld [smem:$0x3FB7]  }
0x2e: {  	s3 =	simm.s32 @!p0 $0x1082;
	s9 =	sld [smem:$0x3FB8]  }
0x2f: {  	lr =	sadd.s32 s0, s3;
	s0 =	sld [smem:$0x3FAF]  }
0x30: {  	s3 =	sld [smem:$0x3FB2]  }
0x31: {  	[smem:$0x3FBB] =	sst s10  }
0x32: {  	s10 =	sld [smem:$0x3FB9];
	_ =	sdelay $0x3  }
0x33: {  	p0 =	seq.s32 s10, $0x1;
	s10 =	sld [smem:$0x3FBB];
	_ =	sdelay $0x3  }
0x34: {  	[smem:$0x3FBB] =	sst s10  }
0x35: {  	s10 =	sld [smem:$0x3FBA];
	_ =	sdelay $0x3  }
0x36: {  	p1 =	seq.s32 s10, $0x1;
	s10 =	sld [smem:$0x3FBB];
	_ =	sdelay $0x3  }
0x37: {  	[smem:$0x3FBB] =	sst s10  }
0x38: {  	s10 =	sld [smem:$0x3FBC]  }
0x39: {  	_ = 	snop;
	(pc) =	sbr.ind lr, $3  }
0x3a: {  	_ = 	snop  }
0x3b: {  	_ = 	snop  }
0x3c: {  	p2 =	seq.s32 s10, $0x1;
	s10 =	sld [smem:$0x3FBB]  }
0x3d: {  	_ =	shalt  }
0x3e: {  	_ =	shalt  }
0x3f: {  	_ =	shalt  }
0x40: {  	_ =	shalt  }
0x41: {  	_ =	shalt  }
0x42: {  	_ =	shalt  }
0x43: {  	_ =	shalt  }
0x44: {  	_ =	shalt  }
0x45: {  	_ =	shalt  }
0x46: {  	_ =	shalt  }
0x47: {  	_ =	shalt  }
0x48: {  	_ =	shalt  }
0x49: {  	_ =	shalt  }
0x4a: {  	_ =	shalt  }
0x4b: {  	_ =	shalt  }
0x4c: {  	_ =	shalt  }
0x4d: {  	_ =	shalt  }
0x4e: {  	_ =	shalt  }
0x4f: {  	_ =	shalt  }
0x50: {  	_ =	shalt  }
0x51: {  	_ =	shalt  }
0x52: {  	_ =	shalt  }
0x53: {  	_ =	shalt  }
0x54: {  	_ =	shalt  }
0x55: {  	_ =	shalt  }
0x56: {  	_ =	shalt  }
0x57: {  	_ =	shalt  }
0x58: {  	_ =	shalt  }
0x59: {  	_ =	shalt  }
0x5a: {  	_ =	shalt  }
0x5b: {  	_ =	shalt  }
0x5c: {  	_ =	shalt  }
0x5d: {  	_ =	shalt  }
0x5e: {  	_ =	shalt  }
0x5f: {  	_ =	shalt  }
0x60: {  	_ =	shalt  }
0x61: {  	_ =	shalt  }
0x62: {  	_ =	shalt  }
0x63: {  	_ =	shalt  }
0x64: {  	_ =	shalt  }
0x65: {  	_ =	shalt  }
0x66: {  	_ =	shalt  }
0x67: {  	_ =	shalt  }
0x68: {  	_ =	shalt  }
0x69: {  	_ =	shalt  }
0x6a: {  	_ =	shalt  }
0x6b: {  	_ =	shalt  }
0x6c: {  	_ =	shalt  }
0x6d: {  	_ =	shalt  }
0x6e: {  	_ =	shalt  }
0x6f: {  	_ =	shalt  }
0x70: {  	_ =	shalt  }
0x71: {  	_ =	shalt  }
0x72: {  	_ =	shalt  }
0x73: {  	_ =	shalt  }
0x74: {  	_ =	shalt  }
0x75: {  	_ =	shalt  }
0x76: {  	_ =	shalt  }
0x77: {  	_ =	shalt  }
0x78: {  	_ =	shalt  }
0x79: {  	_ =	shalt  }
0x7a: {  	_ =	shalt  }
0x7b: {  	_ =	shalt  }
0x7c: {  	_ =	shalt  }
0x7d: {  	_ =	shalt  }
0x7e: {  	_ =	shalt  }
0x7f: {  	_ =	shalt  }
0x80: {  	_ =	shalt  }
0x81: {  	_ =	shalt  }
0x82: {  	_ =	shalt  }
0x83: {  	_ =	shalt  }
0x84: {  	_ =	shalt  }
0x85: {  	_ =	shalt  }
0x86: {  	_ =	shalt  }
0x87: {  	_ =	shalt  }
.Lfunc_end0:
.L_simem_size_0:
called_computation.1_lowered:
.L_overlay_start_0:
0x88: {  	s2 =	sld [smem:$0x3FD9]  }
0x89: {  	s3 =	sld [smem:$0x3FFE];
	_ =	sdelay $0x1  }
0x8a: {  	s1 =	srdreg.scid  }
0x8b: {  	s0 =	sand.u32 $0x1, s1  }
0x8c: {  	s18 =	sshll.u32 s0, $0xA;
	s2 =	sadd.s32 s3, s2  }
0x8d: {  	s2 =	sadd.s32 s2, s18  }
0x8e: {  	[smem:$0x3FC7] =	sst s2  }
0x8f: {  	_ = 	snop  }
0x90: {  	s2 =	sld [smem:$0x3FC9]  }
0x91: {  	s19 =	sld [smem:$0x3FD0];
	(tm) =	ssettm $0x1  }
0x92: {  	s4 =	sld [smem:$0x3FFB];
	_ =	sdelay $0x3  }
0x93: {  	_ =	strace s4  }
0x94: {  	s4 =	sld [smem:$0x3FFC];
	_ =	sdelay $0x3  }
0x95: {  	_ =	strace s4  }
0x96: {  	s4 =	sld [smem:$0x3FFD];
	_ =	sdelay $0x3  }
0x97: {  	_ =	strace s4  }
0x98: {  	_ =	strace $0x8FFFFFFF  }
0x99: {  	s20 =	sld [smem:$0x3FDB];
	_ =	sdelay $0x1  }
0x9a: {  	s5 =	simm.s32 $_scs_section_size  }
0x9b: {  	s6 =	simm.s32 $_size__tile_overlayer_lowered;
	s7 =	simm.s32 $_tile_overlayer_lowered  }
0x9c: {  	s23 =	simm.s32 $0x1BFF;
	s22 =	sshll.u32 s7, $0x1;
	s4 =	sadd.s32 s5, s20  }
0x9d: {  	s8 =	simm.s32 $0x0;
	s21 =	sshll.u32 s6, $0x1;
	s6 =	sadd.s32 s22, s4  }
0x9e: {  	[timem:s8], [sflag:s23] =	dma.local [hbm:s6], s21  }
0x9f: {  	_ =	swait.ge [sflag:s23], s21  }
0xa0: {  	s5 =	ssub.s32 $0x0, s21;
	[sflag:s23] =	ssyncset.done $0x0  }
0xa1: {  	[sflag:s23] =	ssyncadd.s32 s5;
	_ =	sdelay $0x1  }
0xa2: {  	s24 =	simm.s32 $0x1B8B  }
0xa3: {  	_ =	swait.ge [sflag:s24], $0x1  }
0xa4: {  	[sflag:s24] =	ssyncset.done $0x0  }
0xa5: {  	s25 =	simm.s32 $0x1B8E;
	[sflag:s24] =	ssyncadd.s32 $0xFFFFFFFF  }
0xa6: {  	s26 =	simm.s32 $execute0_lowered;
	[smem:$0x3FD2] =	sst s25  }
0xa7: {  	s5 =	sshll.u32 s26, $0x1;
	_ =	strace $0x80000046;
	[dreg:$0x1] =	wrdreg $0xFFFFFFFF  }
0xa8: {  	s28 =	simm.s32 $_size_execute0_lowered;
	s4 =	sadd.s32 s4, s5;
	[dreg:$0x0] =	wrdreg $0x0  }
0xa9: {  	s5 =	sshll.u32 s28, $0x1;
	[dreg:$0x2] =	wrdreg s4  }
0xaa: {  	[dreg:$0x3] =	wrdreg s5  }
0xab: {  	[dreg:$0x4] =	wrdreg $0xC0  }
0xac: {  	_ =	task [dreg:s8], $0x5FFFF  }
0xad: {  	[dreg:$0x1] =	wrdreg $0xFFFFFFFF  }
0xae: {  	[dreg:$0x0] =	wrdreg $0x60  }
0xaf: {  	[dreg:$0x2] =	wrdreg s2  }
0xb0: {  	[dreg:$0x3] =	wrdreg s19  }
0xb1: {  	[dreg:$0x4] =	wrdreg $0x9  }
0xb2: {  	_ =	task.clear_ibuf [dreg:s8], $0x5FFFF;
	_ =	strace $0x90000046  }
0xb3: {  	s29 =	simm.s32 $0x9;
	_ =	strace $0x80000048  }
0xb4: {  	_ =	swait.ge [sflag:s29], $0x1  }
0xb5: {  	[sflag:s29] =	ssyncadd.s32 $0xFFFFFFFF  }
0xb6: {  	_ =	strace $0x90000048  }
0xb7: {  	_ =	sfence  }
0xb8: {  	s30 =	sld [smem:$0x0];
	_ =	sdelay $0x2  }
0xb9: {  	s31 =	sshll.u32 s1, $0xD;
	s1 =	sshrl.u32 s1, $0x2  }
0xba: {  	s3 =	sand.u32 $0x4000, s31;
	s1 =	sadd.s32 s1, s30  }
0xbb: {  	s0 =	sor.u32 s3, s0;
	s1 =	sshll.u32 s1, $0x11  }
0xbc: {  	s0 =	sor.u32 s1, s0  }
0xbd: {  	s0 =	sadd.s32 $0x8F2B, s0  }
0xbe: {  	[sflag:s0] =	ssyncadd.remote.s32 $0x1  }
0xbf: {  	_ =	sfence.sel $0xFFFF  }
0xc0: {  	[dreg:$0x0] =	wrdreg $0xFFFFFFFF;
	(pc) =	sbr.abs _section_cstart, $3  }
0xc1: {  	[dreg:$0x1] =	wrdreg $0xFFFFFFFF  }
0xc2: {  	_ =	task.clear_ibuf [dreg:s8], $0x2FFFF;
	_ =	strace $0x9FFFFFFF  }
0xc3: {  	(tm) =	ssettm $0x7FFFFFFF  }
tec
execute0_lowered:
.L_overlay_start_1:
0x0: {  	(tag) =	ssettag $0x1  }
0x1: {  	s1 =	rddreg [dreg:$0x0]  }
0x2: {  	s3 =	rddreg [dreg:$0x1]  }
0x3: {  	s0 =	srdreg.scid;
	s4 =	simm.s32 $0x0;
	s5 =	stileid.u32  }
0x4: {  	s0 =	sand.u32 $0x1, s0;
	[smem:$0x7FF] =	sst s4;
	s5 =	sshll.u32 s5, $0x1  }
0x5: {  	s2 =	ssub.s32 $0x2, s0;
	_ =	strace $0x80000047;
	s0 =	sor.u32 s0, s5  }
0x6: {  	s6 =	sshrl.u32 s2, $0x1;
	s5 =	sshll.u32 s0, $0x8;
	s7 =	sshll.u32 s0, $0xF  }
0x7: {  	s8 =	sshll.u32 s0, $0x7;
	s0 =	sshll.u32 s0, $0x10;
	s2 =	ssub.s32 s2, s6  }
0x8: {  	s12 =	sadd.s32 s1, s7;
	s6 =	sadd.s32 $0xFDE80, s1;
	s9 =	sor.u32 $0x2, s5  }
0x9: {  	s10 =	sor.u32 $0x4, s5;
	s5 =	sor.u32 $0x6, s5;
	s0 =	sadd.s32 s3, s0  }
0xa: {  	s29 =	sor.u32 $0x4, s8;
	s30 =	sor.u32 $0x5, s8;
	s31 =	sor.u32 $0x6, s8  }
0xb: {  	s7 =	sadd.s32 s7, s6;
	s25 =	sshll.u32 s9, $0x7;
	[dreg:$0xb] =	wrdreg s0  }
0xc: {  	s26 =	sshll.u32 s10, $0x7;
	s14 =	sshll.u32 s5, $0x7;
	[dreg:$0x3] =	wrdreg s12  }
0xd: {  	s16 =	sadd.s32 $0x400, s12;
	s17 =	sadd.s32 $0xFE280, s12;
	[dreg:$0x4] =	wrdreg s7  }
0xe: {  	s18 =	sshll.u32 s9, $0x8;
	s19 =	sadd.s32 $0x500, s12;
	[dreg:$0xc] =	wrdreg s16  }
0xf: {  	s20 =	sshll.u32 s10, $0x8;
	s21 =	sadd.s32 $0xFE380, s12;
	[dreg:$0xd] =	wrdreg s17  }
0x10: {  	v0 =	vlaneseq.u32;
	s22 =	sshll.u32 s5, $0x8;
	s23 =	sadd.s32 $0x600, s12;
	[dreg:$0xf] =	wrdreg s19  }
0x11: {  	v1 =	vimm.s32 $0xB80;
	vm0 =	vcmask $0x300;
	v2 =	vimm.s32 $0xF80;
	s24 =	sadd.s32 $0xFE480, s12;
	s10 =	simm.s32 $0x2000;
	[dreg:$0x10] =	wrdreg s21  }
0x12: {  	vm1 =	vcmask $0x704;
	v1 =	vsel vm0, $0x0, v1;
	v2 =	vsel vm0, $0x400, v2;
	s9 =	simm.s32 $0x6;
	s11 =	sadd.s32 s1, s25;
	[dreg:$0x12] =	wrdreg s23  }
0x13: {  	vm15 =	vcmask $0xB08;
	v1 =	vsel vm1, $0x80, v1;
	v2 =	vsel vm1, $0x480, v2;
	s7 =	sadd.s32 s25, s6;
	s28 =	sadd.s32 s1, s26;
	[dreg:$0x13] =	wrdreg s24  }
0x14: {  	vm4 =	vcmask $0xF0C;
	v1 =	vsel vm15, $0x100, v1;
	v2 =	vsel vm15, $0x500, v2;
	s13 =	sadd.s32 s26, s6;
	s15 =	sadd.s32 s1, s14;
	[dreg:$0x5] =	wrdreg s11  }
0x15: {  	vm5 =	vcmask $0x1310;
	v1 =	vsel vm4, $0x180, v1;
	v2 =	vsel vm4, $0x580, v2;
	s0 =	sadd.s32 s3, s18;
	s25 =	smax.u32 s2, $0x1;
	[dreg:$0x6] =	wrdreg s7  }
0x16: {  	vm6 =	vcmask $0x1714;
	v1 =	vsel vm5, $0x200, v1;
	v2 =	vsel vm5, $0x600, v2;
	s26 =	sadd.s32 $0x700, s12;
	s23 =	simm.s32 $0x800;
	[dreg:$0x7] =	wrdreg s28  }
0x17: {  	vm7 =	vcmask $0x1B18;
	v1 =	vsel vm6, $0x280, v1;
	v2 =	vsel vm6, $0x680, v2;
	s16 =	simm.s32 $0x2;
	s17 =	simm.s32 $0x5000;
	[dreg:$0x8] =	wrdreg s13  }
0x18: {  	vm8 =	vcmask $0x1F1C;
	s18 =	simm.s32 $0x3;
	s19 =	simm.s32 $0x6000;
	[dreg:$0x9] =	wrdreg s15;
	v1 =	vsel vm7, $0x300, v1;
	v2 =	vsel vm7, $0x700, v2  }
0x19: {  	vm9 =	vcmask $0x2320;
	s2 =	simm.s32 $0x4;
	s21 =	simm.s32 $0x5;
	[dreg:$0xe] =	wrdreg s0;
	v1 =	vsel vm8, $0x380, v1;
	v2 =	vsel vm8, $0x780, v2  }
0x1a: {  	vm10 =	vcmask $0x2724;
	s7 =	sadd.s32 s14, s6;
	s0 =	sadd.s32 s3, s20;
	[dreg:$0x15] =	wrdreg s25;
	v1 =	vsel vm9, $0x800, v1;
	v2 =	vsel vm9, $0xC00, v2  }
0x1b: {  	vm11 =	vcmask $0x2B28;
	[dreg:$0x16] =	wrdreg s26;
	s28 =	sadd.s32 $0xFE580, s12;
	s26 =	simm.s32 $0x1800;
	v1 =	vsel vm10, $0x880, v1;
	v2 =	vsel vm10, $0xC80, v2  }
.Ltmp0:
0x1c: {  	vm12 =	vcmask $0x2F2C;
	s12 =	simm.s32 $0x3000;
	s14 =	simm.s32 $0x1;
	v1 =	vsel vm11, $0x900, v1;
	v2 =	vsel vm11, $0xD00, v2;
	(pc) =	sbr.rel .LBB2_1-.Ltmp0, $4  }
0x1d: {  	vm13 =	vcmask $0x3330;
	s15 =	simm.s32 $0x4000;
	s20 =	simm.s32 $0x7000;
	[dreg:$0xa] =	wrdreg s7;
	v1 =	vsel vm12, $0x980, v1;
	v2 =	vsel vm12, $0xD80, v2  }
0x1e: {  	vm14 =	vcmask $0x3734;
	s11 =	simm.s32 $0x7;
	s13 =	simm.s32 $0x0;
	[dreg:$0x11] =	wrdreg s0;
	v1 =	vsel vm13, $0xA00, v1;
	v2 =	vsel vm13, $0xE00, v2  }
0x1f: {  	vm15 =	vcmask $0x3B38;
	s0 =	sadd.s32 s3, s22;
	[dreg:$0x17] =	wrdreg s28;
	s7 =	simm.s32 $0x1000;
	v1 =	vsel vm14, $0xA80, v1;
	v2 =	vsel vm14, $0xE80, v2  }
0x20: {  	v3 =	vor.u32 $0x800, v0;
	s22 =	simm.s32 $0x8;
	[dreg:$0x14] =	wrdreg s0;
	s0 =	sor.u32 $0x7, s8;
	v1 =	vsel vm15, $0xB00, v1;
	v2 =	vsel vm15, $0xF00, v2  }
.LBB2_20:
0x21: {  	_ =	swait.ge [sflag:s21], $0x1000  }
0x22: {  	[sflag:s21] =	ssyncset.done $0x0  }
0x23: {  	[sflag:s21] =	ssyncadd.s32 $0xFFFFF000  }
0x24: {  	_ =	swait.ge [sflag:s9], $0x1000  }
0x25: {  	[sflag:s9] =	ssyncset.done $0x0  }
0x26: {  	[sflag:s9] =	ssyncadd.s32 $0xFFFFF000  }
0x27: {  	_ =	swait.ge [sflag:s11], $0x1000  }
0x28: {  	[sflag:s11] =	ssyncset.done $0x0  }
0x29: {  	[sflag:s11] =	ssyncadd.s32 $0xFFFFF000  }
0x2a: {  	_ =	swait.ge [sflag:s22], $0x1000  }
0x2b: {  	s13 =	rddreg [dreg:$0x18]  }
0x2c: {  	s5 =	rddreg [dreg:$0x15];
	s13 =	sadd.s32 $0x1, s13  }
0x2d: {  	p0 =	sne.s32 s13, s5  }
.Ltmp1:
0x2e: {  	_ = 	snop;
	(pc) =	sbr.rel @!p0 .LBB2_21-.Ltmp1, $3  }
0x2f: {  	_ =	sdelay $0x1  }
0x30: {  	[sflag:s22] =	ssyncset.done $0x0  }
0x31: {  	s23 =	simm.s32 $0x800;
	s26 =	simm.s32 $0x1800;
	[sflag:s22] =	ssyncadd.s32 $0xFFFFF000  }
.LBB2_1:
0x32: {  	[dreg:$0x18] =	wrdreg s13  }
0x33: {  	s5 =	rddreg [dreg:$0x3]  }
0x34: {  	[tilespmem:s4], [sflag:$0x1] =	stream.linear.gather [hbm4b:s5+s4], $0x800, $0x38;
	[tilespmem:$0x8000] =	vst v63  }
0x35: {  	s25 =	rddreg [dreg:$0x4]  }
0x36: {  	[tilespmem:s23], [sflag:$0x1] =	stream.linear.gather [hbm4b:s25+s4], $0x800, $0x38;
	[tilespmem:$0x8000] =	vst v63  }
0x37: {  	s28 =	rddreg [dreg:$0x5]  }
0x38: {  	[tilespmem:s7], [sflag:$0x2] =	stream.linear.gather [hbm4b:s28+s4], $0x800, $0x38;
	[tilespmem:$0x8000] =	vst v63  }
0x39: {  	s13 =	rddreg [dreg:$0x6]  }
0x3a: {  	[tilespmem:s26], [sflag:$0x2] =	stream.linear.gather [hbm4b:s13+s4], $0x800, $0x38;
	[tilespmem:$0x8000] =	vst v63  }
0x3b: {  	s24 =	rddreg [dreg:$0x7]  }
0x3c: {  	[tilespmem:s10], [sflag:$0x3] =	stream.linear.gather [hbm4b:s24+s4], $0x800, $0x38;
	[tilespmem:$0x8000] =	vst v63  }
0x3d: {  	s25 =	rddreg [dreg:$0x8];
	s28 =	simm.s32 $0x2800  }
0x3e: {  	[tilespmem:s28], [sflag:$0x3] =	stream.linear.gather [hbm4b:s25+s4], $0x800, $0x38;
	[tilespmem:$0x8000] =	vst v63  }
0x3f: {  	s24 =	rddreg [dreg:$0x9]  }
0x40: {  	[tilespmem:s12], [sflag:$0x4] =	stream.linear.gather [hbm4b:s24+s4], $0x800, $0x38;
	[tilespmem:$0x8000] =	vst v63  }
0x41: {  	s25 =	rddreg [dreg:$0xa];
	s28 =	simm.s32 $0x3800  }
0x42: {  	v4 =	vadd.s32 s4, v0;
	[tilespmem:s28], [sflag:$0x4] =	stream.linear.gather [hbm4b:s25+s4], $0x800, $0x38;
	[tilespmem:$0x8000] =	vst v63  }
0x43: {  	v5 =	vand.u32 $0x7F, v4;
	_ =	swait.ge [sflag:s14], $0x800  }
0x44: {  	v6 =	vor.u32 v1, v5;
	[sflag:s14] =	ssyncset.done $0x0  }
0x45: {  	[sflag:s14] =	ssyncadd.s32 $0xFFFFF800  }
0x46: {  	_ =	swait.ge [sflag:s14], $0x800  }
0x47: {  	v4 =	vshll.u32 v4, $0x4;
	[sflag:s14] =	ssyncset.done $0x0  }
0x48: {  	v4 =	vand.u32 $0x7F0, v4;
	[sflag:s14] =	ssyncadd.s32 $0xFFFFF800  }
0x49: {  	v7 =	vor.u32 v0, v4;
	v6 =	vld.idx.msk [tilespmem:v6+s4+$0x0], $0xffff  }
0x4a: {  	v5 =	vor.u32 v2, v5;
	_ =	sdelay $0x2  }
0x4b: {  	s24 =	simm.s32 $0x1  }
0x4c: {  	[tilespmem:v7+s15+$0x0] =	vst.idx.msk $0xffff, v6;
	v6 =	vadd.s32 s24, v0  }
0x4d: {  	v4 =	vor.u32 v3, v4;
	v5 =	vld.idx.msk [tilespmem:v5+s4+$0x0], $0xffff;
	v7 =	vand.u32 $0x7F, v6  }
0x4e: {  	v8 =	vor.u32 v1, v7;
	_ =	sdelay $0x2  }
0x4f: {  	v6 =	vshll.u32 v6, $0x4  }
0x50: {  	[tilespmem:v4+s15+$0x0] =	vst.idx.msk $0xffff, v5;
	v4 =	vand.u32 $0x7F0, v6  }
0x51: {  	v5 =	vld.idx.msk [tilespmem:v8+s4+$0x0], $0xffff;
	v6 =	vor.u32 v0, v4  }
0x52: {  	v7 =	vor.u32 v2, v7;
	_ =	sdelay $0x2  }
0x53: {  	s25 =	simm.s32 $0x2  }
0x54: {  	[tilespmem:v6+s15+$0x0] =	vst.idx.msk $0xffff, v5;
	v5 =	vadd.s32 s25, v0  }
0x55: {  	v4 =	vor.u32 v3, v4;
	v6 =	vld.idx.msk [tilespmem:v7+s4+$0x0], $0xffff;
	v7 =	vand.u32 $0x7F, v5  }
0x56: {  	v8 =	vor.u32 v1, v7;
	_ =	sdelay $0x2  }
0x57: {  	v5 =	vshll.u32 v5, $0x4  }
0x58: {  	[tilespmem:v4+s15+$0x0] =	vst.idx.msk $0xffff, v6;
	v4 =	vand.u32 $0x7F0, v5  }
0x59: {  	v5 =	vld.idx.msk [tilespmem:v8+s4+$0x0], $0xffff;
	v6 =	vor.u32 v0, v4  }
0x5a: {  	v7 =	vor.u32 v2, v7;
	_ =	sdelay $0x2  }
0x5b: {  	s28 =	simm.s32 $0x3  }
0x5c: {  	[tilespmem:v6+s15+$0x0] =	vst.idx.msk $0xffff, v5;
	v5 =	vadd.s32 s28, v0  }
0x5d: {  	v4 =	vor.u32 v3, v4;
	v6 =	vld.idx.msk [tilespmem:v7+s4+$0x0], $0xffff;
	v7 =	vand.u32 $0x7F, v5  }
0x5e: {  	v8 =	vor.u32 v1, v7;
	_ =	sdelay $0x2  }
0x5f: {  	v5 =	vshll.u32 v5, $0x4  }
0x60: {  	[tilespmem:v4+s15+$0x0] =	vst.idx.msk $0xffff, v6;
	v4 =	vand.u32 $0x7F0, v5  }
0x61: {  	v5 =	vld.idx.msk [tilespmem:v8+s4+$0x0], $0xffff;
	v6 =	vor.u32 v0, v4  }
0x62: {  	v7 =	vor.u32 v2, v7;
	_ =	sdelay $0x3  }
0x63: {  	s24 =	simm.s32 $0x4;
	[tilespmem:v6+s15+$0x0] =	vst.idx.msk $0xffff, v5  }
0x64: {  	s25 =	simm.s32 $0x8;
	v5 =	vadd.s32 s24, v0;
	v6 =	vld.idx.msk [tilespmem:v7+s4+$0x0], $0xffff  }
.LBB2_2:
0x65: {  	p0 =	sne.s32 s25, $0x7C;
	v7 =	vand.u32 $0x7F, v5;
	v4 =	vor.u32 v3, v4  }
0x66: {  	v8 =	vor.u32 v1, v7;
	_ =	sdelay $0x3  }
0x67: {  	v5 =	vshll.u32 v5, $0x4;
	[tilespmem:v4+s15+$0x0] =	vst.idx.msk $0xffff, v6  }
0x68: {  	v5 =	vand.u32 $0x7F0, v5;
	v4 =	vld.idx.msk [tilespmem:v8+s4+$0x0], $0xffff  }
0x69: {  	v6 =	vor.u32 v0, v5  }
0x6a: {  	v7 =	vor.u32 v2, v7;
	_ =	sdelay $0x3  }
0x6b: {  	s5 =	sadd.s32 $0x1, s24;
	[tilespmem:v6+s15+$0x0] =	vst.idx.msk $0xffff, v4  }
0x6c: {  	v6 =	vadd.s32 s5, v0;
	v4 =	vld.idx.msk [tilespmem:v7+s4+$0x0], $0xffff  }
0x6d: {  	v5 =	vor.u32 v3, v5;
	v7 =	vand.u32 $0x7F, v6  }
0x6e: {  	v8 =	vor.u32 v1, v7;
	_ =	sdelay $0x3  }
0x6f: {  	[tilespmem:v5+s15+$0x0] =	vst.idx.msk $0xffff, v4;
	v4 =	vshll.u32 v6, $0x4  }
0x70: {  	v5 =	vld.idx.msk [tilespmem:v8+s4+$0x0], $0xffff;
	v4 =	vand.u32 $0x7F0, v4  }
0x71: {  	v6 =	vor.u32 v0, v4  }
0x72: {  	v7 =	vor.u32 v2, v7;
	_ =	sdelay $0x3  }
0x73: {  	s5 =	sadd.s32 $0x2, s24;
	[tilespmem:v6+s15+$0x0] =	vst.idx.msk $0xffff, v5  }
0x74: {  	v6 =	vadd.s32 s5, v0;
	v5 =	vld.idx.msk [tilespmem:v7+s4+$0x0], $0xffff  }
0x75: {  	v4 =	vor.u32 v3, v4;
	v7 =	vand.u32 $0x7F, v6  }
0x76: {  	v8 =	vor.u32 v1, v7;
	_ =	sdelay $0x3  }
0x77: {  	[tilespmem:v4+s15+$0x0] =	vst.idx.msk $0xffff, v5;
	v4 =	vshll.u32 v6, $0x4  }
0x78: {  	v5 =	vld.idx.msk [tilespmem:v8+s4+$0x0], $0xffff;
	v4 =	vand.u32 $0x7F0, v4  }
0x79: {  	v6 =	vor.u32 v0, v4  }
0x7a: {  	v7 =	vor.u32 v2, v7;
	_ =	sdelay $0x3  }
0x7b: {  	s5 =	sadd.s32 $0x3, s24;
	s24 =	smov.u32 s25;
	[tilespmem:v6+s15+$0x0] =	vst.idx.msk $0xffff, v5  }
0x7c: {  	v6 =	vadd.s32 s5, v0;
	v5 =	vld.idx.msk [tilespmem:v7+s4+$0x0], $0xffff  }
0x7d: {  	v4 =	vor.u32 v3, v4;
	v7 =	vand.u32 $0x7F, v6  }
0x7e: {  	v8 =	vor.u32 v1, v7;
	_ =	sdelay $0x3  }
0x7f: {  	[tilespmem:v4+s15+$0x0] =	vst.idx.msk $0xffff, v5;
	v4 =	vshll.u32 v6, $0x4  }
0x80: {  	v5 =	vld.idx.msk [tilespmem:v8+s4+$0x0], $0xffff;
	v4 =	vand.u32 $0x7F0, v4  }
0x81: {  	v6 =	vor.u32 v0, v4  }
0x82: {  	v7 =	vor.u32 v2, v7  }
.Ltmp2:
0x83: {  	(pc) =	sbr.rel @p0 .LBB2_2-.Ltmp2, $3  }
0x84: {  	_ =	sdelay $0x1  }
0x85: {  	[tilespmem:v6+s15+$0x0] =	vst.idx.msk $0xffff, v5  }
0x86: {  	s25 =	sadd.s32 $0x4, s25;
	v5 =	vadd.s32 s24, v0;
	v6 =	vld.idx.msk [tilespmem:v7+s4+$0x0], $0xffff  }
0x87: {  	v7 =	vand.u32 $0x7F, v5;
	v4 =	vor.u32 v3, v4  }
0x88: {  	v8 =	vor.u32 v1, v7;
	_ =	sdelay $0x2  }
0x89: {  	v5 =	vshll.u32 v5, $0x4  }
0x8a: {  	[tilespmem:v4+s15+$0x0] =	vst.idx.msk $0xffff, v6;
	v4 =	vand.u32 $0x7F0, v5  }
0x8b: {  	v5 =	vld.idx.msk [tilespmem:v8+s4+$0x0], $0xffff;
	v6 =	vor.u32 v0, v4  }
0x8c: {  	v7 =	vor.u32 v2, v7;
	_ =	sdelay $0x2  }
0x8d: {  	s5 =	sadd.s32 $0x1, s24  }
0x8e: {  	[tilespmem:v6+s15+$0x0] =	vst.idx.msk $0xffff, v5;
	v5 =	vadd.s32 s5, v0  }
0x8f: {  	v4 =	vor.u32 v3, v4;
	v6 =	vld.idx.msk [tilespmem:v7+s4+$0x0], $0xffff;
	v7 =	vand.u32 $0x7F, v5  }
0x90: {  	v8 =	vor.u32 v1, v7;
	_ =	sdelay $0x2  }
0x91: {  	v5 =	vshll.u32 v5, $0x4  }
0x92: {  	[tilespmem:v4+s15+$0x0] =	vst.idx.msk $0xffff, v6;
	v4 =	vand.u32 $0x7F0, v5  }
0x93: {  	v5 =	vld.idx.msk [tilespmem:v8+s4+$0x0], $0xffff;
	v6 =	vor.u32 v0, v4  }
0x94: {  	v7 =	vor.u32 v2, v7;
	_ =	sdelay $0x2  }
0x95: {  	s28 =	sadd.s32 $0x2, s24  }
0x96: {  	[tilespmem:v6+s15+$0x0] =	vst.idx.msk $0xffff, v5;
	v5 =	vadd.s32 s28, v0  }
0x97: {  	v4 =	vor.u32 v3, v4;
	v6 =	vld.idx.msk [tilespmem:v7+s4+$0x0], $0xffff;
	v7 =	vand.u32 $0x7F, v5  }
0x98: {  	v8 =	vor.u32 v1, v7;
	_ =	sdelay $0x2  }
0x99: {  	v5 =	vshll.u32 v5, $0x4  }
0x9a: {  	[tilespmem:v4+s15+$0x0] =	vst.idx.msk $0xffff, v6;
	v4 =	vand.u32 $0x7F0, v5  }
0x9b: {  	v5 =	vld.idx.msk [tilespmem:v8+s4+$0x0], $0xffff;
	v6 =	vor.u32 v0, v4  }
0x9c: {  	v7 =	vor.u32 v2, v7;
	_ =	sdelay $0x2  }
0x9d: {  	s13 =	sadd.s32 $0x3, s24  }
0x9e: {  	[tilespmem:v6+s15+$0x0] =	vst.idx.msk $0xffff, v5;
	v5 =	vadd.s32 s13, v0  }
0x9f: {  	v4 =	vor.u32 v3, v4;
	v6 =	vld.idx.msk [tilespmem:v7+s4+$0x0], $0xffff;
	v7 =	vand.u32 $0x7F, v5  }
0xa0: {  	v8 =	vor.u32 v1, v7;
	_ =	sdelay $0x2  }
0xa1: {  	v5 =	vshll.u32 v5, $0x4  }
0xa2: {  	[tilespmem:v4+s15+$0x0] =	vst.idx.msk $0xffff, v6;
	v4 =	vand.u32 $0x7F0, v5  }
0xa3: {  	v5 =	vld.idx.msk [tilespmem:v8+s4+$0x0], $0xffff;
	v6 =	vor.u32 v0, v4  }
0xa4: {  	v7 =	vor.u32 v2, v7;
	_ =	sdelay $0x3  }
0xa5: {  	[tilespmem:v6+s15+$0x0] =	vst.idx.msk $0xffff, v5  }
0xa6: {  	v4 =	vor.u32 v3, v4;
	v5 =	vld.idx.msk [tilespmem:v7+s4+$0x0], $0xffff;
	_ =	sdelay $0x4  }
0xa7: {  	s24 =	simm.s32 $0x0;
	s13 =	rddreg [dreg:$0xb];
	[tilespmem:v4+s15+$0x0] =	vst.idx.msk $0xffff, v5  }
0xa8: {  	[hbm4b:s13+s24] =	stream.linear.scatter [tilespmem:s15], [sflag:$0x5], $0x1000, $0x38;
	[tilespmem:$0x8000] =	vst v63  }
0xa9: {  	s25 =	rddreg [dreg:$0xc]  }
0xaa: {  	[tilespmem:s24], [sflag:$0x1] =	stream.linear.gather [hbm4b:s25+s24], $0x800, $0x38;
	[tilespmem:$0x8000] =	vst v63  }
0xab: {  	s28 =	rddreg [dreg:$0xd]  }
0xac: {  	v4 =	vadd.s32 s24, v0;
	[tilespmem:s23], [sflag:$0x1] =	stream.linear.gather [hbm4b:s28+s24], $0x800, $0x38;
	[tilespmem:$0x8000] =	vst v63  }
0xad: {  	v5 =	vand.u32 $0x7F, v4;
	_ =	swait.ge [sflag:s16], $0x800  }
0xae: {  	v6 =	vor.u32 v1, v5;
	[sflag:s16] =	ssyncset.done $0x0  }
0xaf: {  	[sflag:s16] =	ssyncadd.s32 $0xFFFFF800  }
0xb0: {  	_ =	swait.ge [sflag:s16], $0x800  }
0xb1: {  	v4 =	vshll.u32 v4, $0x4;
	[sflag:s16] =	ssyncset.done $0x0  }
0xb2: {  	v4 =	vand.u32 $0x7F0, v4;
	[sflag:s16] =	ssyncadd.s32 $0xFFFFF800  }
0xb3: {  	v7 =	vor.u32 v0, v4;
	v6 =	vld.idx.msk [tilespmem:v6+s7+$0x0], $0xffff  }
0xb4: {  	v5 =	vor.u32 v2, v5;
	_ =	sdelay $0x2  }
0xb5: {  	s24 =	simm.s32 $0x1  }
0xb6: {  	[tilespmem:v7+s17+$0x0] =	vst.idx.msk $0xffff, v6;
	v6 =	vadd.s32 s24, v0  }
0xb7: {  	v4 =	vor.u32 v3, v4;
	v5 =	vld.idx.msk [tilespmem:v5+s7+$0x0], $0xffff;
	v7 =	vand.u32 $0x7F, v6  }
0xb8: {  	v8 =	vor.u32 v1, v7;
	_ =	sdelay $0x2  }
0xb9: {  	v6 =	vshll.u32 v6, $0x4  }
0xba: {  	[tilespmem:v4+s17+$0x0] =	vst.idx.msk $0xffff, v5;
	v4 =	vand.u32 $0x7F0, v6  }
0xbb: {  	v5 =	vld.idx.msk [tilespmem:v8+s7+$0x0], $0xffff;
	v6 =	vor.u32 v0, v4  }
0xbc: {  	v7 =	vor.u32 v2, v7;
	_ =	sdelay $0x2  }
0xbd: {  	s25 =	simm.s32 $0x2  }
0xbe: {  	[tilespmem:v6+s17+$0x0] =	vst.idx.msk $0xffff, v5;
	v5 =	vadd.s32 s25, v0  }
0xbf: {  	v4 =	vor.u32 v3, v4;
	v6 =	vld.idx.msk [tilespmem:v7+s7+$0x0], $0xffff;
	v7 =	vand.u32 $0x7F, v5  }
0xc0: {  	v8 =	vor.u32 v1, v7;
	_ =	sdelay $0x2  }
0xc1: {  	v5 =	vshll.u32 v5, $0x4  }
0xc2: {  	[tilespmem:v4+s17+$0x0] =	vst.idx.msk $0xffff, v6;
	v4 =	vand.u32 $0x7F0, v5  }
0xc3: {  	v5 =	vld.idx.msk [tilespmem:v8+s7+$0x0], $0xffff;
	v6 =	vor.u32 v0, v4  }
0xc4: {  	v7 =	vor.u32 v2, v7;
	_ =	sdelay $0x2  }
0xc5: {  	s28 =	simm.s32 $0x3  }
0xc6: {  	[tilespmem:v6+s17+$0x0] =	vst.idx.msk $0xffff, v5;
	v5 =	vadd.s32 s28, v0  }
0xc7: {  	v4 =	vor.u32 v3, v4;
	v6 =	vld.idx.msk [tilespmem:v7+s7+$0x0], $0xffff;
	v7 =	vand.u32 $0x7F, v5  }
0xc8: {  	v8 =	vor.u32 v1, v7;
	_ =	sdelay $0x2  }
0xc9: {  	v5 =	vshll.u32 v5, $0x4  }
0xca: {  	[tilespmem:v4+s17+$0x0] =	vst.idx.msk $0xffff, v6;
	v4 =	vand.u32 $0x7F0, v5  }
0xcb: {  	v5 =	vld.idx.msk [tilespmem:v8+s7+$0x0], $0xffff;
	v6 =	vor.u32 v0, v4  }
0xcc: {  	v7 =	vor.u32 v2, v7;
	_ =	sdelay $0x3  }
0xcd: {  	s24 =	simm.s32 $0x4;
	[tilespmem:v6+s17+$0x0] =	vst.idx.msk $0xffff, v5  }
0xce: {  	s25 =	simm.s32 $0x8;
	v5 =	vadd.s32 s24, v0;
	v6 =	vld.idx.msk [tilespmem:v7+s7+$0x0], $0xffff  }
.LBB2_4:
0xcf: {  	p0 =	sne.s32 s25, $0x7C;
	v7 =	vand.u32 $0x7F, v5;
	v4 =	vor.u32 v3, v4  }
0xd0: {  	v8 =	vor.u32 v1, v7;
	_ =	sdelay $0x3  }
0xd1: {  	v5 =	vshll.u32 v5, $0x4;
	[tilespmem:v4+s17+$0x0] =	vst.idx.msk $0xffff, v6  }
0xd2: {  	v5 =	vand.u32 $0x7F0, v5;
	v4 =	vld.idx.msk [tilespmem:v8+s7+$0x0], $0xffff  }
0xd3: {  	v6 =	vor.u32 v0, v5  }
0xd4: {  	v7 =	vor.u32 v2, v7;
	_ =	sdelay $0x3  }
0xd5: {  	s5 =	sadd.s32 $0x1, s24;
	[tilespmem:v6+s17+$0x0] =	vst.idx.msk $0xffff, v4  }
0xd6: {  	v6 =	vadd.s32 s5, v0;
	v4 =	vld.idx.msk [tilespmem:v7+s7+$0x0], $0xffff  }
0xd7: {  	v5 =	vor.u32 v3, v5;
	v7 =	vand.u32 $0x7F, v6  }
0xd8: {  	v8 =	vor.u32 v1, v7;
	_ =	sdelay $0x3  }
0xd9: {  	[tilespmem:v5+s17+$0x0] =	vst.idx.msk $0xffff, v4;
	v4 =	vshll.u32 v6, $0x4  }
0xda: {  	v5 =	vld.idx.msk [tilespmem:v8+s7+$0x0], $0xffff;
	v4 =	vand.u32 $0x7F0, v4  }
0xdb: {  	v6 =	vor.u32 v0, v4  }
0xdc: {  	v7 =	vor.u32 v2, v7;
	_ =	sdelay $0x3  }
0xdd: {  	s5 =	sadd.s32 $0x2, s24;
	[tilespmem:v6+s17+$0x0] =	vst.idx.msk $0xffff, v5  }
0xde: {  	v6 =	vadd.s32 s5, v0;
	v5 =	vld.idx.msk [tilespmem:v7+s7+$0x0], $0xffff  }
0xdf: {  	v4 =	vor.u32 v3, v4;
	v7 =	vand.u32 $0x7F, v6  }
0xe0: {  	v8 =	vor.u32 v1, v7;
	_ =	sdelay $0x3  }
0xe1: {  	[tilespmem:v4+s17+$0x0] =	vst.idx.msk $0xffff, v5;
	v4 =	vshll.u32 v6, $0x4  }
0xe2: {  	v5 =	vld.idx.msk [tilespmem:v8+s7+$0x0], $0xffff;
	v4 =	vand.u32 $0x7F0, v4  }
0xe3: {  	v6 =	vor.u32 v0, v4  }
0xe4: {  	v7 =	vor.u32 v2, v7;
	_ =	sdelay $0x3  }
0xe5: {  	s5 =	sadd.s32 $0x3, s24;
	s24 =	smov.u32 s25;
	[tilespmem:v6+s17+$0x0] =	vst.idx.msk $0xffff, v5  }
0xe6: {  	v6 =	vadd.s32 s5, v0;
	v5 =	vld.idx.msk [tilespmem:v7+s7+$0x0], $0xffff  }
0xe7: {  	v4 =	vor.u32 v3, v4;
	v7 =	vand.u32 $0x7F, v6  }
0xe8: {  	v8 =	vor.u32 v1, v7;
	_ =	sdelay $0x3  }
0xe9: {  	[tilespmem:v4+s17+$0x0] =	vst.idx.msk $0xffff, v5;
	v4 =	vshll.u32 v6, $0x4  }
0xea: {  	v5 =	vld.idx.msk [tilespmem:v8+s7+$0x0], $0xffff;
	v4 =	vand.u32 $0x7F0, v4  }
0xeb: {  	v6 =	vor.u32 v0, v4  }
0xec: {  	v7 =	vor.u32 v2, v7  }
.Ltmp3:
0xed: {  	(pc) =	sbr.rel @p0 .LBB2_4-.Ltmp3, $3  }
0xee: {  	_ =	sdelay $0x1  }
0xef: {  	[tilespmem:v6+s17+$0x0] =	vst.idx.msk $0xffff, v5  }
0xf0: {  	s25 =	sadd.s32 $0x4, s25;
	v5 =	vadd.s32 s24, v0;
	v6 =	vld.idx.msk [tilespmem:v7+s7+$0x0], $0xffff  }
0xf1: {  	v7 =	vand.u32 $0x7F, v5;
	v4 =	vor.u32 v3, v4  }
0xf2: {  	v8 =	vor.u32 v1, v7;
	_ =	sdelay $0x2  }
0xf3: {  	v5 =	vshll.u32 v5, $0x4  }
0xf4: {  	[tilespmem:v4+s17+$0x0] =	vst.idx.msk $0xffff, v6;
	v4 =	vand.u32 $0x7F0, v5  }
0xf5: {  	v5 =	vld.idx.msk [tilespmem:v8+s7+$0x0], $0xffff;
	v6 =	vor.u32 v0, v4  }
0xf6: {  	v7 =	vor.u32 v2, v7;
	_ =	sdelay $0x2  }
0xf7: {  	s5 =	sadd.s32 $0x1, s24  }
0xf8: {  	[tilespmem:v6+s17+$0x0] =	vst.idx.msk $0xffff, v5;
	v5 =	vadd.s32 s5, v0  }
0xf9: {  	v4 =	vor.u32 v3, v4;
	v6 =	vld.idx.msk [tilespmem:v7+s7+$0x0], $0xffff;
	v7 =	vand.u32 $0x7F, v5  }
0xfa: {  	v8 =	vor.u32 v1, v7;
	_ =	sdelay $0x2  }
0xfb: {  	v5 =	vshll.u32 v5, $0x4  }
0xfc: {  	[tilespmem:v4+s17+$0x0] =	vst.idx.msk $0xffff, v6;
	v4 =	vand.u32 $0x7F0, v5  }
0xfd: {  	v5 =	vld.idx.msk [tilespmem:v8+s7+$0x0], $0xffff;
	v6 =	vor.u32 v0, v4  }
0xfe: {  	v7 =	vor.u32 v2, v7;
	_ =	sdelay $0x2  }
0xff: {  	s23 =	sadd.s32 $0x2, s24  }
0x100: {  	[tilespmem:v6+s17+$0x0] =	vst.idx.msk $0xffff, v5;
	v5 =	vadd.s32 s23, v0  }
0x101: {  	v4 =	vor.u32 v3, v4;
	v6 =	vld.idx.msk [tilespmem:v7+s7+$0x0], $0xffff;
	v7 =	vand.u32 $0x7F, v5  }
0x102: {  	v8 =	vor.u32 v1, v7;
	_ =	sdelay $0x2  }
0x103: {  	v5 =	vshll.u32 v5, $0x4  }
0x104: {  	[tilespmem:v4+s17+$0x0] =	vst.idx.msk $0xffff, v6;
	v4 =	vand.u32 $0x7F0, v5  }
0x105: {  	v5 =	vld.idx.msk [tilespmem:v8+s7+$0x0], $0xffff;
	v6 =	vor.u32 v0, v4  }
0x106: {  	v7 =	vor.u32 v2, v7;
	_ =	sdelay $0x2  }
0x107: {  	s25 =	sadd.s32 $0x3, s24  }
0x108: {  	[tilespmem:v6+s17+$0x0] =	vst.idx.msk $0xffff, v5;
	v5 =	vadd.s32 s25, v0  }
0x109: {  	v4 =	vor.u32 v3, v4;
	v6 =	vld.idx.msk [tilespmem:v7+s7+$0x0], $0xffff;
	v7 =	vand.u32 $0x7F, v5  }
0x10a: {  	v8 =	vor.u32 v1, v7;
	_ =	sdelay $0x2  }
0x10b: {  	v5 =	vshll.u32 v5, $0x4  }
0x10c: {  	[tilespmem:v4+s17+$0x0] =	vst.idx.msk $0xffff, v6;
	v4 =	vand.u32 $0x7F0, v5  }
0x10d: {  	v5 =	vld.idx.msk [tilespmem:v8+s7+$0x0], $0xffff;
	v6 =	vor.u32 v0, v4  }
0x10e: {  	v7 =	vor.u32 v2, v7;
	_ =	sdelay $0x3  }
0x10f: {  	[tilespmem:v6+s17+$0x0] =	vst.idx.msk $0xffff, v5  }
0x110: {  	v4 =	vor.u32 v3, v4;
	v5 =	vld.idx.msk [tilespmem:v7+s7+$0x0], $0xffff;
	_ =	sdelay $0x4  }
0x111: {  	s28 =	simm.s32 $0x0;
	s13 =	rddreg [dreg:$0xe];
	[tilespmem:v4+s17+$0x0] =	vst.idx.msk $0xffff, v5  }
0x112: {  	[hbm4b:s13+s28] =	stream.linear.scatter [tilespmem:s17], [sflag:$0x6], $0x1000, $0x38;
	[tilespmem:$0x8000] =	vst v63  }
0x113: {  	s23 =	rddreg [dreg:$0xf]  }
0x114: {  	[tilespmem:s7], [sflag:$0x2] =	stream.linear.gather [hbm4b:s23+s28], $0x800, $0x38;
	[tilespmem:$0x8000] =	vst v63  }
0x115: {  	s24 =	rddreg [dreg:$0x10]  }
0x116: {  	v4 =	vadd.s32 s28, v0;
	[tilespmem:s26], [sflag:$0x2] =	stream.linear.gather [hbm4b:s24+s28], $0x800, $0x38;
	[tilespmem:$0x8000] =	vst v63  }
0x117: {  	v5 =	vand.u32 $0x7F, v4;
	_ =	swait.ge [sflag:s18], $0x800  }
0x118: {  	v6 =	vor.u32 v1, v5;
	[sflag:s18] =	ssyncset.done $0x0  }
0x119: {  	[sflag:s18] =	ssyncadd.s32 $0xFFFFF800  }
0x11a: {  	_ =	swait.ge [sflag:s18], $0x800  }
0x11b: {  	v4 =	vshll.u32 v4, $0x4;
	[sflag:s18] =	ssyncset.done $0x0  }
0x11c: {  	v4 =	vand.u32 $0x7F0, v4;
	[sflag:s18] =	ssyncadd.s32 $0xFFFFF800  }
0x11d: {  	v7 =	vor.u32 v0, v4;
	v6 =	vld.idx.msk [tilespmem:v6+s10+$0x0], $0xffff  }
0x11e: {  	v5 =	vor.u32 v2, v5;
	_ =	sdelay $0x2  }
0x11f: {  	s25 =	simm.s32 $0x1  }
0x120: {  	[tilespmem:v7+s19+$0x0] =	vst.idx.msk $0xffff, v6;
	v6 =	vadd.s32 s25, v0  }
0x121: {  	v4 =	vor.u32 v3, v4;
	v5 =	vld.idx.msk [tilespmem:v5+s10+$0x0], $0xffff;
	v7 =	vand.u32 $0x7F, v6  }
0x122: {  	v8 =	vor.u32 v1, v7;
	_ =	sdelay $0x2  }
0x123: {  	v6 =	vshll.u32 v6, $0x4  }
0x124: {  	[tilespmem:v4+s19+$0x0] =	vst.idx.msk $0xffff, v5;
	v4 =	vand.u32 $0x7F0, v6  }
0x125: {  	v5 =	vld.idx.msk [tilespmem:v8+s10+$0x0], $0xffff;
	v6 =	vor.u32 v0, v4  }
0x126: {  	v7 =	vor.u32 v2, v7;
	_ =	sdelay $0x2  }
0x127: {  	s26 =	simm.s32 $0x2  }
0x128: {  	[tilespmem:v6+s19+$0x0] =	vst.idx.msk $0xffff, v5;
	v5 =	vadd.s32 s26, v0  }
0x129: {  	v4 =	vor.u32 v3, v4;
	v6 =	vld.idx.msk [tilespmem:v7+s10+$0x0], $0xffff;
	v7 =	vand.u32 $0x7F, v5  }
0x12a: {  	v8 =	vor.u32 v1, v7;
	_ =	sdelay $0x2  }
0x12b: {  	v5 =	vshll.u32 v5, $0x4  }
0x12c: {  	[tilespmem:v4+s19+$0x0] =	vst.idx.msk $0xffff, v6;
	v4 =	vand.u32 $0x7F0, v5  }
0x12d: {  	v5 =	vld.idx.msk [tilespmem:v8+s10+$0x0], $0xffff;
	v6 =	vor.u32 v0, v4  }
0x12e: {  	v7 =	vor.u32 v2, v7;
	_ =	sdelay $0x2  }
0x12f: {  	s28 =	simm.s32 $0x3  }
0x130: {  	[tilespmem:v6+s19+$0x0] =	vst.idx.msk $0xffff, v5;
	v5 =	vadd.s32 s28, v0  }
0x131: {  	v4 =	vor.u32 v3, v4;
	v6 =	vld.idx.msk [tilespmem:v7+s10+$0x0], $0xffff;
	v7 =	vand.u32 $0x7F, v5  }
0x132: {  	v8 =	vor.u32 v1, v7;
	_ =	sdelay $0x2  }
0x133: {  	v5 =	vshll.u32 v5, $0x4  }
0x134: {  	[tilespmem:v4+s19+$0x0] =	vst.idx.msk $0xffff, v6;
	v4 =	vand.u32 $0x7F0, v5  }
0x135: {  	v5 =	vld.idx.msk [tilespmem:v8+s10+$0x0], $0xffff;
	v6 =	vor.u32 v0, v4  }
0x136: {  	v7 =	vor.u32 v2, v7;
	_ =	sdelay $0x3  }
0x137: {  	s24 =	simm.s32 $0x4;
	[tilespmem:v6+s19+$0x0] =	vst.idx.msk $0xffff, v5  }
0x138: {  	s25 =	simm.s32 $0x8;
	v5 =	vadd.s32 s24, v0;
	v6 =	vld.idx.msk [tilespmem:v7+s10+$0x0], $0xffff  }
.LBB2_6:
0x139: {  	p0 =	sne.s32 s25, $0x7C;
	v7 =	vand.u32 $0x7F, v5;
	v4 =	vor.u32 v3, v4  }
0x13a: {  	v8 =	vor.u32 v1, v7;
	_ =	sdelay $0x3  }
0x13b: {  	v5 =	vshll.u32 v5, $0x4;
	[tilespmem:v4+s19+$0x0] =	vst.idx.msk $0xffff, v6  }
0x13c: {  	v5 =	vand.u32 $0x7F0, v5;
	v4 =	vld.idx.msk [tilespmem:v8+s10+$0x0], $0xffff  }
0x13d: {  	v6 =	vor.u32 v0, v5  }
0x13e: {  	v7 =	vor.u32 v2, v7;
	_ =	sdelay $0x3  }
0x13f: {  	s5 =	sadd.s32 $0x1, s24;
	[tilespmem:v6+s19+$0x0] =	vst.idx.msk $0xffff, v4  }
0x140: {  	v6 =	vadd.s32 s5, v0;
	v4 =	vld.idx.msk [tilespmem:v7+s10+$0x0], $0xffff  }
0x141: {  	v5 =	vor.u32 v3, v5;
	v7 =	vand.u32 $0x7F, v6  }
0x142: {  	v8 =	vor.u32 v1, v7;
	_ =	sdelay $0x3  }
0x143: {  	[tilespmem:v5+s19+$0x0] =	vst.idx.msk $0xffff, v4;
	v4 =	vshll.u32 v6, $0x4  }
0x144: {  	v5 =	vld.idx.msk [tilespmem:v8+s10+$0x0], $0xffff;
	v4 =	vand.u32 $0x7F0, v4  }
0x145: {  	v6 =	vor.u32 v0, v4  }
0x146: {  	v7 =	vor.u32 v2, v7;
	_ =	sdelay $0x3  }
0x147: {  	s5 =	sadd.s32 $0x2, s24;
	[tilespmem:v6+s19+$0x0] =	vst.idx.msk $0xffff, v5  }
0x148: {  	v6 =	vadd.s32 s5, v0;
	v5 =	vld.idx.msk [tilespmem:v7+s10+$0x0], $0xffff  }
0x149: {  	v4 =	vor.u32 v3, v4;
	v7 =	vand.u32 $0x7F, v6  }
0x14a: {  	v8 =	vor.u32 v1, v7;
	_ =	sdelay $0x3  }
0x14b: {  	[tilespmem:v4+s19+$0x0] =	vst.idx.msk $0xffff, v5;
	v4 =	vshll.u32 v6, $0x4  }
0x14c: {  	v5 =	vld.idx.msk [tilespmem:v8+s10+$0x0], $0xffff;
	v4 =	vand.u32 $0x7F0, v4  }
0x14d: {  	v6 =	vor.u32 v0, v4  }
0x14e: {  	v7 =	vor.u32 v2, v7;
	_ =	sdelay $0x3  }
0x14f: {  	s5 =	sadd.s32 $0x3, s24;
	s24 =	smov.u32 s25;
	[tilespmem:v6+s19+$0x0] =	vst.idx.msk $0xffff, v5  }
0x150: {  	v6 =	vadd.s32 s5, v0;
	v5 =	vld.idx.msk [tilespmem:v7+s10+$0x0], $0xffff  }
0x151: {  	v4 =	vor.u32 v3, v4;
	v7 =	vand.u32 $0x7F, v6  }
0x152: {  	v8 =	vor.u32 v1, v7;
	_ =	sdelay $0x3  }
0x153: {  	[tilespmem:v4+s19+$0x0] =	vst.idx.msk $0xffff, v5;
	v4 =	vshll.u32 v6, $0x4  }
0x154: {  	v5 =	vld.idx.msk [tilespmem:v8+s10+$0x0], $0xffff;
	v4 =	vand.u32 $0x7F0, v4  }
0x155: {  	v6 =	vor.u32 v0, v4  }
0x156: {  	v7 =	vor.u32 v2, v7  }
.Ltmp4:
0x157: {  	(pc) =	sbr.rel @p0 .LBB2_6-.Ltmp4, $3  }
0x158: {  	_ =	sdelay $0x1  }
0x159: {  	[tilespmem:v6+s19+$0x0] =	vst.idx.msk $0xffff, v5  }
0x15a: {  	s25 =	sadd.s32 $0x4, s25;
	v5 =	vadd.s32 s24, v0;
	v6 =	vld.idx.msk [tilespmem:v7+s10+$0x0], $0xffff  }
0x15b: {  	v7 =	vand.u32 $0x7F, v5;
	v4 =	vor.u32 v3, v4  }
0x15c: {  	v8 =	vor.u32 v1, v7;
	_ =	sdelay $0x2  }
0x15d: {  	v5 =	vshll.u32 v5, $0x4  }
0x15e: {  	[tilespmem:v4+s19+$0x0] =	vst.idx.msk $0xffff, v6;
	v4 =	vand.u32 $0x7F0, v5  }
0x15f: {  	v5 =	vld.idx.msk [tilespmem:v8+s10+$0x0], $0xffff;
	v6 =	vor.u32 v0, v4  }
0x160: {  	v7 =	vor.u32 v2, v7;
	_ =	sdelay $0x2  }
0x161: {  	s5 =	sadd.s32 $0x1, s24  }
0x162: {  	[tilespmem:v6+s19+$0x0] =	vst.idx.msk $0xffff, v5;
	v5 =	vadd.s32 s5, v0  }
0x163: {  	v4 =	vor.u32 v3, v4;
	v6 =	vld.idx.msk [tilespmem:v7+s10+$0x0], $0xffff;
	v7 =	vand.u32 $0x7F, v5  }
0x164: {  	v8 =	vor.u32 v1, v7;
	_ =	sdelay $0x2  }
0x165: {  	v5 =	vshll.u32 v5, $0x4  }
0x166: {  	[tilespmem:v4+s19+$0x0] =	vst.idx.msk $0xffff, v6;
	v4 =	vand.u32 $0x7F0, v5  }
0x167: {  	v5 =	vld.idx.msk [tilespmem:v8+s10+$0x0], $0xffff;
	v6 =	vor.u32 v0, v4  }
0x168: {  	v7 =	vor.u32 v2, v7;
	_ =	sdelay $0x2  }
0x169: {  	s25 =	sadd.s32 $0x2, s24  }
0x16a: {  	[tilespmem:v6+s19+$0x0] =	vst.idx.msk $0xffff, v5;
	v5 =	vadd.s32 s25, v0  }
0x16b: {  	v4 =	vor.u32 v3, v4;
	v6 =	vld.idx.msk [tilespmem:v7+s10+$0x0], $0xffff;
	v7 =	vand.u32 $0x7F, v5  }
0x16c: {  	v8 =	vor.u32 v1, v7;
	_ =	sdelay $0x2  }
0x16d: {  	v5 =	vshll.u32 v5, $0x4  }
0x16e: {  	[tilespmem:v4+s19+$0x0] =	vst.idx.msk $0xffff, v6;
	v4 =	vand.u32 $0x7F0, v5  }
0x16f: {  	v5 =	vld.idx.msk [tilespmem:v8+s10+$0x0], $0xffff;
	v6 =	vor.u32 v0, v4  }
0x170: {  	v7 =	vor.u32 v2, v7;
	_ =	sdelay $0x2  }
0x171: {  	s26 =	sadd.s32 $0x3, s24  }
0x172: {  	[tilespmem:v6+s19+$0x0] =	vst.idx.msk $0xffff, v5;
	v5 =	vadd.s32 s26, v0  }
0x173: {  	v4 =	vor.u32 v3, v4;
	v6 =	vld.idx.msk [tilespmem:v7+s10+$0x0], $0xffff;
	v7 =	vand.u32 $0x7F, v5  }
0x174: {  	v8 =	vor.u32 v1, v7;
	_ =	sdelay $0x2  }
0x175: {  	v5 =	vshll.u32 v5, $0x4  }
0x176: {  	[tilespmem:v4+s19+$0x0] =	vst.idx.msk $0xffff, v6;
	v4 =	vand.u32 $0x7F0, v5  }
0x177: {  	v5 =	vld.idx.msk [tilespmem:v8+s10+$0x0], $0xffff;
	v6 =	vor.u32 v0, v4  }
0x178: {  	v7 =	vor.u32 v2, v7;
	_ =	sdelay $0x3  }
0x179: {  	[tilespmem:v6+s19+$0x0] =	vst.idx.msk $0xffff, v5  }
0x17a: {  	v4 =	vor.u32 v3, v4;
	v5 =	vld.idx.msk [tilespmem:v7+s10+$0x0], $0xffff;
	_ =	sdelay $0x4  }
0x17b: {  	s28 =	simm.s32 $0x0;
	s13 =	rddreg [dreg:$0x11];
	[tilespmem:v4+s19+$0x0] =	vst.idx.msk $0xffff, v5  }
0x17c: {  	[hbm4b:s13+s28] =	stream.linear.scatter [tilespmem:s19], [sflag:$0x7], $0x1000, $0x38;
	[tilespmem:$0x8000] =	vst v63  }
0x17d: {  	s23 =	rddreg [dreg:$0x12]  }
0x17e: {  	[tilespmem:s10], [sflag:$0x3] =	stream.linear.gather [hbm4b:s23+s28], $0x800, $0x38;
	[tilespmem:$0x8000] =	vst v63  }
0x17f: {  	s24 =	rddreg [dreg:$0x13];
	s23 =	simm.s32 $0x2800  }
0x180: {  	v4 =	vadd.s32 s28, v0;
	[tilespmem:s23], [sflag:$0x3] =	stream.linear.gather [hbm4b:s24+s28], $0x800, $0x38;
	[tilespmem:$0x8000] =	vst v63  }
0x181: {  	v5 =	vand.u32 $0x7F, v4;
	_ =	swait.ge [sflag:s2], $0x800  }
0x182: {  	v6 =	vor.u32 v1, v5;
	[sflag:s2] =	ssyncset.done $0x0  }
0x183: {  	[sflag:s2] =	ssyncadd.s32 $0xFFFFF800  }
0x184: {  	_ =	swait.ge [sflag:s2], $0x800  }
0x185: {  	v4 =	vshll.u32 v4, $0x4;
	[sflag:s2] =	ssyncset.done $0x0  }
0x186: {  	v4 =	vand.u32 $0x7F0, v4;
	[sflag:s2] =	ssyncadd.s32 $0xFFFFF800  }
0x187: {  	v7 =	vor.u32 v0, v4;
	v6 =	vld.idx.msk [tilespmem:v6+s12+$0x0], $0xffff  }
0x188: {  	v5 =	vor.u32 v2, v5;
	_ =	sdelay $0x2  }
0x189: {  	s25 =	simm.s32 $0x1  }
0x18a: {  	[tilespmem:v7+s20+$0x0] =	vst.idx.msk $0xffff, v6;
	v6 =	vadd.s32 s25, v0  }
0x18b: {  	v4 =	vor.u32 v3, v4;
	v5 =	vld.idx.msk [tilespmem:v5+s12+$0x0], $0xffff;
	v7 =	vand.u32 $0x7F, v6  }
0x18c: {  	v8 =	vor.u32 v1, v7;
	_ =	sdelay $0x2  }
0x18d: {  	v6 =	vshll.u32 v6, $0x4  }
0x18e: {  	[tilespmem:v4+s20+$0x0] =	vst.idx.msk $0xffff, v5;
	v4 =	vand.u32 $0x7F0, v6  }
0x18f: {  	v5 =	vld.idx.msk [tilespmem:v8+s12+$0x0], $0xffff;
	v6 =	vor.u32 v0, v4  }
0x190: {  	v7 =	vor.u32 v2, v7;
	_ =	sdelay $0x2  }
0x191: {  	s26 =	simm.s32 $0x2  }
0x192: {  	[tilespmem:v6+s20+$0x0] =	vst.idx.msk $0xffff, v5;
	v5 =	vadd.s32 s26, v0  }
0x193: {  	v4 =	vor.u32 v3, v4;
	v6 =	vld.idx.msk [tilespmem:v7+s12+$0x0], $0xffff;
	v7 =	vand.u32 $0x7F, v5  }
0x194: {  	v8 =	vor.u32 v1, v7;
	_ =	sdelay $0x2  }
0x195: {  	v5 =	vshll.u32 v5, $0x4  }
0x196: {  	[tilespmem:v4+s20+$0x0] =	vst.idx.msk $0xffff, v6;
	v4 =	vand.u32 $0x7F0, v5  }
0x197: {  	v5 =	vld.idx.msk [tilespmem:v8+s12+$0x0], $0xffff;
	v6 =	vor.u32 v0, v4  }
0x198: {  	v7 =	vor.u32 v2, v7;
	_ =	sdelay $0x2  }
0x199: {  	s28 =	simm.s32 $0x3  }
0x19a: {  	[tilespmem:v6+s20+$0x0] =	vst.idx.msk $0xffff, v5;
	v5 =	vadd.s32 s28, v0  }
0x19b: {  	v4 =	vor.u32 v3, v4;
	v6 =	vld.idx.msk [tilespmem:v7+s12+$0x0], $0xffff;
	v7 =	vand.u32 $0x7F, v5  }
0x19c: {  	v8 =	vor.u32 v1, v7;
	_ =	sdelay $0x2  }
0x19d: {  	v5 =	vshll.u32 v5, $0x4  }
0x19e: {  	[tilespmem:v4+s20+$0x0] =	vst.idx.msk $0xffff, v6;
	v4 =	vand.u32 $0x7F0, v5  }
0x19f: {  	v5 =	vld.idx.msk [tilespmem:v8+s12+$0x0], $0xffff;
	v6 =	vor.u32 v0, v4  }
0x1a0: {  	v7 =	vor.u32 v2, v7;
	_ =	sdelay $0x3  }
0x1a1: {  	s24 =	simm.s32 $0x4;
	[tilespmem:v6+s20+$0x0] =	vst.idx.msk $0xffff, v5  }
0x1a2: {  	s25 =	simm.s32 $0x8;
	v5 =	vadd.s32 s24, v0;
	v6 =	vld.idx.msk [tilespmem:v7+s12+$0x0], $0xffff  }
.LBB2_8:
0x1a3: {  	p0 =	sne.s32 s25, $0x7C;
	v7 =	vand.u32 $0x7F, v5;
	v4 =	vor.u32 v3, v4  }
0x1a4: {  	v8 =	vor.u32 v1, v7;
	_ =	sdelay $0x3  }
0x1a5: {  	v5 =	vshll.u32 v5, $0x4;
	[tilespmem:v4+s20+$0x0] =	vst.idx.msk $0xffff, v6  }
0x1a6: {  	v5 =	vand.u32 $0x7F0, v5;
	v4 =	vld.idx.msk [tilespmem:v8+s12+$0x0], $0xffff  }
0x1a7: {  	v6 =	vor.u32 v0, v5  }
0x1a8: {  	v7 =	vor.u32 v2, v7;
	_ =	sdelay $0x3  }
0x1a9: {  	s5 =	sadd.s32 $0x1, s24;
	[tilespmem:v6+s20+$0x0] =	vst.idx.msk $0xffff, v4  }
0x1aa: {  	v6 =	vadd.s32 s5, v0;
	v4 =	vld.idx.msk [tilespmem:v7+s12+$0x0], $0xffff  }
0x1ab: {  	v5 =	vor.u32 v3, v5;
	v7 =	vand.u32 $0x7F, v6  }
0x1ac: {  	v8 =	vor.u32 v1, v7;
	_ =	sdelay $0x3  }
0x1ad: {  	[tilespmem:v5+s20+$0x0] =	vst.idx.msk $0xffff, v4;
	v4 =	vshll.u32 v6, $0x4  }
0x1ae: {  	v5 =	vld.idx.msk [tilespmem:v8+s12+$0x0], $0xffff;
	v4 =	vand.u32 $0x7F0, v4  }
0x1af: {  	v6 =	vor.u32 v0, v4  }
0x1b0: {  	v7 =	vor.u32 v2, v7;
	_ =	sdelay $0x3  }
0x1b1: {  	s5 =	sadd.s32 $0x2, s24;
	[tilespmem:v6+s20+$0x0] =	vst.idx.msk $0xffff, v5  }
0x1b2: {  	v6 =	vadd.s32 s5, v0;
	v5 =	vld.idx.msk [tilespmem:v7+s12+$0x0], $0xffff  }
0x1b3: {  	v4 =	vor.u32 v3, v4;
	v7 =	vand.u32 $0x7F, v6  }
0x1b4: {  	v8 =	vor.u32 v1, v7;
	_ =	sdelay $0x3  }
0x1b5: {  	[tilespmem:v4+s20+$0x0] =	vst.idx.msk $0xffff, v5;
	v4 =	vshll.u32 v6, $0x4  }
0x1b6: {  	v5 =	vld.idx.msk [tilespmem:v8+s12+$0x0], $0xffff;
	v4 =	vand.u32 $0x7F0, v4  }
0x1b7: {  	v6 =	vor.u32 v0, v4  }
0x1b8: {  	v7 =	vor.u32 v2, v7;
	_ =	sdelay $0x3  }
0x1b9: {  	s5 =	sadd.s32 $0x3, s24;
	s24 =	smov.u32 s25;
	[tilespmem:v6+s20+$0x0] =	vst.idx.msk $0xffff, v5  }
0x1ba: {  	v6 =	vadd.s32 s5, v0;
	v5 =	vld.idx.msk [tilespmem:v7+s12+$0x0], $0xffff  }
0x1bb: {  	v4 =	vor.u32 v3, v4;
	v7 =	vand.u32 $0x7F, v6  }
0x1bc: {  	v8 =	vor.u32 v1, v7;
	_ =	sdelay $0x3  }
0x1bd: {  	[tilespmem:v4+s20+$0x0] =	vst.idx.msk $0xffff, v5;
	v4 =	vshll.u32 v6, $0x4  }
0x1be: {  	v5 =	vld.idx.msk [tilespmem:v8+s12+$0x0], $0xffff;
	v4 =	vand.u32 $0x7F0, v4  }
0x1bf: {  	v6 =	vor.u32 v0, v4  }
0x1c0: {  	v7 =	vor.u32 v2, v7  }
.Ltmp5:
0x1c1: {  	(pc) =	sbr.rel @p0 .LBB2_8-.Ltmp5, $3  }
0x1c2: {  	_ =	sdelay $0x1  }
0x1c3: {  	[tilespmem:v6+s20+$0x0] =	vst.idx.msk $0xffff, v5  }
0x1c4: {  	s25 =	sadd.s32 $0x4, s25;
	v5 =	vadd.s32 s24, v0;
	v6 =	vld.idx.msk [tilespmem:v7+s12+$0x0], $0xffff  }
0x1c5: {  	v7 =	vand.u32 $0x7F, v5;
	v4 =	vor.u32 v3, v4  }
0x1c6: {  	v8 =	vor.u32 v1, v7;
	_ =	sdelay $0x2  }
0x1c7: {  	v5 =	vshll.u32 v5, $0x4  }
0x1c8: {  	[tilespmem:v4+s20+$0x0] =	vst.idx.msk $0xffff, v6;
	v4 =	vand.u32 $0x7F0, v5  }
0x1c9: {  	v5 =	vld.idx.msk [tilespmem:v8+s12+$0x0], $0xffff;
	v54 =	vor.u32 v0, v4  }
0x1ca: {  	v7 =	vor.u32 v2, v7;
	_ =	sdelay $0x2  }
0x1cb: {  	s5 =	sadd.s32 $0x1, s24  }
0x1cc: {  	[tilespmem:v54+s20+$0x0] =	vst.idx.msk $0xffff, v5;
	v5 =	vadd.s32 s5, v0  }
0x1cd: {  	v4 =	vor.u32 v3, v4;
	v6 =	vld.idx.msk [tilespmem:v7+s12+$0x0], $0xffff;
	v55 =	vand.u32 $0x7F, v5  }
0x1ce: {  	v56 =	vor.u32 v1, v55;
	_ =	sdelay $0x2  }
0x1cf: {  	v5 =	vshll.u32 v5, $0x4  }
0x1d0: {  	[tilespmem:v4+s20+$0x0] =	vst.idx.msk $0xffff, v6;
	v4 =	vand.u32 $0x7F0, v5  }
0x1d1: {  	v5 =	vld.idx.msk [tilespmem:v56+s12+$0x0], $0xffff;
	v57 =	vor.u32 v0, v4  }
0x1d2: {  	v7 =	vor.u32 v2, v55;
	_ =	sdelay $0x2  }
0x1d3: {  	s23 =	sadd.s32 $0x2, s24  }
0x1d4: {  	[tilespmem:v57+s20+$0x0] =	vst.idx.msk $0xffff, v5;
	v5 =	vadd.s32 s23, v0  }
0x1d5: {  	v4 =	vor.u32 v3, v4;
	v6 =	vld.idx.msk [tilespmem:v7+s12+$0x0], $0xffff;
	v58 =	vand.u32 $0x7F, v5  }
0x1d6: {  	v59 =	vor.u32 v1, v58;
	_ =	sdelay $0x2  }
0x1d7: {  	v5 =	vshll.u32 v5, $0x4  }
0x1d8: {  	[tilespmem:v4+s20+$0x0] =	vst.idx.msk $0xffff, v6;
	v4 =	vand.u32 $0x7F0, v5  }
0x1d9: {  	v5 =	vld.idx.msk [tilespmem:v59+s12+$0x0], $0xffff;
	v60 =	vor.u32 v0, v4  }
0x1da: {  	v7 =	vor.u32 v2, v58;
	_ =	sdelay $0x2  }
0x1db: {  	s24 =	sadd.s32 $0x3, s24  }
0x1dc: {  	[tilespmem:v60+s20+$0x0] =	vst.idx.msk $0xffff, v5;
	v5 =	vadd.s32 s24, v0  }
0x1dd: {  	v4 =	vor.u32 v3, v4;
	v6 =	vld.idx.msk [tilespmem:v7+s12+$0x0], $0xffff;
	v61 =	vand.u32 $0x7F, v5  }
0x1de: {  	v62 =	vor.u32 v1, v61;
	_ =	sdelay $0x2  }
0x1df: {  	v5 =	vshll.u32 v5, $0x4  }
0x1e0: {  	[tilespmem:v4+s20+$0x0] =	vst.idx.msk $0xffff, v6;
	v4 =	vand.u32 $0x7F0, v5  }
0x1e1: {  	v5 =	vld.idx.msk [tilespmem:v62+s12+$0x0], $0xffff;
	v63 =	vor.u32 v0, v4  }
0x1e2: {  	v7 =	vor.u32 v2, v61;
	_ =	sdelay $0x3  }
0x1e3: {  	[tilespmem:v63+s20+$0x0] =	vst.idx.msk $0xffff, v5  }
0x1e4: {  	v4 =	vor.u32 v3, v4;
	v5 =	vld.idx.msk [tilespmem:v7+s12+$0x0], $0xffff;
	_ =	sdelay $0x4  }
0x1e5: {  	s25 =	rddreg [dreg:$0x14];
	[tilespmem:v4+s20+$0x0] =	vst.idx.msk $0xffff, v5  }
0x1e6: {  	[hbm4b:s25+s4] =	stream.linear.scatter [tilespmem:s20], [sflag:$0x8], $0x1000, $0x38;
	[tilespmem:$0x8000] =	vst v63  }
0x1e7: {  	s26 =	rddreg [dreg:$0x16]  }
0x1e8: {  	[tilespmem:s12], [sflag:$0x4] =	stream.linear.gather [hbm4b:s26+s4], $0x800, $0x38;
	[tilespmem:$0x8000] =	vst v63  }
0x1e9: {  	s28 =	rddreg [dreg:$0x17];
	s13 =	simm.s32 $0x3800;
	s24 =	simm.s32 $0x1  }
0x1ea: {  	[tilespmem:s13], [sflag:$0x4] =	stream.linear.gather [hbm4b:s28+s4], $0x800, $0x38;
	[tilespmem:$0x8000] =	vst v63  }
.LBB2_10:
0x1eb: {  	_ =	swait.ge [sflag:s14], $0x800  }
0x1ec: {  	s5 =	simm.s32 $0x0;
	[sflag:s14] =	ssyncset.done $0x0  }
0x1ed: {  	v4 =	vadd.s32 s5, v0;
	[sflag:s14] =	ssyncadd.s32 $0xFFFFF800  }
0x1ee: {  	v5 =	vand.u32 $0x7F, v4;
	_ =	swait.ge [sflag:s14], $0x800  }
0x1ef: {  	v6 =	vor.u32 v1, v5;
	[sflag:s14] =	ssyncset.done $0x0  }
0x1f0: {  	[sflag:s14] =	ssyncadd.s32 $0xFFFFF800  }
0x1f1: {  	_ =	swait.ge [sflag:s21], $0x1000  }
0x1f2: {  	v4 =	vshll.u32 v4, $0x4;
	[sflag:s21] =	ssyncset.done $0x0  }
0x1f3: {  	v4 =	vand.u32 $0x7F0, v4;
	[sflag:s21] =	ssyncadd.s32 $0xFFFFF000  }
0x1f4: {  	v7 =	vor.u32 v0, v4;
	v6 =	vld.idx.msk [tilespmem:v6+s4+$0x0], $0xffff  }
0x1f5: {  	v5 =	vor.u32 v2, v5;
	_ =	sdelay $0x2  }
0x1f6: {  	s25 =	simm.s32 $0x1  }
0x1f7: {  	[tilespmem:v7+s15+$0x0] =	vst.idx.msk $0xffff, v6;
	v6 =	vadd.s32 s25, v0  }
0x1f8: {  	v4 =	vor.u32 v3, v4;
	v5 =	vld.idx.msk [tilespmem:v5+s4+$0x0], $0xffff;
	v7 =	vand.u32 $0x7F, v6  }
0x1f9: {  	v8 =	vor.u32 v1, v7;
	_ =	sdelay $0x2  }
0x1fa: {  	v6 =	vshll.u32 v6, $0x4  }
0x1fb: {  	[tilespmem:v4+s15+$0x0] =	vst.idx.msk $0xffff, v5;
	v4 =	vand.u32 $0x7F0, v6  }
0x1fc: {  	v5 =	vld.idx.msk [tilespmem:v8+s4+$0x0], $0xffff;
	v6 =	vor.u32 v0, v4  }
0x1fd: {  	v7 =	vor.u32 v2, v7;
	_ =	sdelay $0x2  }
0x1fe: {  	s26 =	simm.s32 $0x2  }
0x1ff: {  	[tilespmem:v6+s15+$0x0] =	vst.idx.msk $0xffff, v5;
	v5 =	vadd.s32 s26, v0  }
0x200: {  	v4 =	vor.u32 v3, v4;
	v6 =	vld.idx.msk [tilespmem:v7+s4+$0x0], $0xffff;
	v7 =	vand.u32 $0x7F, v5  }
0x201: {  	v8 =	vor.u32 v1, v7;
	_ =	sdelay $0x2  }
0x202: {  	v5 =	vshll.u32 v5, $0x4  }
0x203: {  	[tilespmem:v4+s15+$0x0] =	vst.idx.msk $0xffff, v6;
	v4 =	vand.u32 $0x7F0, v5  }
0x204: {  	v5 =	vld.idx.msk [tilespmem:v8+s4+$0x0], $0xffff;
	v6 =	vor.u32 v0, v4  }
0x205: {  	v7 =	vor.u32 v2, v7;
	_ =	sdelay $0x2  }
0x206: {  	s28 =	simm.s32 $0x3  }
0x207: {  	[tilespmem:v6+s15+$0x0] =	vst.idx.msk $0xffff, v5;
	v5 =	vadd.s32 s28, v0  }
0x208: {  	v4 =	vor.u32 v3, v4;
	v6 =	vld.idx.msk [tilespmem:v7+s4+$0x0], $0xffff;
	v7 =	vand.u32 $0x7F, v5  }
0x209: {  	v8 =	vor.u32 v1, v7;
	_ =	sdelay $0x2  }
0x20a: {  	v5 =	vshll.u32 v5, $0x4  }
0x20b: {  	[tilespmem:v4+s15+$0x0] =	vst.idx.msk $0xffff, v6;
	v4 =	vand.u32 $0x7F0, v5  }
0x20c: {  	v5 =	vld.idx.msk [tilespmem:v8+s4+$0x0], $0xffff;
	v6 =	vor.u32 v0, v4  }
0x20d: {  	v7 =	vor.u32 v2, v7;
	_ =	sdelay $0x3  }
0x20e: {  	s25 =	simm.s32 $0x4;
	[tilespmem:v6+s15+$0x0] =	vst.idx.msk $0xffff, v5  }
0x20f: {  	s26 =	simm.s32 $0x8;
	v5 =	vadd.s32 s25, v0;
	v6 =	vld.idx.msk [tilespmem:v7+s4+$0x0], $0xffff  }
.LBB2_11:
0x210: {  	p0 =	sne.s32 s26, $0x7C;
	v7 =	vand.u32 $0x7F, v5;
	v4 =	vor.u32 v3, v4  }
0x211: {  	v8 =	vor.u32 v1, v7;
	_ =	sdelay $0x3  }
0x212: {  	v5 =	vshll.u32 v5, $0x4;
	[tilespmem:v4+s15+$0x0] =	vst.idx.msk $0xffff, v6  }
0x213: {  	v5 =	vand.u32 $0x7F0, v5;
	v4 =	vld.idx.msk [tilespmem:v8+s4+$0x0], $0xffff  }
0x214: {  	v6 =	vor.u32 v0, v5  }
0x215: {  	v7 =	vor.u32 v2, v7;
	_ =	sdelay $0x3  }
0x216: {  	s5 =	sadd.s32 $0x1, s25;
	[tilespmem:v6+s15+$0x0] =	vst.idx.msk $0xffff, v4  }
0x217: {  	v6 =	vadd.s32 s5, v0;
	v4 =	vld.idx.msk [tilespmem:v7+s4+$0x0], $0xffff  }
0x218: {  	v5 =	vor.u32 v3, v5;
	v7 =	vand.u32 $0x7F, v6  }
0x219: {  	v8 =	vor.u32 v1, v7;
	_ =	sdelay $0x3  }
0x21a: {  	[tilespmem:v5+s15+$0x0] =	vst.idx.msk $0xffff, v4;
	v4 =	vshll.u32 v6, $0x4  }
0x21b: {  	v5 =	vld.idx.msk [tilespmem:v8+s4+$0x0], $0xffff;
	v4 =	vand.u32 $0x7F0, v4  }
0x21c: {  	v6 =	vor.u32 v0, v4  }
0x21d: {  	v7 =	vor.u32 v2, v7;
	_ =	sdelay $0x3  }
0x21e: {  	s5 =	sadd.s32 $0x2, s25;
	[tilespmem:v6+s15+$0x0] =	vst.idx.msk $0xffff, v5  }
0x21f: {  	v6 =	vadd.s32 s5, v0;
	v5 =	vld.idx.msk [tilespmem:v7+s4+$0x0], $0xffff  }
0x220: {  	v4 =	vor.u32 v3, v4;
	v7 =	vand.u32 $0x7F, v6  }
0x221: {  	v8 =	vor.u32 v1, v7;
	_ =	sdelay $0x3  }
0x222: {  	[tilespmem:v4+s15+$0x0] =	vst.idx.msk $0xffff, v5;
	v4 =	vshll.u32 v6, $0x4  }
0x223: {  	v5 =	vld.idx.msk [tilespmem:v8+s4+$0x0], $0xffff;
	v4 =	vand.u32 $0x7F0, v4  }
0x224: {  	v6 =	vor.u32 v0, v4  }
0x225: {  	v7 =	vor.u32 v2, v7;
	_ =	sdelay $0x3  }
0x226: {  	s5 =	sadd.s32 $0x3, s25;
	s25 =	smov.u32 s26;
	[tilespmem:v6+s15+$0x0] =	vst.idx.msk $0xffff, v5  }
0x227: {  	v6 =	vadd.s32 s5, v0;
	v5 =	vld.idx.msk [tilespmem:v7+s4+$0x0], $0xffff  }
0x228: {  	v4 =	vor.u32 v3, v4;
	v7 =	vand.u32 $0x7F, v6  }
0x229: {  	v8 =	vor.u32 v1, v7;
	_ =	sdelay $0x3  }
0x22a: {  	[tilespmem:v4+s15+$0x0] =	vst.idx.msk $0xffff, v5;
	v4 =	vshll.u32 v6, $0x4  }
0x22b: {  	v5 =	vld.idx.msk [tilespmem:v8+s4+$0x0], $0xffff;
	v4 =	vand.u32 $0x7F0, v4  }
0x22c: {  	v6 =	vor.u32 v0, v4  }
0x22d: {  	v7 =	vor.u32 v2, v7  }
.Ltmp6:
0x22e: {  	(pc) =	sbr.rel @p0 .LBB2_11-.Ltmp6, $3  }
0x22f: {  	_ =	sdelay $0x1  }
0x230: {  	[tilespmem:v6+s15+$0x0] =	vst.idx.msk $0xffff, v5  }
0x231: {  	s26 =	sadd.s32 $0x4, s26;
	v5 =	vadd.s32 s25, v0;
	v6 =	vld.idx.msk [tilespmem:v7+s4+$0x0], $0xffff  }
0x232: {  	v7 =	vand.u32 $0x7F, v5;
	v4 =	vor.u32 v3, v4  }
0x233: {  	v8 =	vor.u32 v1, v7;
	_ =	sdelay $0x2  }
0x234: {  	v5 =	vshll.u32 v5, $0x4  }
0x235: {  	[tilespmem:v4+s15+$0x0] =	vst.idx.msk $0xffff, v6;
	v4 =	vand.u32 $0x7F0, v5  }
0x236: {  	v5 =	vld.idx.msk [tilespmem:v8+s4+$0x0], $0xffff;
	v6 =	vor.u32 v0, v4  }
0x237: {  	v7 =	vor.u32 v2, v7;
	_ =	sdelay $0x2  }
0x238: {  	s5 =	sadd.s32 $0x1, s25  }
0x239: {  	[tilespmem:v6+s15+$0x0] =	vst.idx.msk $0xffff, v5;
	v5 =	vadd.s32 s5, v0  }
0x23a: {  	v4 =	vor.u32 v3, v4;
	v6 =	vld.idx.msk [tilespmem:v7+s4+$0x0], $0xffff;
	v7 =	vand.u32 $0x7F, v5  }
0x23b: {  	v8 =	vor.u32 v1, v7;
	_ =	sdelay $0x2  }
0x23c: {  	v5 =	vshll.u32 v5, $0x4  }
0x23d: {  	[tilespmem:v4+s15+$0x0] =	vst.idx.msk $0xffff, v6;
	v4 =	vand.u32 $0x7F0, v5  }
0x23e: {  	v5 =	vld.idx.msk [tilespmem:v8+s4+$0x0], $0xffff;
	v6 =	vor.u32 v0, v4  }
0x23f: {  	v7 =	vor.u32 v2, v7;
	_ =	sdelay $0x2  }
0x240: {  	s26 =	sadd.s32 $0x2, s25  }
0x241: {  	[tilespmem:v6+s15+$0x0] =	vst.idx.msk $0xffff, v5;
	v5 =	vadd.s32 s26, v0  }
0x242: {  	v4 =	vor.u32 v3, v4;
	v6 =	vld.idx.msk [tilespmem:v7+s4+$0x0], $0xffff;
	v7 =	vand.u32 $0x7F, v5  }
0x243: {  	v8 =	vor.u32 v1, v7;
	_ =	sdelay $0x2  }
0x244: {  	v5 =	vshll.u32 v5, $0x4  }
0x245: {  	[tilespmem:v4+s15+$0x0] =	vst.idx.msk $0xffff, v6;
	v4 =	vand.u32 $0x7F0, v5  }
0x246: {  	v5 =	vld.idx.msk [tilespmem:v8+s4+$0x0], $0xffff;
	v6 =	vor.u32 v0, v4  }
0x247: {  	v7 =	vor.u32 v2, v7;
	_ =	sdelay $0x2  }
0x248: {  	s13 =	sadd.s32 $0x3, s25  }
0x249: {  	[tilespmem:v6+s15+$0x0] =	vst.idx.msk $0xffff, v5;
	v5 =	vadd.s32 s13, v0  }
0x24a: {  	v4 =	vor.u32 v3, v4;
	v6 =	vld.idx.msk [tilespmem:v7+s4+$0x0], $0xffff;
	v7 =	vand.u32 $0x7F, v5  }
0x24b: {  	v8 =	vor.u32 v1, v7;
	_ =	sdelay $0x2  }
0x24c: {  	v5 =	vshll.u32 v5, $0x4  }
0x24d: {  	[tilespmem:v4+s15+$0x0] =	vst.idx.msk $0xffff, v6;
	v4 =	vand.u32 $0x7F0, v5  }
0x24e: {  	v5 =	vld.idx.msk [tilespmem:v8+s4+$0x0], $0xffff;
	v6 =	vor.u32 v0, v4  }
0x24f: {  	v7 =	vor.u32 v2, v7;
	_ =	sdelay $0x3  }
0x250: {  	[tilespmem:v6+s15+$0x0] =	vst.idx.msk $0xffff, v5  }
0x251: {  	s25 =	sshll.u32 s24, $0x2;
	v4 =	vor.u32 v3, v4;
	v5 =	vld.idx.msk [tilespmem:v7+s4+$0x0], $0xffff  }
0x252: {  	s23 =	sadd.s32 s8, s25  }
0x253: {  	s5 =	sshll.u32 s23, $0x1  }
0x254: {  	s5 =	smin.u32 s5, $0x1FBB  }
0x255: {  	s5 =	sshll.u32 s5, $0x8  }
0x256: {  	p0 =	seq.s32 s24, $0x1F;
	s5 =	sadd.s32 s3, s5;
	[tilespmem:v4+s15+$0x0] =	vst.idx.msk $0xffff, v5  }
0x257: {  	[hbm4b:s5+s4] =	stream.linear.scatter [tilespmem:s15], [sflag:$0x5], $0x1000, $0x38;
	[tilespmem:$0x8000] =	vst v63  }
0x258: {  	s5 =	sadd.s32 @!p0 s25, s29  }
0x259: {  	s5 =	sshll.u32 @!p0 s5, $0x1  }
0x25a: {  	s5 =	smin.u32 @!p0 s5, $0x1FBB  }
0x25b: {  	s5 =	sshll.u32 @!p0 s5, $0x7  }
0x25c: {  	s28 =	simm.s32 @!p0 $0x0;
	s26 =	sadd.s32 @!p0 s1, s5  }
0x25d: {  	[tilespmem:s28], [sflag:$0x1] =	stream.linear.gather @!p0 [hbm4b:s26+s28], $0x800, $0x38;
	[tilespmem:$0x8000] =	vst v63  }
0x25e: {  	s5 =	sadd.s32 @!p0 s5, s6;
	s26 =	simm.s32 @!p0 $0x800  }
0x25f: {  	[tilespmem:s26], [sflag:$0x1] =	stream.linear.gather @!p0 [hbm4b:s5+s28], $0x800, $0x38;
	[tilespmem:$0x8000] =	vst v63  }
0x260: {  	_ =	swait.ge [sflag:s16], $0x800  }
0x261: {  	s26 =	simm.s32 $0x0;
	[sflag:s16] =	ssyncset.done $0x0  }
0x262: {  	v4 =	vadd.s32 s26, v0;
	[sflag:s16] =	ssyncadd.s32 $0xFFFFF800  }
0x263: {  	v5 =	vand.u32 $0x7F, v4;
	_ =	swait.ge [sflag:s16], $0x800  }
0x264: {  	v6 =	vor.u32 v1, v5;
	[sflag:s16] =	ssyncset.done $0x0  }
0x265: {  	[sflag:s16] =	ssyncadd.s32 $0xFFFFF800  }
0x266: {  	_ =	swait.ge [sflag:s9], $0x1000  }
0x267: {  	v4 =	vshll.u32 v4, $0x4;
	[sflag:s9] =	ssyncset.done $0x0  }
0x268: {  	v4 =	vand.u32 $0x7F0, v4;
	[sflag:s9] =	ssyncadd.s32 $0xFFFFF000  }
0x269: {  	v7 =	vor.u32 v0, v4;
	v6 =	vld.idx.msk [tilespmem:v6+s7+$0x0], $0xffff  }
0x26a: {  	v5 =	vor.u32 v2, v5;
	_ =	sdelay $0x2  }
0x26b: {  	s13 =	simm.s32 $0x1  }
0x26c: {  	[tilespmem:v7+s17+$0x0] =	vst.idx.msk $0xffff, v6;
	v6 =	vadd.s32 s13, v0  }
0x26d: {  	v4 =	vor.u32 v3, v4;
	v5 =	vld.idx.msk [tilespmem:v5+s7+$0x0], $0xffff;
	v7 =	vand.u32 $0x7F, v6  }
0x26e: {  	v8 =	vor.u32 v1, v7;
	_ =	sdelay $0x2  }
0x26f: {  	v6 =	vshll.u32 v6, $0x4  }
0x270: {  	[tilespmem:v4+s17+$0x0] =	vst.idx.msk $0xffff, v5;
	v4 =	vand.u32 $0x7F0, v6  }
0x271: {  	v5 =	vld.idx.msk [tilespmem:v8+s7+$0x0], $0xffff;
	v6 =	vor.u32 v0, v4  }
0x272: {  	v7 =	vor.u32 v2, v7;
	_ =	sdelay $0x2  }
0x273: {  	s23 =	simm.s32 $0x2  }
0x274: {  	[tilespmem:v6+s17+$0x0] =	vst.idx.msk $0xffff, v5;
	v5 =	vadd.s32 s23, v0  }
0x275: {  	v4 =	vor.u32 v3, v4;
	v6 =	vld.idx.msk [tilespmem:v7+s7+$0x0], $0xffff;
	v7 =	vand.u32 $0x7F, v5  }
0x276: {  	v8 =	vor.u32 v1, v7;
	_ =	sdelay $0x2  }
0x277: {  	v5 =	vshll.u32 v5, $0x4  }
0x278: {  	[tilespmem:v4+s17+$0x0] =	vst.idx.msk $0xffff, v6;
	v4 =	vand.u32 $0x7F0, v5  }
0x279: {  	v5 =	vld.idx.msk [tilespmem:v8+s7+$0x0], $0xffff;
	v6 =	vor.u32 v0, v4  }
0x27a: {  	v7 =	vor.u32 v2, v7;
	_ =	sdelay $0x2  }
0x27b: {  	s26 =	simm.s32 $0x3  }
0x27c: {  	[tilespmem:v6+s17+$0x0] =	vst.idx.msk $0xffff, v5;
	v5 =	vadd.s32 s26, v0  }
0x27d: {  	v4 =	vor.u32 v3, v4;
	v6 =	vld.idx.msk [tilespmem:v7+s7+$0x0], $0xffff;
	v7 =	vand.u32 $0x7F, v5  }
0x27e: {  	v8 =	vor.u32 v1, v7;
	_ =	sdelay $0x2  }
0x27f: {  	v5 =	vshll.u32 v5, $0x4  }
0x280: {  	[tilespmem:v4+s17+$0x0] =	vst.idx.msk $0xffff, v6;
	v4 =	vand.u32 $0x7F0, v5  }
0x281: {  	v5 =	vld.idx.msk [tilespmem:v8+s7+$0x0], $0xffff;
	v6 =	vor.u32 v0, v4  }
0x282: {  	v7 =	vor.u32 v2, v7;
	_ =	sdelay $0x3  }
0x283: {  	s26 =	simm.s32 $0x4;
	[tilespmem:v6+s17+$0x0] =	vst.idx.msk $0xffff, v5  }
0x284: {  	s28 =	simm.s32 $0x8;
	v5 =	vadd.s32 s26, v0;
	v6 =	vld.idx.msk [tilespmem:v7+s7+$0x0], $0xffff  }
.LBB2_13:
0x285: {  	p1 =	sne.s32 s28, $0x7C;
	v7 =	vand.u32 $0x7F, v5;
	v4 =	vor.u32 v3, v4  }
0x286: {  	v8 =	vor.u32 v1, v7;
	_ =	sdelay $0x3  }
0x287: {  	v5 =	vshll.u32 v5, $0x4;
	[tilespmem:v4+s17+$0x0] =	vst.idx.msk $0xffff, v6  }
0x288: {  	v5 =	vand.u32 $0x7F0, v5;
	v4 =	vld.idx.msk [tilespmem:v8+s7+$0x0], $0xffff  }
0x289: {  	v6 =	vor.u32 v0, v5  }
0x28a: {  	v7 =	vor.u32 v2, v7;
	_ =	sdelay $0x3  }
0x28b: {  	s5 =	sadd.s32 $0x1, s26;
	[tilespmem:v6+s17+$0x0] =	vst.idx.msk $0xffff, v4  }
0x28c: {  	v6 =	vadd.s32 s5, v0;
	v4 =	vld.idx.msk [tilespmem:v7+s7+$0x0], $0xffff  }
0x28d: {  	v5 =	vor.u32 v3, v5;
	v7 =	vand.u32 $0x7F, v6  }
0x28e: {  	v8 =	vor.u32 v1, v7;
	_ =	sdelay $0x3  }
0x28f: {  	[tilespmem:v5+s17+$0x0] =	vst.idx.msk $0xffff, v4;
	v4 =	vshll.u32 v6, $0x4  }
0x290: {  	v5 =	vld.idx.msk [tilespmem:v8+s7+$0x0], $0xffff;
	v4 =	vand.u32 $0x7F0, v4  }
0x291: {  	v6 =	vor.u32 v0, v4  }
0x292: {  	v7 =	vor.u32 v2, v7;
	_ =	sdelay $0x3  }
0x293: {  	s5 =	sadd.s32 $0x2, s26;
	[tilespmem:v6+s17+$0x0] =	vst.idx.msk $0xffff, v5  }
0x294: {  	v6 =	vadd.s32 s5, v0;
	v5 =	vld.idx.msk [tilespmem:v7+s7+$0x0], $0xffff  }
0x295: {  	v4 =	vor.u32 v3, v4;
	v7 =	vand.u32 $0x7F, v6  }
0x296: {  	v8 =	vor.u32 v1, v7;
	_ =	sdelay $0x3  }
0x297: {  	[tilespmem:v4+s17+$0x0] =	vst.idx.msk $0xffff, v5;
	v4 =	vshll.u32 v6, $0x4  }
0x298: {  	v5 =	vld.idx.msk [tilespmem:v8+s7+$0x0], $0xffff;
	v4 =	vand.u32 $0x7F0, v4  }
0x299: {  	v6 =	vor.u32 v0, v4  }
0x29a: {  	v7 =	vor.u32 v2, v7;
	_ =	sdelay $0x3  }
0x29b: {  	s5 =	sadd.s32 $0x3, s26;
	s26 =	smov.u32 s28;
	[tilespmem:v6+s17+$0x0] =	vst.idx.msk $0xffff, v5  }
0x29c: {  	v6 =	vadd.s32 s5, v0;
	v5 =	vld.idx.msk [tilespmem:v7+s7+$0x0], $0xffff  }
0x29d: {  	v4 =	vor.u32 v3, v4;
	v7 =	vand.u32 $0x7F, v6  }
0x29e: {  	v8 =	vor.u32 v1, v7;
	_ =	sdelay $0x3  }
0x29f: {  	[tilespmem:v4+s17+$0x0] =	vst.idx.msk $0xffff, v5;
	v4 =	vshll.u32 v6, $0x4  }
0x2a0: {  	v5 =	vld.idx.msk [tilespmem:v8+s7+$0x0], $0xffff;
	v4 =	vand.u32 $0x7F0, v4  }
0x2a1: {  	v6 =	vor.u32 v0, v4  }
0x2a2: {  	v7 =	vor.u32 v2, v7  }
.Ltmp7:
0x2a3: {  	(pc) =	sbr.rel @p1 .LBB2_13-.Ltmp7, $3  }
0x2a4: {  	_ =	sdelay $0x1  }
0x2a5: {  	[tilespmem:v6+s17+$0x0] =	vst.idx.msk $0xffff, v5  }
0x2a6: {  	s28 =	sadd.s32 $0x4, s28;
	v5 =	vadd.s32 s26, v0;
	v6 =	vld.idx.msk [tilespmem:v7+s7+$0x0], $0xffff  }
0x2a7: {  	v7 =	vand.u32 $0x7F, v5;
	v4 =	vor.u32 v3, v4  }
0x2a8: {  	v8 =	vor.u32 v1, v7;
	_ =	sdelay $0x2  }
0x2a9: {  	v5 =	vshll.u32 v5, $0x4  }
0x2aa: {  	[tilespmem:v4+s17+$0x0] =	vst.idx.msk $0xffff, v6;
	v4 =	vand.u32 $0x7F0, v5  }
0x2ab: {  	v5 =	vld.idx.msk [tilespmem:v8+s7+$0x0], $0xffff;
	v6 =	vor.u32 v0, v4  }
0x2ac: {  	v7 =	vor.u32 v2, v7;
	_ =	sdelay $0x2  }
0x2ad: {  	s5 =	sadd.s32 $0x1, s26  }
0x2ae: {  	[tilespmem:v6+s17+$0x0] =	vst.idx.msk $0xffff, v5;
	v5 =	vadd.s32 s5, v0  }
0x2af: {  	v4 =	vor.u32 v3, v4;
	v6 =	vld.idx.msk [tilespmem:v7+s7+$0x0], $0xffff;
	v7 =	vand.u32 $0x7F, v5  }
0x2b0: {  	v8 =	vor.u32 v1, v7;
	_ =	sdelay $0x2  }
0x2b1: {  	v5 =	vshll.u32 v5, $0x4  }
0x2b2: {  	[tilespmem:v4+s17+$0x0] =	vst.idx.msk $0xffff, v6;
	v4 =	vand.u32 $0x7F0, v5  }
0x2b3: {  	v5 =	vld.idx.msk [tilespmem:v8+s7+$0x0], $0xffff;
	v6 =	vor.u32 v0, v4  }
0x2b4: {  	v7 =	vor.u32 v2, v7;
	_ =	sdelay $0x2  }
0x2b5: {  	s13 =	sadd.s32 $0x2, s26  }
0x2b6: {  	[tilespmem:v6+s17+$0x0] =	vst.idx.msk $0xffff, v5;
	v5 =	vadd.s32 s13, v0  }
0x2b7: {  	v4 =	vor.u32 v3, v4;
	v6 =	vld.idx.msk [tilespmem:v7+s7+$0x0], $0xffff;
	v7 =	vand.u32 $0x7F, v5  }
0x2b8: {  	v8 =	vor.u32 v1, v7;
	_ =	sdelay $0x2  }
0x2b9: {  	v5 =	vshll.u32 v5, $0x4  }
0x2ba: {  	[tilespmem:v4+s17+$0x0] =	vst.idx.msk $0xffff, v6;
	v4 =	vand.u32 $0x7F0, v5  }
0x2bb: {  	v5 =	vld.idx.msk [tilespmem:v8+s7+$0x0], $0xffff;
	v6 =	vor.u32 v0, v4  }
0x2bc: {  	v7 =	vor.u32 v2, v7;
	_ =	sdelay $0x2  }
0x2bd: {  	s23 =	sadd.s32 $0x3, s26  }
0x2be: {  	[tilespmem:v6+s17+$0x0] =	vst.idx.msk $0xffff, v5;
	v5 =	vadd.s32 s23, v0  }
0x2bf: {  	v4 =	vor.u32 v3, v4;
	v6 =	vld.idx.msk [tilespmem:v7+s7+$0x0], $0xffff;
	v7 =	vand.u32 $0x7F, v5  }
0x2c0: {  	v8 =	vor.u32 v1, v7;
	_ =	sdelay $0x2  }
0x2c1: {  	v5 =	vshll.u32 v5, $0x4  }
0x2c2: {  	[tilespmem:v4+s17+$0x0] =	vst.idx.msk $0xffff, v6;
	v4 =	vand.u32 $0x7F0, v5  }
0x2c3: {  	v5 =	vld.idx.msk [tilespmem:v8+s7+$0x0], $0xffff;
	v6 =	vor.u32 v0, v4  }
0x2c4: {  	v7 =	vor.u32 v2, v7;
	_ =	sdelay $0x3  }
0x2c5: {  	[tilespmem:v6+s17+$0x0] =	vst.idx.msk $0xffff, v5  }
0x2c6: {  	s26 =	sadd.s32 s25, s8;
	v4 =	vor.u32 v3, v4;
	v5 =	vld.idx.msk [tilespmem:v7+s7+$0x0], $0xffff  }
0x2c7: {  	s26 =	sshll.u32 s26, $0x1  }
0x2c8: {  	s5 =	sadd.s32 $0x2, s26  }
0x2c9: {  	s5 =	smin.u32 s5, $0x1FBB  }
0x2ca: {  	s5 =	sshll.u32 s5, $0x8  }
0x2cb: {  	s5 =	sadd.s32 s3, s5;
	[tilespmem:v4+s17+$0x0] =	vst.idx.msk $0xffff, v5  }
0x2cc: {  	[hbm4b:s5+s4] =	stream.linear.scatter [tilespmem:s17], [sflag:$0x6], $0x1000, $0x38;
	[tilespmem:$0x8000] =	vst v63  }
0x2cd: {  	s5 =	sadd.s32 @!p0 s25, s30  }
0x2ce: {  	s5 =	sshll.u32 @!p0 s5, $0x1  }
0x2cf: {  	s5 =	smin.u32 @!p0 s5, $0x1FBB  }
0x2d0: {  	s5 =	sshll.u32 @!p0 s5, $0x7  }
0x2d1: {  	s13 =	simm.s32 @!p0 $0x1000;
	s23 =	simm.s32 @!p0 $0x0;
	s28 =	sadd.s32 @!p0 s1, s5  }
0x2d2: {  	[tilespmem:s13], [sflag:$0x2] =	stream.linear.gather @!p0 [hbm4b:s28+s23], $0x800, $0x38;
	[tilespmem:$0x8000] =	vst v63  }
0x2d3: {  	s5 =	sadd.s32 @!p0 s5, s6;
	s13 =	simm.s32 @!p0 $0x1800  }
0x2d4: {  	[tilespmem:s13], [sflag:$0x2] =	stream.linear.gather @!p0 [hbm4b:s5+s23], $0x800, $0x38;
	[tilespmem:$0x8000] =	vst v63  }
0x2d5: {  	_ =	swait.ge [sflag:s18], $0x800  }
0x2d6: {  	s13 =	simm.s32 $0x0;
	[sflag:s18] =	ssyncset.done $0x0  }
0x2d7: {  	v4 =	vadd.s32 s13, v0;
	[sflag:s18] =	ssyncadd.s32 $0xFFFFF800  }
0x2d8: {  	v5 =	vand.u32 $0x7F, v4;
	_ =	swait.ge [sflag:s18], $0x800  }
0x2d9: {  	v6 =	vor.u32 v1, v5;
	[sflag:s18] =	ssyncset.done $0x0  }
0x2da: {  	[sflag:s18] =	ssyncadd.s32 $0xFFFFF800  }
0x2db: {  	_ =	swait.ge [sflag:s11], $0x1000  }
0x2dc: {  	v4 =	vshll.u32 v4, $0x4;
	[sflag:s11] =	ssyncset.done $0x0  }
0x2dd: {  	v4 =	vand.u32 $0x7F0, v4;
	[sflag:s11] =	ssyncadd.s32 $0xFFFFF000  }
0x2de: {  	v7 =	vor.u32 v0, v4;
	v6 =	vld.idx.msk [tilespmem:v6+s10+$0x0], $0xffff  }
0x2df: {  	v5 =	vor.u32 v2, v5;
	_ =	sdelay $0x2  }
0x2e0: {  	s23 =	simm.s32 $0x1  }
0x2e1: {  	[tilespmem:v7+s19+$0x0] =	vst.idx.msk $0xffff, v6;
	v6 =	vadd.s32 s23, v0  }
0x2e2: {  	v4 =	vor.u32 v3, v4;
	v5 =	vld.idx.msk [tilespmem:v5+s10+$0x0], $0xffff;
	v7 =	vand.u32 $0x7F, v6  }
0x2e3: {  	v8 =	vor.u32 v1, v7;
	_ =	sdelay $0x2  }
0x2e4: {  	v6 =	vshll.u32 v6, $0x4  }
0x2e5: {  	[tilespmem:v4+s19+$0x0] =	vst.idx.msk $0xffff, v5;
	v4 =	vand.u32 $0x7F0, v6  }
0x2e6: {  	v5 =	vld.idx.msk [tilespmem:v8+s10+$0x0], $0xffff;
	v6 =	vor.u32 v0, v4  }
0x2e7: {  	v7 =	vor.u32 v2, v7;
	_ =	sdelay $0x2  }
0x2e8: {  	s13 =	simm.s32 $0x2  }
0x2e9: {  	[tilespmem:v6+s19+$0x0] =	vst.idx.msk $0xffff, v5;
	v5 =	vadd.s32 s13, v0  }
0x2ea: {  	v4 =	vor.u32 v3, v4;
	v6 =	vld.idx.msk [tilespmem:v7+s10+$0x0], $0xffff;
	v7 =	vand.u32 $0x7F, v5  }
0x2eb: {  	v8 =	vor.u32 v1, v7;
	_ =	sdelay $0x2  }
0x2ec: {  	v5 =	vshll.u32 v5, $0x4  }
0x2ed: {  	[tilespmem:v4+s19+$0x0] =	vst.idx.msk $0xffff, v6;
	v4 =	vand.u32 $0x7F0, v5  }
0x2ee: {  	v5 =	vld.idx.msk [tilespmem:v8+s10+$0x0], $0xffff;
	v6 =	vor.u32 v0, v4  }
0x2ef: {  	v7 =	vor.u32 v2, v7;
	_ =	sdelay $0x2  }
0x2f0: {  	s23 =	simm.s32 $0x3  }
0x2f1: {  	[tilespmem:v6+s19+$0x0] =	vst.idx.msk $0xffff, v5;
	v5 =	vadd.s32 s23, v0  }
0x2f2: {  	v4 =	vor.u32 v3, v4;
	v6 =	vld.idx.msk [tilespmem:v7+s10+$0x0], $0xffff;
	v7 =	vand.u32 $0x7F, v5  }
0x2f3: {  	v8 =	vor.u32 v1, v7;
	_ =	sdelay $0x2  }
0x2f4: {  	v5 =	vshll.u32 v5, $0x4  }
0x2f5: {  	[tilespmem:v4+s19+$0x0] =	vst.idx.msk $0xffff, v6;
	v4 =	vand.u32 $0x7F0, v5  }
0x2f6: {  	v5 =	vld.idx.msk [tilespmem:v8+s10+$0x0], $0xffff;
	v6 =	vor.u32 v0, v4  }
0x2f7: {  	v7 =	vor.u32 v2, v7;
	_ =	sdelay $0x3  }
0x2f8: {  	s28 =	simm.s32 $0x4;
	[tilespmem:v6+s19+$0x0] =	vst.idx.msk $0xffff, v5  }
0x2f9: {  	s5 =	simm.s32 $0x8;
	v5 =	vadd.s32 s28, v0;
	v6 =	vld.idx.msk [tilespmem:v7+s10+$0x0], $0xffff  }
.LBB2_15:
0x2fa: {  	p1 =	sne.s32 s5, $0x7C;
	v7 =	vand.u32 $0x7F, v5;
	v4 =	vor.u32 v3, v4  }
0x2fb: {  	v8 =	vor.u32 v1, v7;
	_ =	sdelay $0x3  }
0x2fc: {  	v5 =	vshll.u32 v5, $0x4;
	[tilespmem:v4+s19+$0x0] =	vst.idx.msk $0xffff, v6  }
0x2fd: {  	v5 =	vand.u32 $0x7F0, v5;
	v4 =	vld.idx.msk [tilespmem:v8+s10+$0x0], $0xffff  }
0x2fe: {  	v6 =	vor.u32 v0, v5  }
0x2ff: {  	v7 =	vor.u32 v2, v7;
	_ =	sdelay $0x3  }
0x300: {  	s13 =	sadd.s32 $0x1, s28;
	[tilespmem:v6+s19+$0x0] =	vst.idx.msk $0xffff, v4  }
0x301: {  	v6 =	vadd.s32 s13, v0;
	v4 =	vld.idx.msk [tilespmem:v7+s10+$0x0], $0xffff  }
0x302: {  	v5 =	vor.u32 v3, v5;
	v7 =	vand.u32 $0x7F, v6  }
0x303: {  	v8 =	vor.u32 v1, v7;
	_ =	sdelay $0x3  }
0x304: {  	[tilespmem:v5+s19+$0x0] =	vst.idx.msk $0xffff, v4;
	v4 =	vshll.u32 v6, $0x4  }
0x305: {  	v5 =	vld.idx.msk [tilespmem:v8+s10+$0x0], $0xffff;
	v4 =	vand.u32 $0x7F0, v4  }
0x306: {  	v6 =	vor.u32 v0, v4  }
0x307: {  	v7 =	vor.u32 v2, v7;
	_ =	sdelay $0x3  }
0x308: {  	s13 =	sadd.s32 $0x2, s28;
	[tilespmem:v6+s19+$0x0] =	vst.idx.msk $0xffff, v5  }
0x309: {  	v6 =	vadd.s32 s13, v0;
	v5 =	vld.idx.msk [tilespmem:v7+s10+$0x0], $0xffff  }
0x30a: {  	v4 =	vor.u32 v3, v4;
	v7 =	vand.u32 $0x7F, v6  }
0x30b: {  	v8 =	vor.u32 v1, v7;
	_ =	sdelay $0x3  }
0x30c: {  	[tilespmem:v4+s19+$0x0] =	vst.idx.msk $0xffff, v5;
	v4 =	vshll.u32 v6, $0x4  }
0x30d: {  	v5 =	vld.idx.msk [tilespmem:v8+s10+$0x0], $0xffff;
	v4 =	vand.u32 $0x7F0, v4  }
0x30e: {  	v6 =	vor.u32 v0, v4  }
0x30f: {  	v7 =	vor.u32 v2, v7;
	_ =	sdelay $0x3  }
0x310: {  	s13 =	sadd.s32 $0x3, s28;
	s28 =	smov.u32 s5;
	[tilespmem:v6+s19+$0x0] =	vst.idx.msk $0xffff, v5  }
0x311: {  	v6 =	vadd.s32 s13, v0;
	v5 =	vld.idx.msk [tilespmem:v7+s10+$0x0], $0xffff  }
0x312: {  	v4 =	vor.u32 v3, v4;
	v7 =	vand.u32 $0x7F, v6  }
0x313: {  	v8 =	vor.u32 v1, v7;
	_ =	sdelay $0x3  }
0x314: {  	[tilespmem:v4+s19+$0x0] =	vst.idx.msk $0xffff, v5;
	v4 =	vshll.u32 v6, $0x4  }
0x315: {  	v5 =	vld.idx.msk [tilespmem:v8+s10+$0x0], $0xffff;
	v4 =	vand.u32 $0x7F0, v4  }
0x316: {  	v6 =	vor.u32 v0, v4  }
0x317: {  	v7 =	vor.u32 v2, v7  }
.Ltmp8:
0x318: {  	(pc) =	sbr.rel @p1 .LBB2_15-.Ltmp8, $3  }
0x319: {  	_ =	sdelay $0x1  }
0x31a: {  	[tilespmem:v6+s19+$0x0] =	vst.idx.msk $0xffff, v5  }
0x31b: {  	s5 =	sadd.s32 $0x4, s5;
	v5 =	vadd.s32 s28, v0;
	v6 =	vld.idx.msk [tilespmem:v7+s10+$0x0], $0xffff  }
0x31c: {  	v7 =	vand.u32 $0x7F, v5;
	v4 =	vor.u32 v3, v4  }
0x31d: {  	v8 =	vor.u32 v1, v7;
	_ =	sdelay $0x2  }
0x31e: {  	v5 =	vshll.u32 v5, $0x4  }
0x31f: {  	[tilespmem:v4+s19+$0x0] =	vst.idx.msk $0xffff, v6;
	v4 =	vand.u32 $0x7F0, v5  }
0x320: {  	v5 =	vld.idx.msk [tilespmem:v8+s10+$0x0], $0xffff;
	v6 =	vor.u32 v0, v4  }
0x321: {  	v7 =	vor.u32 v2, v7;
	_ =	sdelay $0x2  }
0x322: {  	s5 =	sadd.s32 $0x1, s28  }
0x323: {  	[tilespmem:v6+s19+$0x0] =	vst.idx.msk $0xffff, v5;
	v5 =	vadd.s32 s5, v0  }
0x324: {  	v4 =	vor.u32 v3, v4;
	v6 =	vld.idx.msk [tilespmem:v7+s10+$0x0], $0xffff;
	v7 =	vand.u32 $0x7F, v5  }
0x325: {  	v8 =	vor.u32 v1, v7;
	_ =	sdelay $0x2  }
0x326: {  	v5 =	vshll.u32 v5, $0x4  }
0x327: {  	[tilespmem:v4+s19+$0x0] =	vst.idx.msk $0xffff, v6;
	v4 =	vand.u32 $0x7F0, v5  }
0x328: {  	v5 =	vld.idx.msk [tilespmem:v8+s10+$0x0], $0xffff;
	v6 =	vor.u32 v0, v4  }
0x329: {  	v7 =	vor.u32 v2, v7;
	_ =	sdelay $0x2  }
0x32a: {  	s23 =	sadd.s32 $0x2, s28  }
0x32b: {  	[tilespmem:v6+s19+$0x0] =	vst.idx.msk $0xffff, v5;
	v5 =	vadd.s32 s23, v0  }
0x32c: {  	v4 =	vor.u32 v3, v4;
	v6 =	vld.idx.msk [tilespmem:v7+s10+$0x0], $0xffff;
	v7 =	vand.u32 $0x7F, v5  }
0x32d: {  	v8 =	vor.u32 v1, v7;
	_ =	sdelay $0x2  }
0x32e: {  	v5 =	vshll.u32 v5, $0x4  }
0x32f: {  	[tilespmem:v4+s19+$0x0] =	vst.idx.msk $0xffff, v6;
	v4 =	vand.u32 $0x7F0, v5  }
0x330: {  	v5 =	vld.idx.msk [tilespmem:v8+s10+$0x0], $0xffff;
	v6 =	vor.u32 v0, v4  }
0x331: {  	v7 =	vor.u32 v2, v7;
	_ =	sdelay $0x2  }
0x332: {  	s13 =	sadd.s32 $0x3, s28  }
0x333: {  	[tilespmem:v6+s19+$0x0] =	vst.idx.msk $0xffff, v5;
	v5 =	vadd.s32 s13, v0  }
0x334: {  	v4 =	vor.u32 v3, v4;
	v6 =	vld.idx.msk [tilespmem:v7+s10+$0x0], $0xffff;
	v7 =	vand.u32 $0x7F, v5  }
0x335: {  	v8 =	vor.u32 v1, v7;
	_ =	sdelay $0x2  }
0x336: {  	v5 =	vshll.u32 v5, $0x4  }
0x337: {  	[tilespmem:v4+s19+$0x0] =	vst.idx.msk $0xffff, v6;
	v4 =	vand.u32 $0x7F0, v5  }
0x338: {  	v5 =	vld.idx.msk [tilespmem:v8+s10+$0x0], $0xffff;
	v6 =	vor.u32 v0, v4  }
0x339: {  	v7 =	vor.u32 v2, v7;
	_ =	sdelay $0x3  }
0x33a: {  	[tilespmem:v6+s19+$0x0] =	vst.idx.msk $0xffff, v5  }
0x33b: {  	v4 =	vor.u32 v3, v4;
	v5 =	vld.idx.msk [tilespmem:v7+s10+$0x0], $0xffff;
	_ =	sdelay $0x1  }
0x33c: {  	s23 =	sadd.s32 $0x4, s26  }
0x33d: {  	s5 =	smin.u32 s23, $0x1FBB  }
0x33e: {  	s5 =	sshll.u32 s5, $0x8  }
0x33f: {  	s5 =	sadd.s32 s3, s5;
	[tilespmem:v4+s19+$0x0] =	vst.idx.msk $0xffff, v5  }
0x340: {  	[hbm4b:s5+s4] =	stream.linear.scatter [tilespmem:s19], [sflag:$0x7], $0x1000, $0x38;
	[tilespmem:$0x8000] =	vst v63  }
0x341: {  	s5 =	sadd.s32 @!p0 s25, s31  }
0x342: {  	s5 =	sshll.u32 @!p0 s5, $0x1  }
0x343: {  	s5 =	smin.u32 @!p0 s5, $0x1FBB  }
0x344: {  	s5 =	sshll.u32 @!p0 s5, $0x7  }
0x345: {  	s28 =	simm.s32 @!p0 $0x2000;
	s23 =	simm.s32 @!p0 $0x0;
	s13 =	sadd.s32 @!p0 s1, s5  }
0x346: {  	[tilespmem:s28], [sflag:$0x3] =	stream.linear.gather @!p0 [hbm4b:s13+s23], $0x800, $0x38;
	[tilespmem:$0x8000] =	vst v63  }
0x347: {  	s5 =	sadd.s32 @!p0 s5, s6;
	s13 =	simm.s32 @!p0 $0x2800  }
0x348: {  	[tilespmem:s13], [sflag:$0x3] =	stream.linear.gather @!p0 [hbm4b:s5+s23], $0x800, $0x38;
	[tilespmem:$0x8000] =	vst v63  }
0x349: {  	_ =	swait.ge [sflag:s2], $0x800  }
0x34a: {  	s13 =	simm.s32 $0x0;
	[sflag:s2] =	ssyncset.done $0x0  }
0x34b: {  	v4 =	vadd.s32 s13, v0;
	[sflag:s2] =	ssyncadd.s32 $0xFFFFF800  }
0x34c: {  	v5 =	vand.u32 $0x7F, v4;
	_ =	swait.ge [sflag:s2], $0x800  }
0x34d: {  	v6 =	vor.u32 v1, v5;
	[sflag:s2] =	ssyncset.done $0x0  }
0x34e: {  	[sflag:s2] =	ssyncadd.s32 $0xFFFFF800  }
0x34f: {  	_ =	swait.ge [sflag:s22], $0x1000  }
0x350: {  	v4 =	vshll.u32 v4, $0x4;
	[sflag:s22] =	ssyncset.done $0x0  }
0x351: {  	v4 =	vand.u32 $0x7F0, v4;
	[sflag:s22] =	ssyncadd.s32 $0xFFFFF000  }
0x352: {  	v7 =	vor.u32 v0, v4;
	v6 =	vld.idx.msk [tilespmem:v6+s12+$0x0], $0xffff  }
0x353: {  	v5 =	vor.u32 v2, v5;
	_ =	sdelay $0x2  }
0x354: {  	s23 =	simm.s32 $0x1  }
0x355: {  	[tilespmem:v7+s20+$0x0] =	vst.idx.msk $0xffff, v6;
	v6 =	vadd.s32 s23, v0  }
0x356: {  	v4 =	vor.u32 v3, v4;
	v5 =	vld.idx.msk [tilespmem:v5+s12+$0x0], $0xffff;
	v7 =	vand.u32 $0x7F, v6  }
0x357: {  	v8 =	vor.u32 v1, v7;
	_ =	sdelay $0x2  }
0x358: {  	v6 =	vshll.u32 v6, $0x4  }
0x359: {  	[tilespmem:v4+s20+$0x0] =	vst.idx.msk $0xffff, v5;
	v4 =	vand.u32 $0x7F0, v6  }
0x35a: {  	v5 =	vld.idx.msk [tilespmem:v8+s12+$0x0], $0xffff;
	v6 =	vor.u32 v0, v4  }
0x35b: {  	v7 =	vor.u32 v2, v7;
	_ =	sdelay $0x2  }
0x35c: {  	s13 =	simm.s32 $0x2  }
0x35d: {  	[tilespmem:v6+s20+$0x0] =	vst.idx.msk $0xffff, v5;
	v5 =	vadd.s32 s13, v0  }
0x35e: {  	v4 =	vor.u32 v3, v4;
	v6 =	vld.idx.msk [tilespmem:v7+s12+$0x0], $0xffff;
	v7 =	vand.u32 $0x7F, v5  }
0x35f: {  	v8 =	vor.u32 v1, v7;
	_ =	sdelay $0x2  }
0x360: {  	v5 =	vshll.u32 v5, $0x4  }
0x361: {  	[tilespmem:v4+s20+$0x0] =	vst.idx.msk $0xffff, v6;
	v4 =	vand.u32 $0x7F0, v5  }
0x362: {  	v5 =	vld.idx.msk [tilespmem:v8+s12+$0x0], $0xffff;
	v6 =	vor.u32 v0, v4  }
0x363: {  	v7 =	vor.u32 v2, v7;
	_ =	sdelay $0x2  }
0x364: {  	s23 =	simm.s32 $0x3  }
0x365: {  	[tilespmem:v6+s20+$0x0] =	vst.idx.msk $0xffff, v5;
	v5 =	vadd.s32 s23, v0  }
0x366: {  	v4 =	vor.u32 v3, v4;
	v6 =	vld.idx.msk [tilespmem:v7+s12+$0x0], $0xffff;
	v7 =	vand.u32 $0x7F, v5  }
0x367: {  	v8 =	vor.u32 v1, v7;
	_ =	sdelay $0x2  }
0x368: {  	v5 =	vshll.u32 v5, $0x4  }
0x369: {  	[tilespmem:v4+s20+$0x0] =	vst.idx.msk $0xffff, v6;
	v4 =	vand.u32 $0x7F0, v5  }
0x36a: {  	v5 =	vld.idx.msk [tilespmem:v8+s12+$0x0], $0xffff;
	v6 =	vor.u32 v0, v4  }
0x36b: {  	v7 =	vor.u32 v2, v7;
	_ =	sdelay $0x3  }
0x36c: {  	s28 =	simm.s32 $0x4;
	[tilespmem:v6+s20+$0x0] =	vst.idx.msk $0xffff, v5  }
0x36d: {  	s5 =	simm.s32 $0x8;
	v5 =	vadd.s32 s28, v0;
	v6 =	vld.idx.msk [tilespmem:v7+s12+$0x0], $0xffff  }
.LBB2_17:
0x36e: {  	p1 =	sne.s32 s5, $0x7C;
	v7 =	vand.u32 $0x7F, v5;
	v4 =	vor.u32 v3, v4  }
0x36f: {  	v8 =	vor.u32 v1, v7;
	_ =	sdelay $0x3  }
0x370: {  	v5 =	vshll.u32 v5, $0x4;
	[tilespmem:v4+s20+$0x0] =	vst.idx.msk $0xffff, v6  }
0x371: {  	v5 =	vand.u32 $0x7F0, v5;
	v4 =	vld.idx.msk [tilespmem:v8+s12+$0x0], $0xffff  }
0x372: {  	v6 =	vor.u32 v0, v5  }
0x373: {  	v7 =	vor.u32 v2, v7;
	_ =	sdelay $0x3  }
0x374: {  	s13 =	sadd.s32 $0x1, s28;
	[tilespmem:v6+s20+$0x0] =	vst.idx.msk $0xffff, v4  }
0x375: {  	v6 =	vadd.s32 s13, v0;
	v4 =	vld.idx.msk [tilespmem:v7+s12+$0x0], $0xffff  }
0x376: {  	v5 =	vor.u32 v3, v5;
	v7 =	vand.u32 $0x7F, v6  }
0x377: {  	v8 =	vor.u32 v1, v7;
	_ =	sdelay $0x3  }
0x378: {  	[tilespmem:v5+s20+$0x0] =	vst.idx.msk $0xffff, v4;
	v4 =	vshll.u32 v6, $0x4  }
0x379: {  	v5 =	vld.idx.msk [tilespmem:v8+s12+$0x0], $0xffff;
	v4 =	vand.u32 $0x7F0, v4  }
0x37a: {  	v6 =	vor.u32 v0, v4  }
0x37b: {  	v7 =	vor.u32 v2, v7;
	_ =	sdelay $0x3  }
0x37c: {  	s13 =	sadd.s32 $0x2, s28;
	[tilespmem:v6+s20+$0x0] =	vst.idx.msk $0xffff, v5  }
0x37d: {  	v6 =	vadd.s32 s13, v0;
	v5 =	vld.idx.msk [tilespmem:v7+s12+$0x0], $0xffff  }
0x37e: {  	v4 =	vor.u32 v3, v4;
	v7 =	vand.u32 $0x7F, v6  }
0x37f: {  	v8 =	vor.u32 v1, v7;
	_ =	sdelay $0x3  }
0x380: {  	[tilespmem:v4+s20+$0x0] =	vst.idx.msk $0xffff, v5;
	v4 =	vshll.u32 v6, $0x4  }
0x381: {  	v5 =	vld.idx.msk [tilespmem:v8+s12+$0x0], $0xffff;
	v4 =	vand.u32 $0x7F0, v4  }
0x382: {  	v6 =	vor.u32 v0, v4  }
0x383: {  	v7 =	vor.u32 v2, v7;
	_ =	sdelay $0x3  }
0x384: {  	s13 =	sadd.s32 $0x3, s28;
	s28 =	smov.u32 s5;
	[tilespmem:v6+s20+$0x0] =	vst.idx.msk $0xffff, v5  }
0x385: {  	v6 =	vadd.s32 s13, v0;
	v5 =	vld.idx.msk [tilespmem:v7+s12+$0x0], $0xffff  }
0x386: {  	v4 =	vor.u32 v3, v4;
	v7 =	vand.u32 $0x7F, v6  }
0x387: {  	v8 =	vor.u32 v1, v7;
	_ =	sdelay $0x3  }
0x388: {  	[tilespmem:v4+s20+$0x0] =	vst.idx.msk $0xffff, v5;
	v4 =	vshll.u32 v6, $0x4  }
0x389: {  	v5 =	vld.idx.msk [tilespmem:v8+s12+$0x0], $0xffff;
	v4 =	vand.u32 $0x7F0, v4  }
0x38a: {  	v6 =	vor.u32 v0, v4  }
0x38b: {  	v7 =	vor.u32 v2, v7  }
.Ltmp9:
0x38c: {  	(pc) =	sbr.rel @p1 .LBB2_17-.Ltmp9, $3  }
0x38d: {  	_ =	sdelay $0x1  }
0x38e: {  	[tilespmem:v6+s20+$0x0] =	vst.idx.msk $0xffff, v5  }
0x38f: {  	s5 =	sadd.s32 $0x4, s5;
	v5 =	vadd.s32 s28, v0;
	v6 =	vld.idx.msk [tilespmem:v7+s12+$0x0], $0xffff  }
0x390: {  	v7 =	vand.u32 $0x7F, v5;
	v4 =	vor.u32 v3, v4  }
0x391: {  	v8 =	vor.u32 v1, v7;
	_ =	sdelay $0x2  }
0x392: {  	v5 =	vshll.u32 v5, $0x4  }
0x393: {  	[tilespmem:v4+s20+$0x0] =	vst.idx.msk $0xffff, v6;
	v4 =	vand.u32 $0x7F0, v5  }
0x394: {  	v5 =	vld.idx.msk [tilespmem:v8+s12+$0x0], $0xffff;
	v54 =	vor.u32 v0, v4  }
0x395: {  	v7 =	vor.u32 v2, v7;
	_ =	sdelay $0x2  }
0x396: {  	s5 =	sadd.s32 $0x1, s28  }
0x397: {  	[tilespmem:v54+s20+$0x0] =	vst.idx.msk $0xffff, v5;
	v5 =	vadd.s32 s5, v0  }
0x398: {  	v4 =	vor.u32 v3, v4;
	v6 =	vld.idx.msk [tilespmem:v7+s12+$0x0], $0xffff;
	v55 =	vand.u32 $0x7F, v5  }
0x399: {  	v56 =	vor.u32 v1, v55;
	_ =	sdelay $0x2  }
0x39a: {  	v5 =	vshll.u32 v5, $0x4  }
0x39b: {  	[tilespmem:v4+s20+$0x0] =	vst.idx.msk $0xffff, v6;
	v4 =	vand.u32 $0x7F0, v5  }
0x39c: {  	v5 =	vld.idx.msk [tilespmem:v56+s12+$0x0], $0xffff;
	v57 =	vor.u32 v0, v4  }
0x39d: {  	v7 =	vor.u32 v2, v55;
	_ =	sdelay $0x2  }
0x39e: {  	s13 =	sadd.s32 $0x2, s28  }
0x39f: {  	[tilespmem:v57+s20+$0x0] =	vst.idx.msk $0xffff, v5;
	v5 =	vadd.s32 s13, v0  }
0x3a0: {  	v4 =	vor.u32 v3, v4;
	v6 =	vld.idx.msk [tilespmem:v7+s12+$0x0], $0xffff;
	v58 =	vand.u32 $0x7F, v5  }
0x3a1: {  	v59 =	vor.u32 v1, v58;
	_ =	sdelay $0x2  }
0x3a2: {  	v5 =	vshll.u32 v5, $0x4  }
0x3a3: {  	[tilespmem:v4+s20+$0x0] =	vst.idx.msk $0xffff, v6;
	v4 =	vand.u32 $0x7F0, v5  }
0x3a4: {  	v5 =	vld.idx.msk [tilespmem:v59+s12+$0x0], $0xffff;
	v60 =	vor.u32 v0, v4  }
0x3a5: {  	v7 =	vor.u32 v2, v58;
	_ =	sdelay $0x2  }
0x3a6: {  	s23 =	sadd.s32 $0x3, s28  }
0x3a7: {  	[tilespmem:v60+s20+$0x0] =	vst.idx.msk $0xffff, v5;
	v5 =	vadd.s32 s23, v0  }
0x3a8: {  	v4 =	vor.u32 v3, v4;
	v6 =	vld.idx.msk [tilespmem:v7+s12+$0x0], $0xffff;
	v61 =	vand.u32 $0x7F, v5  }
0x3a9: {  	v62 =	vor.u32 v1, v61;
	_ =	sdelay $0x2  }
0x3aa: {  	v5 =	vshll.u32 v5, $0x4  }
0x3ab: {  	[tilespmem:v4+s20+$0x0] =	vst.idx.msk $0xffff, v6;
	v4 =	vand.u32 $0x7F0, v5  }
0x3ac: {  	v5 =	vld.idx.msk [tilespmem:v62+s12+$0x0], $0xffff;
	v63 =	vor.u32 v0, v4  }
0x3ad: {  	v7 =	vor.u32 v2, v61;
	_ =	sdelay $0x3  }
0x3ae: {  	[tilespmem:v63+s20+$0x0] =	vst.idx.msk $0xffff, v5  }
0x3af: {  	v4 =	vor.u32 v3, v4;
	v5 =	vld.idx.msk [tilespmem:v7+s12+$0x0], $0xffff;
	_ =	sdelay $0x1  }
.Ltmp10:
0x3b0: {  	s28 =	sadd.s32 $0x6, s26;
	(pc) =	sbr.rel @p0 .LBB2_20-.Ltmp10, $4  }
0x3b1: {  	s5 =	smin.u32 s28, $0x1FBB  }
0x3b2: {  	s5 =	sshll.u32 s5, $0x8  }
0x3b3: {  	s5 =	sadd.s32 s3, s5;
	[tilespmem:v4+s20+$0x0] =	vst.idx.msk $0xffff, v5  }
0x3b4: {  	[hbm4b:s5+s4] =	stream.linear.scatter [tilespmem:s20], [sflag:$0x8], $0x1000, $0x38;
	[tilespmem:$0x8000] =	vst v63  }
0x3b5: {  	s5 =	sadd.s32 s25, s0  }
0x3b6: {  	s5 =	sshll.u32 s5, $0x1  }
0x3b7: {  	s5 =	smin.u32 s5, $0x1FBB  }
.Ltmp11:
0x3b8: {  	s5 =	sshll.u32 s5, $0x7;
	(pc) =	sbr.rel .LBB2_10-.Ltmp11, $4  }
0x3b9: {  	s13 =	sadd.s32 s1, s5  }
0x3ba: {  	[tilespmem:s12], [sflag:$0x4] =	stream.linear.gather [hbm4b:s13+s4], $0x800, $0x38;
	[tilespmem:$0x8000] =	vst v63  }
0x3bb: {  	s28 =	simm.s32 $0x3800;
	s24 =	sadd.s32 $0x1, s24;
	s5 =	sadd.s32 s5, s6  }
0x3bc: {  	[tilespmem:s28], [sflag:$0x4] =	stream.linear.gather [hbm4b:s5+s4], $0x800, $0x38;
	[tilespmem:$0x8000] =	vst v63  }
.LBB2_21:
0x3bd: {  	_ =	sfence.sel $0x180000  }
0x3be: {  	[bflag:$0x0] =	sbarrier.arrive $0xFFFF  }
0x3bf: {  	_ =	strace $0x90000047  }
0x3c0: {  	s0 =	stileid.u32;
	[bflag:$0x2] =	sbarrier.arrive $0xFFFF  }
0x3c1: {  	p0 =	sne.s32 s0, $0x0;
	s0 =	rddreg [dreg:$0x2]  }
0x3c2: {  	s0 =	sadd.s32 @!p0 $0x100000, s0  }
0x3c3: {  	[sflag:s0] =	ssyncadd.tile.s32 @!p0 $0x1;
	_ =	shalt  }
.Lfunc_end2:
_tile_overlayer_lowered:
.L_overlay_start_2:
0x3c4: {  	(tag) =	ssettag $0x2  }
0x3c5: {  	s0 =	rddreg [dreg:$0x0];
	s2 =	stileid.u32  }
0x3c6: {  	s1 =	rddreg [dreg:$0x1];
	p0 =	sne.s32 s2, $0x0  }
0x3c7: {  	s3 =	rddreg [dreg:$0x2];
	[bflag:$0x3] =	sbarrier.arrive $0xFFFF;
	s2 =	simm.s32 @!p0 $0x1C09  }
0x3c8: {  	[timem:s3], [sflag:s2] =	dma.local @!p0 [hbm:s0], s1  }
0x3c9: {  	s0 =	simm.s32 @!p0 $0x9  }
0x3ca: {  	_ =	swait.ge @!p0 [sflag:s0], s1  }
0x3cb: {  	s1 =	ssub.s32 @!p0 $0x0, s1;
	[sflag:s0] =	ssyncset.done @!p0 $0x0  }
0x3cc: {  	[sflag:s0] =	ssyncadd.s32 @!p0 s1  }
0x3cd: {  	[bflag:$0x3] =	sbarrier.arrive $0xFFFF  }
0x3ce: {  	_ =	shalt  }

// kernel: sparse-core-data-format-call.cloned.1.call-start
scs
called_computation_lowered:
.L_overlay_start_0:
0x0: {  	s2 =	sld [smem:$0x3FD9]  }
0x1: {  	s3 =	sld [smem:$0x3FFE];
	_ =	sdelay $0x1  }
0x2: {  	s1 =	srdreg.scid  }
0x3: {  	s0 =	sand.u32 $0x1, s1  }
0x4: {  	s18 =	sshll.u32 s0, $0xA;
	s2 =	sadd.s32 s3, s2  }
0x5: {  	s2 =	sadd.s32 s2, s18  }
0x6: {  	[smem:$0x3FC7] =	sst s2  }
0x7: {  	_ = 	snop  }
0x8: {  	s2 =	sld [smem:$0x3FD0];
	(tm) =	ssettm $0x1  }
0x9: {  	s19 =	sld [smem:$0x3FFB];
	_ =	sdelay $0x3  }
0xa: {  	_ =	strace s19  }
0xb: {  	s3 =	sld [smem:$0x3FFC];
	_ =	sdelay $0x3  }
0xc: {  	_ =	strace s3  }
0xd: {  	s3 =	sld [smem:$0x3FFD];
	_ =	sdelay $0x3  }
0xe: {  	_ =	strace s3  }
0xf: {  	_ =	strace $0x8FFFFFFF  }
0x10: {  	s20 =	sld [smem:$0x3FDB];
	_ =	sdelay $0x1  }
0x11: {  	s4 =	simm.s32 $_scs_section_size  }
0x12: {  	s5 =	simm.s32 $_size__tile_overlayer_lowered;
	s6 =	simm.s32 $_tile_overlayer_lowered  }
0x13: {  	s23 =	simm.s32 $0x1BFF;
	s22 =	sshll.u32 s6, $0x1;
	s3 =	sadd.s32 s4, s20  }
0x14: {  	s7 =	simm.s32 $0x0;
	s21 =	sshll.u32 s5, $0x1;
	s5 =	sadd.s32 s22, s3  }
0x15: {  	[timem:s7], [sflag:s23] =	dma.local [hbm:s5], s21  }
0x16: {  	_ =	swait.ge [sflag:s23], s21  }
0x17: {  	s4 =	ssub.s32 $0x0, s21;
	[sflag:s23] =	ssyncset.done $0x0  }
0x18: {  	[sflag:s23] =	ssyncadd.s32 s4;
	_ =	sdelay $0x1  }
0x19: {  	s24 =	simm.s32 $0x1B8B  }
0x1a: {  	_ =	swait.ge [sflag:s24], $0x1  }
0x1b: {  	[sflag:s24] =	ssyncset.done $0x0  }
0x1c: {  	s26 =	simm.s32 $0x1B8E;
	s25 =	sld [smem:$0x3FFE];
	[sflag:s24] =	ssyncadd.s32 $0xFFFFFFFF  }
0x1d: {  	s27 =	simm.s32 $execute0_lowered;
	[smem:$0x3FD2] =	sst s26  }
0x1e: {  	s5 =	sshll.u32 s27, $0x1;
	_ =	strace $0x80000049;
	[dreg:$0x1] =	wrdreg $0xFFFFFFFF  }
0x1f: {  	s28 =	simm.s32 $_size_execute0_lowered;
	s3 =	sadd.s32 s3, s5;
	[dreg:$0x0] =	wrdreg $0x0  }
0x20: {  	s5 =	sshll.u32 s28, $0x1;
	[dreg:$0x2] =	wrdreg s3  }
0x21: {  	[dreg:$0x3] =	wrdreg s5  }
0x22: {  	[dreg:$0x4] =	wrdreg $0xC0  }
0x23: {  	_ =	task [dreg:s7], $0x5FFFF  }
0x24: {  	[dreg:$0x1] =	wrdreg $0xFFFFFFFF  }
0x25: {  	[dreg:$0x0] =	wrdreg $0x60  }
0x26: {  	[dreg:$0x2] =	wrdreg s25  }
0x27: {  	[dreg:$0x3] =	wrdreg s2  }
0x28: {  	[dreg:$0x4] =	wrdreg $0x9  }
0x29: {  	_ =	task.clear_ibuf [dreg:s7], $0x5FFFF;
	_ =	strace $0x90000049  }
0x2a: {  	s29 =	simm.s32 $0x9;
	_ =	strace $0x8000004B  }
0x2b: {  	_ =	swait.ge [sflag:s29], $0x1  }
0x2c: {  	[sflag:s29] =	ssyncadd.s32 $0xFFFFFFFF  }
0x2d: {  	_ =	strace $0x9000004B  }
0x2e: {  	_ =	sfence  }
0x2f: {  	s30 =	sld [smem:$0x0];
	_ =	sdelay $0x2  }
0x30: {  	s31 =	sshll.u32 s1, $0xD;
	s1 =	sshrl.u32 s1, $0x2  }
0x31: {  	s3 =	sand.u32 $0x4000, s31;
	s1 =	sadd.s32 s1, s30  }
0x32: {  	s0 =	sor.u32 s3, s0;
	s1 =	sshll.u32 s1, $0x11  }
0x33: {  	s0 =	sor.u32 s1, s0  }
0x34: {  	s0 =	sadd.s32 $0x8F2B, s0  }
0x35: {  	[sflag:s0] =	ssyncadd.remote.s32 $0x1  }
0x36: {  	_ =	sfence.sel $0xFFFF  }
0x37: {  	[dreg:$0x0] =	wrdreg $0xFFFFFFFF;
	(pc) =	sbr.abs _section_cstart, $3  }
0x38: {  	[dreg:$0x1] =	wrdreg $0xFFFFFFFF  }
0x39: {  	_ =	task.clear_ibuf [dreg:s7], $0x2FFFF;
	_ =	strace $0x9FFFFFFF  }
0x3a: {  	(tm) =	ssettm $0x7FFFFFFF  }
0x3b: {  	_ =	shalt  }
tec
execute0_lowered:
.L_overlay_start_1:
0x0: {  	(tag) =	ssettag $0x1  }
0x1: {  	s0 =	srdreg.scid  }
0x2: {  	s1 =	sshll.u32 s0, $0x4  }
0x3: {  	s4 =	rddreg [dreg:$0x0];
	s0 =	stileid.u32;
	s1 =	sand.u32 $0x10, s1  }
0x4: {  	s2 =	rddreg [dreg:$0x1];
	s7 =	simm.s32 $0x1;
	s1 =	sor.u32 s0, s1  }
0x5: {  	s8 =	simm.s32 $0x2;
	s11 =	simm.s32 $0x0;
	s3 =	sshll.u32 s1, $0x7  }
0x6: {  	s10 =	simm.s32 $0x0;
	s4 =	sadd.s32 $0x800, s4;
	s6 =	ssub.s32 $0xFDE80, s3  }
.Ltmp0:
0x7: {  	s1 =	rddreg [dreg:$0x2];
	s5 =	sand.u32 $0xF80, s6;
	(pc) =	sbr.rel .LBB1_1-.Ltmp0, $4  }
0x8: {  	_ =	strace $0x8000004A;
	s9 =	smov.u32 s3;
	p0 =	sne.s32 s5, $0x0  }
0x9: {  	s6 =	sshrl.u32 s6, $0xC;
	s5 =	simm.s32 $0x1;
	s7 =	simm.s32 @!p0 $0x0  }
0xa: {  	[sflag:s5] =	ssyncpa.u1 $0x0;
	p0 =	por $0x0, $0x0;
	s6 =	sadd.s32 s7, s6  }
0xb: {  	[sflag:s8] =	ssyncpa.u1 $0x0;
	s8 =	simm.s32 $0x7EF400;
	s7 =	sadd.s32 $0x1, s6  }
.LBB1_4:
0xc: {  	s14 =	sshll.u32 s11, $0x3  }
0xd: {  	s30 =	sand.u32 $0x7F, s11;
	s14 =	sand.u32 $0xFFFFFC00, s14  }
0xe: {  	s11 =	sor.u32 s30, s14  }
0xf: {  	s15 =	smulhi.u32 $0x810E35C1, s11;
	_ =	sdelay $0x1  }
0x10: {  	s14 =	smulhi.u32 $0x810E35C1, s14;
	s15 =	sshrl.u32 s15, $0x13  }
0x11: {  	s15 =	smul.u32 $0xFDE80, s15  }
0x12: {  	[tilespmem:s12+$0xFFFFFFFC ss:$0x81] =	vst.msk $0xffff, v2;
	s14 =	sshrl.u32 s14, $0x13  }
0x13: {  	[tilespmem:s12+$0xFFFFFFFD ss:$0x81] =	vst.msk $0xffff, v3;
	s14 =	sand.u32 $0xF, s14;
	s11 =	ssub.s32 s11, s15  }
0x14: {  	[tilespmem:s12+$0xFFFFFFFE ss:$0x81] =	vst.msk $0xffff, v0;
	s14 =	smul.u32 $0x1FBD0, s14;
	s15 =	sshrl.u32 s11, $0x3;
	s11 =	sand.u32 $0x7, s11  }
0x15: {  	[tilespmem:s12+$0xFFFFFFFF ss:$0x81] =	vst.msk $0xffff, v4;
	s15 =	sadd.s32 s2, s15;
	s11 =	sshll.u32 s11, $0x12  }
0x16: {  	[tilespmem:s12+$0xFFFFFFF9 ss:$0x81] =	vst.msk $0xffff, v1;
	s31 =	sadd.s32 s14, s15;
	s11 =	sor.u32 $0x400, s11  }
0x17: {  	[hbm4b:s31+s11] =	stream.strided.scatter [tilespmem:s13], [sflag:$0x2], $0x800, s8, s11, $0x20;
	[tilespmem:$0x2020] =	vst v63  }
.LBB1_5:
0x18: {  	s13 =	sadd.s32 $0x1000, s9  }
0x19: {  	p2 =	sgt.s32 s13, $0xFDE7F  }
0x1a: {  	s13 =	smov.u32 @p2 s3;
	p2 =	sne.s32 s10, s7  }
.Ltmp1:
0x1b: {  	p1 =	slt.u32 s10, $0x2;
	(pc) =	sbr.rel @!p2 .LBB1_6-.Ltmp1, $4  }
0x1c: {  	s12 =	simm.s32 @!p1 $0x2  }
0x1d: {  	s14 =	sadd.s32 $0x1, s10;
	_ =	swait.ge @!p1 [sflag:s12], $0x800  }
0x1e: {  	s11 =	smov.u32 s9;
	p0 =	por !p0, !p0;
	[sflag:s12] =	ssyncset.done @!p1 $0x0  }
0x1f: {  	s10 =	smov.u32 s14;
	s9 =	smov.u32 s13;
	[sflag:s12] =	ssyncadd.s32 @!p1 $0xFFFFF800  }
.LBB1_1:
0x20: {  	p1 =	sge.u32 s10, s6  }
0x21: {  	s12 =	sand.u32 @!p1 $0x1FFFFFF, s9  }
0x22: {  	s13 =	smulhi.u32 @!p1 $0x40871B, s12;
	_ =	sdelay $0x1  }
0x23: {  	s13 =	sshrl.u32 @!p1 s13, $0xA  }
0x24: {  	s13 =	smul.u32 @!p1 $0xFDE80, s13;
	_ =	sdelay $0x1  }
0x25: {  	s31 =	sadd.s32 $0xFFFFFFFF, s10;
	s14 =	sxor.u32 @!p1 $0xFFFFFFFF, s10;
	s12 =	ssub.s32 @!p1 s12, s13  }
0x26: {  	s15 =	simm.s32 @!p1 $0x80;
	s14 =	sshll.u32 @!p1 s14, $0xB;
	s12 =	sshll.u32 @!p1 s12, $0x4  }
0x27: {  	s13 =	sand.u32 @!p1 $0x800, s14;
	s14 =	simm.s32 @!p1 $0x10;
	s12 =	sadd.s32 @!p1 s4, s12  }
0x28: {  	[tilespmem:s13], [sflag:$0x1] =	stream.strided.gather @!p1 [hbm4b:s12+s14], $0x800, s15, s14, $0x38;
	[tilespmem:$0x2020] =	vst v63  }
0x29: {  	p1 =	sge.u32 s31, s6  }
.Ltmp2:
0x2a: {  	_ = 	snop;
	(pc) =	sbr.rel @p1 .LBB1_5-.Ltmp2, $1  }
0x2b: {  	_ =	sdelay $0x3  }
0x2c: {  	s12 =	simm.s32 $0x1  }
0x2d: {  	_ =	swait.ge [sflag:s5], $0x800;
	s12 =	simm.s32 @!p0 $0x0  }
0x2e: {  	[sflag:s5] =	ssyncset.done $0x0;
	s13 =	sshll.u32 s12, $0xB  }
0x2f: {  	[sflag:s5] =	ssyncadd.s32 $0xFFFFF800;
	s15 =	sor.u32 $0x40, s13  }
0x30: {  	v1 =	vld [tilespmem:s15+$0x30]  }
0x31: {  	s12 =	smul.u32 $0x2040, s12;
	v4 =	vld [tilespmem:s15+$0xFFFFFFD0]  }
0x32: {  	v5 =	vld [tilespmem:s15+$0xFFFFFFE0]  }
0x33: {  	s31 =	sand.u32 $0x1, s10;
	s12 =	sshrl.u32 s12, $0x2;
	v2 =	vld [tilespmem:s15+$0xFFFFFFF0]  }
0x34: {  	s13 =	smul.u32 $0x2040, s31;
	v3 =	vld [tilespmem:s15+$0x0];
	s12 =	sor.u32 $0x1007, s12  }
0x35: {  	v0 =	vld [tilespmem:s15+$0x10];
	[tilespmem:s12+$0x0 ss:$0x81] =	vst.msk $0xffff, v1  }
0x36: {  	s13 =	sshrl.u32 s13, $0x2;
	[tilespmem:s12+$0xFFFFFFFA ss:$0x81] =	vst.msk $0xffff, v4;
	v4 =	vld [tilespmem:s15+$0x20]  }
0x37: {  	s14 =	simm.s32 $0x0;
	s13 =	sor.u32 $0x1000, s13;
	v1 =	vld [tilespmem:s15+$0xFFFFFFC0];
	[tilespmem:s12+$0xFFFFFFFB ss:$0x81] =	vst.msk $0xffff, v5;
	s15 =	sadd.s32 $0x80, s15  }
.LBB1_3:
0x38: {  	v5 =	vld [tilespmem:s15+$0x30];
	s14 =	sadd.s32 $0x8, s14;
	[tilespmem:s12+$0xFFFFFFFC ss:$0x81] =	vst.msk $0xffff, v2  }
0x39: {  	v6 =	vld [tilespmem:s15+$0xFFFFFFD0];
	p1 =	slt.u32 s14, $0x78;
	[tilespmem:s12+$0xFFFFFFFD ss:$0x81] =	vst.msk $0xffff, v3  }
0x3a: {  	v7 =	vld [tilespmem:s15+$0xFFFFFFE0];
	[tilespmem:s12+$0xFFFFFFFE ss:$0x81] =	vst.msk $0xffff, v0  }
.Ltmp3:
0x3b: {  	v2 =	vld [tilespmem:s15+$0xFFFFFFF0];
	[tilespmem:s12+$0xFFFFFFFF ss:$0x81] =	vst.msk $0xffff, v4;
	(pc) =	sbr.rel @p1 .LBB1_3-.Ltmp3, $4  }
0x3c: {  	v3 =	vld [tilespmem:s15+$0x0];
	[tilespmem:s12+$0xFFFFFFF9 ss:$0x81] =	vst.msk $0xffff, v1;
	s12 =	sadd.s32 $0x8, s12  }
0x3d: {  	v0 =	vld [tilespmem:s15+$0x10];
	[tilespmem:s12+$0x0 ss:$0x81] =	vst.msk $0xffff, v5  }
0x3e: {  	[tilespmem:s12+$0xFFFFFFFA ss:$0x81] =	vst.msk $0xffff, v6;
	v4 =	vld [tilespmem:s15+$0x20]  }
0x3f: {  	v1 =	vld [tilespmem:s15+$0xFFFFFFC0];
	[tilespmem:s12+$0xFFFFFFFB ss:$0x81] =	vst.msk $0xffff, v7;
	s15 =	sadd.s32 $0x80, s15  }
.Ltmp4:
0x40: {  	_ = 	snop;
	(pc) =	sbr.rel .LBB1_4-.Ltmp4, $1  }
0x41: {  	_ =	sdelay $0x3  }
.LBB1_6:
0x42: {  	_ =	sfence.sel $0x180000  }
0x43: {  	s2 =	simm.s32 $0x1;
	[bflag:$0x0] =	sbarrier.arrive $0xFFFF  }
0x44: {  	s31 =	simm.s32 $0x2;
	[sflag:s2] =	ssyncpa.u1 $0x1  }
0x45: {  	[sflag:s31] =	ssyncpa.u1 $0x1  }
0x46: {  	p0 =	sne.s32 s0, $0x0;
	_ =	strace $0x9000004A  }
0x47: {  	s0 =	sadd.s32 @!p0 $0x100000, s1;
	[bflag:$0x2] =	sbarrier.arrive $0xFFFF  }
0x48: {  	[sflag:s0] =	ssyncadd.tile.s32 @!p0 $0x1;
	_ =	shalt  }
.Lfunc_end1:
_tile_overlayer_lowered:
.L_overlay_start_2:
0x49: {  	(tag) =	ssettag $0x2  }
0x4a: {  	s0 =	rddreg [dreg:$0x0];
	s2 =	stileid.u32  }
0x4b: {  	s1 =	rddreg [dreg:$0x1];
	p0 =	sne.s32 s2, $0x0  }
0x4c: {  	s3 =	rddreg [dreg:$0x2];
	[bflag:$0x3] =	sbarrier.arrive $0xFFFF;
	s2 =	simm.s32 @!p0 $0x1C01  }
0x4d: {  	[timem:s3], [sflag:s2] =	dma.local @!p0 [hbm:s0], s1  }
0x4e: {  	s0 =	simm.s32 @!p0 $0x1  }
0x4f: {  	_ =	swait.ge @!p0 [sflag:s0], s1  }
0x50: {  	s1 =	ssub.s32 @!p0 $0x0, s1;
	[sflag:s0] =	ssyncset.done @!p0 $0x0  }
0x51: {  	[sflag:s0] =	ssyncadd.s32 @!p0 s1  }
0x52: {  	[bflag:$0x3] =	sbarrier.arrive $0xFFFF  }
0x53: {  	_ =	shalt  }

</sc_bundles>
